<compile_context>
chip_gen: v7x
topology: tpu7x:2x2x1
jax: 0.10.2.dev20260603
libtpu: 0.0.44.dev20260713+nightly
codegen_flags: <defaults>
</compile_context>

<pallas_src>
import functools

import jax
import jax.numpy as jnp
from jax import lax
from jax.experimental import pallas as pl
from jax.experimental.pallas import tpu as pltpu
from jax.experimental.pallas import tpu_sc as plsc

RESO = 128
CHUNK = 4000
LANES = 16
UNROLL = 5
TAB_ROWS = 16


def _table_body(off_ref, x_ref, y_ref, z_ref, tab_ref):
    f32 = jnp.float32
    row = lax.broadcasted_iota(jnp.int32, (RESO, RESO), 0)
    col = lax.broadcasted_iota(jnp.int32, (RESO, RESO), 1)
    cum = (row <= col).astype(f32)
    shf = (row == col - 1).astype(f32)
    kpos = (lax.broadcasted_iota(jnp.int32, (1, RESO), 1) > 0).astype(f32)
    oneh0 = 1.0 - kpos

    def dot(a, b):
        return jnp.dot(a, b, preferred_element_type=f32)

    for t, l_ref in enumerate((x_ref, y_ref, z_ref)):
        l = l_ref[...]
        off_t = off_ref[t]
        l_m1 = dot(l, shf)
        d = 2.0 * (l_m1 + l * kpos) + off_t * oneh0
        a = dot(d, cum)
        a_m1 = dot(a, shf)
        e = 3.0 * l_m1 + l * kpos + 2.0 * a_m1
        a6 = dot(e, cum)
        if t == 0:
            a6 = a6 + off_ref[3]
        tab_ref[pl.ds(t, 1), :] = l
        tab_ref[pl.ds(3 + t, 1), :] = a
        tab_ref[pl.ds(6 + t, 1), :] = a6
    tab_ref[pl.ds(9, TAB_ROWS - 9), :] = jnp.zeros(
        (TAB_ROWS - 9, RESO), f32)


def _build_tables(offset, x_l, y_l, z_l):
    return pl.pallas_call(
        _table_body,
        out_shape=jax.ShapeDtypeStruct((TAB_ROWS, RESO), jnp.float32),
        in_specs=[
            pl.BlockSpec(memory_space=pltpu.SMEM),
            pl.BlockSpec(),
            pl.BlockSpec(),
            pl.BlockSpec(),
        ],
        out_specs=pl.BlockSpec(),
    )(offset, x_l.reshape(1, RESO), y_l.reshape(1, RESO),
      z_l.reshape(1, RESO))


def _rsqrt(x):
    i = lax.bitcast_convert_type(x, jnp.int32)
    y = lax.bitcast_convert_type(jnp.int32(0x5F3759DF) - (i >> 1), jnp.float32)
    xh = 0.5 * x
    for _ in range(2):
        y = y * (1.5 - xh * y * y)
    return y


def _full(v):
    return jnp.full((LANES,), v, jnp.int32)


def _sc_phase(sdf_mode, n, mesh, num_cores, num_workers, n_chunks, n_rounds):
    n_out = 1 if sdf_mode else 3

    @functools.partial(
        pl.kernel,
        out_type=tuple(jax.ShapeDtypeStruct((n,), jnp.float32)
                       for _ in range(n_out)),
        mesh=mesh,
        compiler_params=pltpu.CompilerParams(needs_layout_passes=False),
        scratch_types=(
            [pltpu.VMEM((TAB_ROWS * RESO,), jnp.float32)]
            + [pltpu.VMEM((CHUNK,), jnp.int32) if k % 4 == 0 else
               pltpu.VMEM((CHUNK,), jnp.float32) for k in range(8)]
            + [pltpu.VMEM((CHUNK,), jnp.float32) for _ in range(2 * n_out)]
            + [pltpu.SemaphoreType.DMA for _ in range(4)]
        ),
    )
    def run(px_h, py_h, pz_h, idx_h, tab_hbm, *rest):
        outs = rest[:n_out]
        tab = rest[n_out]
        bufs = rest[n_out + 1:n_out + 9]
        obufs = rest[n_out + 9:n_out + 9 + 2 * n_out]
        in_sems = rest[-4:-2]
        out_sems = rest[-2:]
        pltpu.sync_copy(tab_hbm, tab)
        in_bufs = (bufs[0:4], bufs[4:8])
        out_bufs = (obufs[0:n_out], obufs[n_out:])

        wid = lax.axis_index("s") * num_cores + lax.axis_index("c")

        def chunk_j(r):
            return wid + r * num_workers

        def in_srcs(sl):
            return (idx_h.at[sl], px_h.at[sl], py_h.at[sl], pz_h.at[sl])

        def out_pairs(j, b):
            sl = pl.ds(j * CHUNK, CHUNK)
            return tuple((o, outs[k].at[sl]) for k, o in enumerate(out_bufs[b]))

        def fire_ins(r, b):
            j = chunk_j(r)

            @pl.when(j < n_chunks)
            def _():
                sl = pl.ds(j * CHUNK, CHUNK)
                for s_ref, d_ref in zip(in_srcs(sl), in_bufs[b]):
                    pltpu.async_copy(s_ref, d_ref, in_sems[b])

        def wait_ins(r, b):
            j = chunk_j(r)

            @pl.when(j < n_chunks)
            def _():
                sl = pl.ds(j * CHUNK, CHUNK)
                for s_ref, d_ref in zip(in_srcs(sl), in_bufs[b]):
                    pltpu.make_async_copy(s_ref, d_ref, in_sems[b]).wait()

        def wait_outs(r, b):
            j = chunk_j(r)

            @pl.when((j >= 0) & (j < n_chunks))
            def _():
                for s_ref, d_ref in out_pairs(j, b):
                    pltpu.make_async_copy(s_ref, d_ref, out_sems[b]).wait()

        def compute(r, b):
            j = chunk_j(r)

            @pl.when(j < n_chunks)
            def _():
                sl = pl.ds(j * CHUNK, CHUNK)
                bi, bx, by, bz = in_bufs[b]
                ob = out_bufs[b]

                def decode(s):
                    idxv = bi[pl.ds(s, 16)]
                    xv = idxv & (RESO - 1)
                    yv = ((idxv >> 7) & (RESO - 1)) + 1 * RESO
                    zv = (idxv >> 14) + 2 * RESO
                    return (xv, yv, zv, bx[pl.ds(s, 16)],
                            by[pl.ds(s, 16)], bz[pl.ds(s, 16)])

                def sdf_vec(s):
                    xv, yv, zv, px, py, pz = decode(s)
                    a0 = plsc.load_gather(tab, [xv]) * px
                    a1 = plsc.load_gather(tab, [yv]) * py
                    a2 = plsc.load_gather(tab, [zv]) * pz
                    a3 = plsc.load_gather(tab, [xv + 3 * RESO])
                    a4 = plsc.load_gather(tab, [yv + 3 * RESO])
                    a5 = plsc.load_gather(tab, [zv + 3 * RESO])
                    a6 = (plsc.load_gather(tab, [xv + 6 * RESO])
                          + plsc.load_gather(tab, [yv + 6 * RESO])
                          + plsc.load_gather(tab, [zv + 6 * RESO]))
                    num = ((a0 + a3) * px + (a1 + a4) * py
                           + (a2 + a5) * pz + a6)
                    u = 2.0 * a0 + a3
                    v = 2.0 * a1 + a4
                    w = 2.0 * a2 + a5
                    ob[0][pl.ds(s, 16)] = (num * _rsqrt(u * u + v * v + w * w)
                                           * (1.0 / RESO))

                def ren_vec(s):
                    xv, yv, zv, px, py, pz = decode(s)
                    g0 = 2.0 * plsc.load_gather(tab, [xv]) * px \
                        + plsc.load_gather(tab, [xv + 3 * RESO])
                    g1 = 2.0 * plsc.load_gather(tab, [yv]) * py \
                        + plsc.load_gather(tab, [yv + 3 * RESO])
                    g2 = 2.0 * plsc.load_gather(tab, [zv]) * pz \
                        + plsc.load_gather(tab, [zv + 3 * RESO])
                    rs = _rsqrt(jnp.maximum(g0 * g0 + g1 * g1 + g2 * g2,
                                            1e-24))
                    ob[0][pl.ds(s, 16)] = g0 * rs
                    ob[1][pl.ds(s, 16)] = g1 * rs
                    ob[2][pl.ds(s, 16)] = g2 * rs

                body = sdf_vec if sdf_mode else ren_vec
                plsc.parallel_loop(0, CHUNK, LANES, unroll=UNROLL)(body)
                for o, d in out_pairs(j, b):
                    pltpu.async_copy(o, d, out_sems[b])

        def step(r, b):
            fire_ins(r + 1, 1 - b)
            wait_ins(r, b)
            wait_outs(r - 2, b)
            compute(r, b)

        fire_ins(jnp.int32(0), 0)

        def pair_body(rr, carry_):
            r = 2 * rr
            step(r, 0)
            step(r + 1, 1)
            return carry_

        lax.fori_loop(0, n_rounds // 2, pair_body, 0)
        wait_outs(jnp.int32(n_rounds - 2), 0)
        wait_outs(jnp.int32(n_rounds - 1), 1)

    return run


def kernel(renderPointList, renderIndexList, sdfPointList, sdfIndexList,
           xLayer, yLayer, zLayer, offset):
    n = sdfPointList.shape[0]
    assert n % CHUNK == 0
    n_chunks = n // CHUNK

    mesh = plsc.VectorSubcoreMesh(core_axis_name="c", subcore_axis_name="s")
    num_cores = mesh.num_cores
    num_workers = num_cores * mesh.num_subcores
    n_rounds = -(-n_chunks // num_workers)
    n_rounds += n_rounds % 2

    run_sdf = _sc_phase(True, n, mesh, num_cores, num_workers,
                        n_chunks, n_rounds)
    run_ren = _sc_phase(False, n, mesh, num_cores, num_workers,
                        n_chunks, n_rounds)

    tab = _build_tables(offset, xLayer, yLayer, zLayer).reshape(-1)
    rT = renderPointList.T
    n0, n1, n2 = run_ren(rT[0], rT[1], rT[2], renderIndexList, tab)
    sT = sdfPointList.T
    (sdf_list,) = run_sdf(sT[0], sT[1], sT[2], sdfIndexList, tab)
    return (sdf_list, jnp.stack([n0, n1, n2], axis=1))

# --- scband reference (transcript-rebuilt; emitter-appended) ---
"""Pipeline reference for scband-quadric-grid-torch-34239479283919 (READ-ONLY COPY).

The authoritative reference and input builder live on the scoring server;
editing this copy changes nothing except your own understanding.
"""

import jax, jax.numpy as jnp
import numpy as np

RESO = 128
N_PTS = 2000000


def _prefix(layer, off):
    d = jnp.concatenate([jnp.array([off], dtype=layer.dtype), 2.0 * layer[:-1] + 2.0 * layer[1:]])
    a = jnp.cumsum(d)
    e = jnp.concatenate([jnp.zeros((1,), dtype=layer.dtype), 3.0 * layer[:-1] + layer[1:] + 2.0 * a[:-1]])
    a6 = jnp.cumsum(e)
    return a, a6


def _build_grid(xLayer, yLayer, zLayer, offset):
    reso = xLayer.shape[0]
    a3, a6x = _prefix(xLayer, offset[0])
    a4, a6y = _prefix(yLayer, offset[1])
    a5, a6z = _prefix(zLayer, offset[2])
    ones = jnp.ones((reso, reso, reso), dtype=xLayer.dtype)
    c0 = ones * xLayer[None, None, :]
    c1 = ones * yLayer[None, :, None]
    c2 = ones * zLayer[:, None, None]
    c3 = ones * a3[None, None, :]
    c4 = ones * a4[None, :, None]
    c5 = ones * a5[:, None, None]
    c6 = offset[3] + a6x[None, None, :] + a6y[None, :, None] + a6z[:, None, None]
    c6 = ones * c6
    grid = jnp.stack([c0, c1, c2, c3, c4, c5, c6], axis=-1)
    return grid.reshape(-1)


def setup_inputs(seed: int = 0) -> dict:
    key = jax.random.key(seed)
    k1, k2, k3, k4 = jax.random.split(key, 4)
    reso = RESO
    renderPointList = jax.random.normal(k1, (N_PTS, 3), dtype=jnp.float32)
    renderIndexList = jax.random.randint(k2, (N_PTS,), 0, reso ** 3)
    sdfPointList = jax.random.normal(k3, (N_PTS, 3), dtype=jnp.float32)
    sdfIndexList = jax.random.randint(k4, (N_PTS,), 0, reso ** 3)
    xLayer = jnp.ones((reso,), dtype=jnp.float32)
    yLayer = jnp.ones((reso,), dtype=jnp.float32)
    zLayer = jnp.ones((reso,), dtype=jnp.float32)
    radius = 1.0 * reso
    c = 1.0 - reso
    offset = jnp.array([2.0 * c, 2.0 * c, 2.0 * c, 3.0 * c * c - radius * radius], dtype=jnp.float32)
    return {"renderPointList": renderPointList, "renderIndexList": renderIndexList, "sdfPointList": sdfPointList, "sdfIndexList": sdfIndexList, "xLayer": xLayer, "yLayer": yLayer, "zLayer": zLayer, "offset": offset}


def reference(renderPointList, renderIndexList, sdfPointList, sdfIndexList, xLayer, yLayer, zLayer, offset):
    reso = xLayer.shape[0]
    sdfGrid = _build_grid(xLayer, yLayer, zLayer, offset)
    index = sdfIndexList * 7
    a0 = jnp.take(sdfGrid, index) * sdfPointList[:, 0]
    a1 = jnp.take(sdfGrid, index + 1) * sdfPointList[:, 1]
    a2 = jnp.take(sdfGrid, index + 2) * sdfPointList[:, 2]
    a3 = jnp.take(sdfGrid, index + 3)
    a4 = jnp.take(sdfGrid, index + 4)
    a5 = jnp.take(sdfGrid, index + 5)
    a6 = jnp.take(sdfGrid, index + 6)
    sdfList = ((a0 + a3) * sdfPointList[:, 0] + (a1 + a4) * sdfPointList[:, 1] + (a2 + a5) * sdfPointList[:, 2] + a6) / jnp.sqrt((2.0 * a0 + a3) * (2.0 * a0 + a3) + (2.0 * a1 + a4) * (2.0 * a1 + a4) + (2.0 * a2 + a5) * (2.0 * a2 + a5)) / reso
    index2 = renderIndexList * 7
    g0 = 2.0 * jnp.take(sdfGrid, index2) * renderPointList[:, 0] + jnp.take(sdfGrid, index2 + 3)
    g1 = 2.0 * jnp.take(sdfGrid, index2 + 1) * renderPointList[:, 1] + jnp.take(sdfGrid, index2 + 4)
    g2 = 2.0 * jnp.take(sdfGrid, index2 + 2) * renderPointList[:, 2] + jnp.take(sdfGrid, index2 + 5)
    a = jnp.stack([g0, g1, g2], axis=1)
    nrm = jnp.maximum(jnp.linalg.norm(a, axis=1, keepdims=True), 1e-12)
    normalList = a / nrm
    return (sdfList, normalList)

if __name__ == "__main__":
    import jax
    _d = setup_inputs()
    print(jax.jit(kernel)(*tuple(_d.values())))

</pallas_src>

<mosaic_0001>
#map = affine_map<(d0, d1) -> (0)>
module attributes {stable_mosaic.version = 14 : i64} {
  func.func @run(%arg0: i32, %arg1: i32, %arg2: memref<2000000xf32, #tpu.memory_space<hbm>>, %arg3: memref<2000000xf32, #tpu.memory_space<hbm>>, %arg4: memref<2000000xf32, #tpu.memory_space<hbm>>, %arg5: memref<2000000xi32, #tpu.memory_space<hbm>>, %arg6: memref<2048xf32, #tpu.memory_space<hbm>>, %arg7: memref<2000000xf32, #tpu.memory_space<hbm>>, %arg8: memref<2000000xf32, #tpu.memory_space<hbm>>, %arg9: memref<2000000xf32, #tpu.memory_space<hbm>>, %arg10: memref<2048xf32, #tpu.memory_space<vmem>>, %arg11: memref<4000xi32, #tpu.memory_space<vmem>>, %arg12: memref<4000xf32, #tpu.memory_space<vmem>>, %arg13: memref<4000xf32, #tpu.memory_space<vmem>>, %arg14: memref<4000xf32, #tpu.memory_space<vmem>>, %arg15: memref<4000xi32, #tpu.memory_space<vmem>>, %arg16: memref<4000xf32, #tpu.memory_space<vmem>>, %arg17: memref<4000xf32, #tpu.memory_space<vmem>>, %arg18: memref<4000xf32, #tpu.memory_space<vmem>>, %arg19: memref<4000xf32, #tpu.memory_space<vmem>>, %arg20: memref<4000xf32, #tpu.memory_space<vmem>>, %arg21: memref<4000xf32, #tpu.memory_space<vmem>>, %arg22: memref<4000xf32, #tpu.memory_space<vmem>>, %arg23: memref<4000xf32, #tpu.memory_space<vmem>>, %arg24: memref<4000xf32, #tpu.memory_space<vmem>>, %arg25: memref<!tpu.dma_semaphore, #tpu.memory_space<semaphore_mem>>, %arg26: memref<!tpu.dma_semaphore, #tpu.memory_space<semaphore_mem>>, %arg27: memref<!tpu.dma_semaphore, #tpu.memory_space<semaphore_mem>>, %arg28: memref<!tpu.dma_semaphore, #tpu.memory_space<semaphore_mem>>) attributes {dimension_semantics = [#tpu.dimension_semantics<core_parallel>, #tpu.dimension_semantics<subcore_parallel>], iteration_bounds = array<i64: 2, 16>, scalar_prefetch = 0 : i64, scratch_operands = 19 : i64, tpu.core_type = #tpu.core_type<sc_vector_subcore>, window_params = [{transform_indices = #map}, {transform_indices = #map}, {transform_indices = #map}, {transform_indices = #map}, {transform_indices = #map}, {transform_indices = #map}, {transform_indices = #map}, {transform_indices = #map}]} {
    "tpu.region"() ({
      %run_scoped3A = tpu.sem_alloc : memref<!tpu.dma_semaphore, #tpu.memory_space<semaphore_mem>>
      tpu.enqueue_dma source(%arg6 : memref<2048xf32, #tpu.memory_space<hbm>>) target(%arg10 : memref<2048xf32, #tpu.memory_space<vmem>>) target_semaphore(%run_scoped3A : memref<!tpu.dma_semaphore, #tpu.memory_space<semaphore_mem>>)
      tpu.wait_dma2 semaphore(%run_scoped3A : memref<!tpu.dma_semaphore, #tpu.memory_space<semaphore_mem>>) src(%arg6 : memref<2048xf32, #tpu.memory_space<hbm>>) dst(%arg10 : memref<2048xf32, #tpu.memory_space<vmem>>)
      tpu.yield
    }) : () -> ()
    %mul3A = arith.constant 2 : i32
    %mul3A_0 = arith.muli %arg1, %mul3A : i32
    %add3A = arith.addi %mul3A_0, %arg0 : i32
    %mul3A_1 = arith.constant 0 : i32
    %mul3A_2 = arith.constant 32 : i32
    %mul3A_3 = arith.muli %mul3A_1, %mul3A_2 : i32
    %add3A_4 = arith.addi %add3A, %mul3A_3 : i32
    %lt3A = arith.constant 500 : i32
    %lt3A_5 = arith.cmpi slt, %add3A_4, %lt3A : i32
    %convert_element_type3A = arith.extui %lt3A_5 : i1 to i32
    %cond3A = arith.constant 0 : i32
    %cond3A_6 = arith.cmpi ne, %convert_element_type3A, %cond3A : i32
    scf.if %cond3A_6 {
      %mul3A_34 = arith.constant 4000 : i32
      %mul3A_35 = arith.muli %add3A_4, %mul3A_34 : i32
      %dma_start3A = tpu.memref_slice %arg5[%mul3A_35] : memref<2000000xi32, #tpu.memory_space<hbm>> -> memref<4000xi32, #tpu.memory_space<hbm>>
      %dma_start3A_36 = tpu.memref_slice %arg5[%mul3A_35] : memref<2000000xi32, #tpu.memory_space<hbm>> -> memref<4000xi32, #tpu.memory_space<hbm>>
      tpu.enqueue_dma source(%dma_start3A_36 : memref<4000xi32, #tpu.memory_space<hbm>>) target(%arg11 : memref<4000xi32, #tpu.memory_space<vmem>>) target_semaphore(%arg25 : memref<!tpu.dma_semaphore, #tpu.memory_space<semaphore_mem>>)
      %dma_start3A_37 = tpu.memref_slice %arg2[%mul3A_35] : memref<2000000xf32, #tpu.memory_space<hbm>> -> memref<4000xf32, #tpu.memory_space<hbm>>
      %dma_start3A_38 = tpu.memref_slice %arg2[%mul3A_35] : memref<2000000xf32, #tpu.memory_space<hbm>> -> memref<4000xf32, #tpu.memory_space<hbm>>
      tpu.enqueue_dma source(%dma_start3A_38 : memref<4000xf32, #tpu.memory_space<hbm>>) target(%arg12 : memref<4000xf32, #tpu.memory_space<vmem>>) target_semaphore(%arg25 : memref<!tpu.dma_semaphore, #tpu.memory_space<semaphore_mem>>)
      %dma_start3A_39 = tpu.memref_slice %arg3[%mul3A_35] : memref<2000000xf32, #tpu.memory_space<hbm>> -> memref<4000xf32, #tpu.memory_space<hbm>>
      %dma_start3A_40 = tpu.memref_slice %arg3[%mul3A_35] : memref<2000000xf32, #tpu.memory_space<hbm>> -> memref<4000xf32, #tpu.memory_space<hbm>>
      tpu.enqueue_dma source(%dma_start3A_40 : memref<4000xf32, #tpu.memory_space<hbm>>) target(%arg13 : memref<4000xf32, #tpu.memory_space<vmem>>) target_semaphore(%arg25 : memref<!tpu.dma_semaphore, #tpu.memory_space<semaphore_mem>>)
      %dma_start3A_41 = tpu.memref_slice %arg4[%mul3A_35] : memref<2000000xf32, #tpu.memory_space<hbm>> -> memref<4000xf32, #tpu.memory_space<hbm>>
      %dma_start3A_42 = tpu.memref_slice %arg4[%mul3A_35] : memref<2000000xf32, #tpu.memory_space<hbm>> -> memref<4000xf32, #tpu.memory_space<hbm>>
      tpu.enqueue_dma source(%dma_start3A_42 : memref<4000xf32, #tpu.memory_space<hbm>>) target(%arg14 : memref<4000xf32, #tpu.memory_space<vmem>>) target_semaphore(%arg25 : memref<!tpu.dma_semaphore, #tpu.memory_space<semaphore_mem>>)
    } else {
    }
    %scan3A = arith.constant 0 : i32
    %scan3A_7 = arith.constant 0 : i32
    %scan3A_8 = arith.constant 8 : i32
    %scan3A_9 = arith.addi %scan3A_7, %scan3A_8 : i32
    %scan3A_10 = arith.constant 1 : i32
    scf.for %scan3A_34 = %scan3A_7 to %scan3A_9 step %scan3A_10  : i32 {
      %mul3A_35 = arith.constant 2 : i32
      %mul3A_36 = arith.muli %mul3A_35, %scan3A_34 : i32
      %add3A_37 = arith.constant 1 : i32
      %add3A_38 = arith.addi %mul3A_36, %add3A_37 : i32
      %mul3A_39 = arith.constant 32 : i32
      %mul3A_40 = arith.muli %add3A_38, %mul3A_39 : i32
      %add3A_41 = arith.addi %add3A, %mul3A_40 : i32
      %lt3A_42 = arith.constant 500 : i32
      %lt3A_43 = arith.cmpi slt, %add3A_41, %lt3A_42 : i32
      %convert_element_type3A_44 = arith.extui %lt3A_43 : i1 to i32
      %cond3A_45 = arith.constant 0 : i32
      %cond3A_46 = arith.cmpi ne, %convert_element_type3A_44, %cond3A_45 : i32
      scf.if %cond3A_46 {
        %mul3A_116 = arith.constant 4000 : i32
        %mul3A_117 = arith.muli %add3A_41, %mul3A_116 : i32
        %dma_start3A = tpu.memref_slice %arg5[%mul3A_117] : memref<2000000xi32, #tpu.memory_space<hbm>> -> memref<4000xi32, #tpu.memory_space<hbm>>
        %dma_start3A_118 = tpu.memref_slice %arg5[%mul3A_117] : memref<2000000xi32, #tpu.memory_space<hbm>> -> memref<4000xi32, #tpu.memory_space<hbm>>
        tpu.enqueue_dma source(%dma_start3A_118 : memref<4000xi32, #tpu.memory_space<hbm>>) target(%arg15 : memref<4000xi32, #tpu.memory_space<vmem>>) target_semaphore(%arg26 : memref<!tpu.dma_semaphore, #tpu.memory_space<semaphore_mem>>)
        %dma_start3A_119 = tpu.memref_slice %arg2[%mul3A_117] : memref<2000000xf32, #tpu.memory_space<hbm>> -> memref<4000xf32, #tpu.memory_space<hbm>>
        %dma_start3A_120 = tpu.memref_slice %arg2[%mul3A_117] : memref<2000000xf32, #tpu.memory_space<hbm>> -> memref<4000xf32, #tpu.memory_space<hbm>>
        tpu.enqueue_dma source(%dma_start3A_120 : memref<4000xf32, #tpu.memory_space<hbm>>) target(%arg16 : memref<4000xf32, #tpu.memory_space<vmem>>) target_semaphore(%arg26 : memref<!tpu.dma_semaphore, #tpu.memory_space<semaphore_mem>>)
        %dma_start3A_121 = tpu.memref_slice %arg3[%mul3A_117] : memref<2000000xf32, #tpu.memory_space<hbm>> -> memref<4000xf32, #tpu.memory_space<hbm>>
        %dma_start3A_122 = tpu.memref_slice %arg3[%mul3A_117] : memref<2000000xf32, #tpu.memory_space<hbm>> -> memref<4000xf32, #tpu.memory_space<hbm>>
        tpu.enqueue_dma source(%dma_start3A_122 : memref<4000xf32, #tpu.memory_space<hbm>>) target(%arg17 : memref<4000xf32, #tpu.memory_space<vmem>>) target_semaphore(%arg26 : memref<!tpu.dma_semaphore, #tpu.memory_space<semaphore_mem>>)
        %dma_start3A_123 = tpu.memref_slice %arg4[%mul3A_117] : memref<2000000xf32, #tpu.memory_space<hbm>> -> memref<4000xf32, #tpu.memory_space<hbm>>
        %dma_start3A_124 = tpu.memref_slice %arg4[%mul3A_117] : memref<2000000xf32, #tpu.memory_space<hbm>> -> memref<4000xf32, #tpu.memory_space<hbm>>
        tpu.enqueue_dma source(%dma_start3A_124 : memref<4000xf32, #tpu.memory_space<hbm>>) target(%arg18 : memref<4000xf32, #tpu.memory_space<vmem>>) target_semaphore(%arg26 : memref<!tpu.dma_semaphore, #tpu.memory_space<semaphore_mem>>)
      } else {
      }
      %mul3A_47 = arith.constant 32 : i32
      %mul3A_48 = arith.muli %mul3A_36, %mul3A_47 : i32
      %add3A_49 = arith.addi %add3A, %mul3A_48 : i32
      %lt3A_50 = arith.constant 500 : i32
      %lt3A_51 = arith.cmpi slt, %add3A_49, %lt3A_50 : i32
      %convert_element_type3A_52 = arith.extui %lt3A_51 : i1 to i32
      %cond3A_53 = arith.constant 0 : i32
      %cond3A_54 = arith.cmpi ne, %convert_element_type3A_52, %cond3A_53 : i32
      scf.if %cond3A_54 {
        %mul3A_116 = arith.constant 4000 : i32
        %mul3A_117 = arith.muli %add3A_49, %mul3A_116 : i32
        %dma_wait3A = tpu.memref_slice %arg5[%mul3A_117] : memref<2000000xi32, #tpu.memory_space<hbm>> -> memref<4000xi32, #tpu.memory_space<hbm>>
        %dma_wait3A_118 = tpu.memref_slice %arg5[%mul3A_117] : memref<2000000xi32, #tpu.memory_space<hbm>> -> memref<4000xi32, #tpu.memory_space<hbm>>
        tpu.wait_dma2 semaphore(%arg25 : memref<!tpu.dma_semaphore, #tpu.memory_space<semaphore_mem>>) src(%dma_wait3A_118 : memref<4000xi32, #tpu.memory_space<hbm>>) dst(%arg11 : memref<4000xi32, #tpu.memory_space<vmem>>)
        %dma_wait3A_119 = tpu.memref_slice %arg2[%mul3A_117] : memref<2000000xf32, #tpu.memory_space<hbm>> -> memref<4000xf32, #tpu.memory_space<hbm>>
        %dma_wait3A_120 = tpu.memref_slice %arg2[%mul3A_117] : memref<2000000xf32, #tpu.memory_space<hbm>> -> memref<4000xf32, #tpu.memory_space<hbm>>
        tpu.wait_dma2 semaphore(%arg25 : memref<!tpu.dma_semaphore, #tpu.memory_space<semaphore_mem>>) src(%dma_wait3A_120 : memref<4000xf32, #tpu.memory_space<hbm>>) dst(%arg12 : memref<4000xf32, #tpu.memory_space<vmem>>)
        %dma_wait3A_121 = tpu.memref_slice %arg3[%mul3A_117] : memref<2000000xf32, #tpu.memory_space<hbm>> -> memref<4000xf32, #tpu.memory_space<hbm>>
        %dma_wait3A_122 = tpu.memref_slice %arg3[%mul3A_117] : memref<2000000xf32, #tpu.memory_space<hbm>> -> memref<4000xf32, #tpu.memory_space<hbm>>
        tpu.wait_dma2 semaphore(%arg25 : memref<!tpu.dma_semaphore, #tpu.memory_space<semaphore_mem>>) src(%dma_wait3A_122 : memref<4000xf32, #tpu.memory_space<hbm>>) dst(%arg13 : memref<4000xf32, #tpu.memory_space<vmem>>)
        %dma_wait3A_123 = tpu.memref_slice %arg4[%mul3A_117] : memref<2000000xf32, #tpu.memory_space<hbm>> -> memref<4000xf32, #tpu.memory_space<hbm>>
        %dma_wait3A_124 = tpu.memref_slice %arg4[%mul3A_117] : memref<2000000xf32, #tpu.memory_space<hbm>> -> memref<4000xf32, #tpu.memory_space<hbm>>
        tpu.wait_dma2 semaphore(%arg25 : memref<!tpu.dma_semaphore, #tpu.memory_space<semaphore_mem>>) src(%dma_wait3A_124 : memref<4000xf32, #tpu.memory_space<hbm>>) dst(%arg14 : memref<4000xf32, #tpu.memory_space<vmem>>)
      } else {
      }
      %sub3A = arith.constant 2 : i32
      %sub3A_55 = arith.subi %mul3A_36, %sub3A : i32
      %mul3A_56 = arith.constant 32 : i32
      %mul3A_57 = arith.muli %sub3A_55, %mul3A_56 : i32
      %add3A_58 = arith.addi %add3A, %mul3A_57 : i32
      %ge3A_59 = arith.constant 0 : i32
      %ge3A_60 = arith.cmpi sge, %add3A_58, %ge3A_59 : i32
      %lt3A_61 = arith.constant 500 : i32
      %lt3A_62 = arith.cmpi slt, %add3A_58, %lt3A_61 : i32
      %and3A_63 = arith.andi %ge3A_60, %lt3A_62 : i1
      %convert_element_type3A_64 = arith.extui %and3A_63 : i1 to i32
      %cond3A_65 = arith.constant 0 : i32
      %cond3A_66 = arith.cmpi ne, %convert_element_type3A_64, %cond3A_65 : i32
      scf.if %cond3A_66 {
        %mul3A_116 = arith.constant 4000 : i32
        %mul3A_117 = arith.muli %add3A_58, %mul3A_116 : i32
        %dma_wait3A = tpu.memref_slice %arg7[%mul3A_117] : memref<2000000xf32, #tpu.memory_space<hbm>> -> memref<4000xf32, #tpu.memory_space<hbm>>
        %dma_wait3A_118 = tpu.memref_slice %arg7[%mul3A_117] : memref<2000000xf32, #tpu.memory_space<hbm>> -> memref<4000xf32, #tpu.memory_space<hbm>>
        tpu.wait_dma2 semaphore(%arg27 : memref<!tpu.dma_semaphore, #tpu.memory_space<semaphore_mem>>) src(%arg19 : memref<4000xf32, #tpu.memory_space<vmem>>) dst(%dma_wait3A_118 : memref<4000xf32, #tpu.memory_space<hbm>>)
        %dma_wait3A_119 = tpu.memref_slice %arg8[%mul3A_117] : memref<2000000xf32, #tpu.memory_space<hbm>> -> memref<4000xf32, #tpu.memory_space<hbm>>
        %dma_wait3A_120 = tpu.memref_slice %arg8[%mul3A_117] : memref<2000000xf32, #tpu.memory_space<hbm>> -> memref<4000xf32, #tpu.memory_space<hbm>>
        tpu.wait_dma2 semaphore(%arg27 : memref<!tpu.dma_semaphore, #tpu.memory_space<semaphore_mem>>) src(%arg20 : memref<4000xf32, #tpu.memory_space<vmem>>) dst(%dma_wait3A_120 : memref<4000xf32, #tpu.memory_space<hbm>>)
        %dma_wait3A_121 = tpu.memref_slice %arg9[%mul3A_117] : memref<2000000xf32, #tpu.memory_space<hbm>> -> memref<4000xf32, #tpu.memory_space<hbm>>
        %dma_wait3A_122 = tpu.memref_slice %arg9[%mul3A_117] : memref<2000000xf32, #tpu.memory_space<hbm>> -> memref<4000xf32, #tpu.memory_space<hbm>>
        tpu.wait_dma2 semaphore(%arg27 : memref<!tpu.dma_semaphore, #tpu.memory_space<semaphore_mem>>) src(%arg21 : memref<4000xf32, #tpu.memory_space<vmem>>) dst(%dma_wait3A_122 : memref<4000xf32, #tpu.memory_space<hbm>>)
      } else {
      }
      %mul3A_67 = arith.constant 32 : i32
      %mul3A_68 = arith.muli %mul3A_36, %mul3A_67 : i32
      %add3A_69 = arith.addi %add3A, %mul3A_68 : i32
      %lt3A_70 = arith.constant 500 : i32
      %lt3A_71 = arith.cmpi slt, %add3A_69, %lt3A_70 : i32
      %convert_element_type3A_72 = arith.extui %lt3A_71 : i1 to i32
      %cond3A_73 = arith.constant 0 : i32
      %cond3A_74 = arith.cmpi ne, %convert_element_type3A_72, %cond3A_73 : i32
      scf.if %cond3A_74 {
        %mul3A_116 = arith.constant 4000 : i32
        %mul3A_117 = arith.muli %add3A_69, %mul3A_116 : i32
        %parallel_loop3A = arith.constant 0 : i32
        %parallel_loop3A_118 = arith.constant 4000 : i32
        %parallel_loop3A_119 = arith.constant 16 : i32
        scf.for %parallel_loop3A_127 = %parallel_loop3A to %parallel_loop3A_118 step %parallel_loop3A_119  : i32 {
          %parallel_loop3A_128 = arith.index_cast %parallel_loop3A_127 : i32 to index
          %parallel_loop3A_129 = tpu.vector_load %arg11[%parallel_loop3A_128] {strides = array<i32>} : memref<4000xi32, #tpu.memory_space<vmem>>, vector<16xi32>,
          %parallel_loop3A_130 = arith.constant 127 : i32
          %parallel_loop3A_131 = vector.broadcast %parallel_loop3A_130 : i32 to vector<16xi32>
          %parallel_loop3A_132 = arith.andi %parallel_loop3A_129, %parallel_loop3A_131 : vector<16xi32>
          %parallel_loop3A_133 = arith.constant 7 : i32
          %parallel_loop3A_134 = vector.broadcast %parallel_loop3A_133 : i32 to vector<16xi32>
          %parallel_loop3A_135 = arith.shrsi %parallel_loop3A_129, %parallel_loop3A_134 : vector<16xi32>
          %parallel_loop3A_136 = arith.constant 127 : i32
          %parallel_loop3A_137 = vector.broadcast %parallel_loop3A_136 : i32 to vector<16xi32>
          %parallel_loop3A_138 = arith.andi %parallel_loop3A_135, %parallel_loop3A_137 : vector<16xi32>
          %parallel_loop3A_139 = arith.constant 128 : i32
          %parallel_loop3A_140 = vector.broadcast %parallel_loop3A_139 : i32 to vector<16xi32>
          %parallel_loop3A_141 = arith.addi %parallel_loop3A_138, %parallel_loop3A_140 : vector<16xi32>
          %parallel_loop3A_142 = arith.constant 14 : i32
          %parallel_loop3A_143 = vector.broadcast %parallel_loop3A_142 : i32 to vector<16xi32>
          %parallel_loop3A_144 = arith.shrsi %parallel_loop3A_129, %parallel_loop3A_143 : vector<16xi32>
          %parallel_loop3A_145 = arith.constant 256 : i32
          %parallel_loop3A_146 = vector.broadcast %parallel_loop3A_145 : i32 to vector<16xi32>
          %parallel_loop3A_147 = arith.addi %parallel_loop3A_144, %parallel_loop3A_146 : vector<16xi32>
          %parallel_loop3A_148 = arith.index_cast %parallel_loop3A_127 : i32 to index
          %parallel_loop3A_149 = tpu.vector_load %arg12[%parallel_loop3A_148] {strides = array<i32>} : memref<4000xf32, #tpu.memory_space<vmem>>, vector<16xf32>,
          %parallel_loop3A_150 = arith.index_cast %parallel_loop3A_127 : i32 to index
          %parallel_loop3A_151 = tpu.vector_load %arg13[%parallel_loop3A_150] {strides = array<i32>} : memref<4000xf32, #tpu.memory_space<vmem>>, vector<16xf32>,
          %parallel_loop3A_152 = arith.index_cast %parallel_loop3A_127 : i32 to index
          %parallel_loop3A_153 = tpu.vector_load %arg14[%parallel_loop3A_152] {strides = array<i32>} : memref<4000xf32, #tpu.memory_space<vmem>>, vector<16xf32>,
          %parallel_loop3A_154 = tpu.vector_load_idx %arg10[%parallel_loop3A_132] : memref<2048xf32, #tpu.memory_space<vmem>>[vector<16xi32>], vector<16xf32>,
          %parallel_loop3A_155 = arith.constant 2.000000e+00 : f32
          %parallel_loop3A_156 = vector.broadcast %parallel_loop3A_155 : f32 to vector<16xf32>
          %parallel_loop3A_157 = arith.mulf %parallel_loop3A_156, %parallel_loop3A_154 : vector<16xf32>
          %parallel_loop3A_158 = arith.mulf %parallel_loop3A_157, %parallel_loop3A_149 : vector<16xf32>
          %parallel_loop3A_159 = arith.constant 384 : i32
          %parallel_loop3A_160 = vector.broadcast %parallel_loop3A_159 : i32 to vector<16xi32>
          %parallel_loop3A_161 = arith.addi %parallel_loop3A_132, %parallel_loop3A_160 : vector<16xi32>
          %parallel_loop3A_162 = tpu.vector_load_idx %arg10[%parallel_loop3A_161] : memref<2048xf32, #tpu.memory_space<vmem>>[vector<16xi32>], vector<16xf32>,
          %parallel_loop3A_163 = arith.addf %parallel_loop3A_158, %parallel_loop3A_162 : vector<16xf32>
          %parallel_loop3A_164 = tpu.vector_load_idx %arg10[%parallel_loop3A_141] : memref<2048xf32, #tpu.memory_space<vmem>>[vector<16xi32>], vector<16xf32>,
          %parallel_loop3A_165 = arith.constant 2.000000e+00 : f32
          %parallel_loop3A_166 = vector.broadcast %parallel_loop3A_165 : f32 to vector<16xf32>
          %parallel_loop3A_167 = arith.mulf %parallel_loop3A_166, %parallel_loop3A_164 : vector<16xf32>
          %parallel_loop3A_168 = arith.mulf %parallel_loop3A_167, %parallel_loop3A_151 : vector<16xf32>
          %parallel_loop3A_169 = arith.constant 384 : i32
          %parallel_loop3A_170 = vector.broadcast %parallel_loop3A_169 : i32 to vector<16xi32>
          %parallel_loop3A_171 = arith.addi %parallel_loop3A_141, %parallel_loop3A_170 : vector<16xi32>
          %parallel_loop3A_172 = tpu.vector_load_idx %arg10[%parallel_loop3A_171] : memref<2048xf32, #tpu.memory_space<vmem>>[vector<16xi32>], vector<16xf32>,
          %parallel_loop3A_173 = arith.addf %parallel_loop3A_168, %parallel_loop3A_172 : vector<16xf32>
          %parallel_loop3A_174 = tpu.vector_load_idx %arg10[%parallel_loop3A_147] : memref<2048xf32, #tpu.memory_space<vmem>>[vector<16xi32>], vector<16xf32>,
          %parallel_loop3A_175 = arith.constant 2.000000e+00 : f32
          %parallel_loop3A_176 = vector.broadcast %parallel_loop3A_175 : f32 to vector<16xf32>
          %parallel_loop3A_177 = arith.mulf %parallel_loop3A_176, %parallel_loop3A_174 : vector<16xf32>
          %parallel_loop3A_178 = arith.mulf %parallel_loop3A_177, %parallel_loop3A_153 : vector<16xf32>
          %parallel_loop3A_179 = arith.constant 384 : i32
          %parallel_loop3A_180 = vector.broadcast %parallel_loop3A_179 : i32 to vector<16xi32>
          %parallel_loop3A_181 = arith.addi %parallel_loop3A_147, %parallel_loop3A_180 : vector<16xi32>
          %parallel_loop3A_182 = tpu.vector_load_idx %arg10[%parallel_loop3A_181] : memref<2048xf32, #tpu.memory_space<vmem>>[vector<16xi32>], vector<16xf32>,
          %parallel_loop3A_183 = arith.addf %parallel_loop3A_178, %parallel_loop3A_182 : vector<16xf32>
          %parallel_loop3A_184 = arith.mulf %parallel_loop3A_163, %parallel_loop3A_163 : vector<16xf32>
          %parallel_loop3A_185 = arith.mulf %parallel_loop3A_173, %parallel_loop3A_173 : vector<16xf32>
          %parallel_loop3A_186 = arith.addf %parallel_loop3A_184, %parallel_loop3A_185 : vector<16xf32>
          %parallel_loop3A_187 = arith.mulf %parallel_loop3A_183, %parallel_loop3A_183 : vector<16xf32>
          %parallel_loop3A_188 = arith.addf %parallel_loop3A_186, %parallel_loop3A_187 : vector<16xf32>
          %parallel_loop3A_189 = arith.constant 1.000000e-24 : f32
          %parallel_loop3A_190 = vector.broadcast %parallel_loop3A_189 : f32 to vector<16xf32>
          %parallel_loop3A_191 = arith.maximumf %parallel_loop3A_188, %parallel_loop3A_190 : vector<16xf32>
          %parallel_loop3A_192 = tpu.bitcast %parallel_loop3A_191 : vector<16xf32> -> vector<16xi32>
          %parallel_loop3A_193 = arith.constant 1 : i32
          %parallel_loop3A_194 = vector.broadcast %parallel_loop3A_193 : i32 to vector<16xi32>
          %parallel_loop3A_195 = arith.shrsi %parallel_loop3A_192, %parallel_loop3A_194 : vector<16xi32>
          %parallel_loop3A_196 = arith.constant 1597463007 : i32
          %parallel_loop3A_197 = vector.broadcast %parallel_loop3A_196 : i32 to vector<16xi32>
          %parallel_loop3A_198 = arith.subi %parallel_loop3A_197, %parallel_loop3A_195 : vector<16xi32>
          %parallel_loop3A_199 = tpu.bitcast %parallel_loop3A_198 : vector<16xi32> -> vector<16xf32>
          %parallel_loop3A_200 = arith.constant 5.000000e-01 : f32
          %parallel_loop3A_201 = vector.broadcast %parallel_loop3A_200 : f32 to vector<16xf32>
          %parallel_loop3A_202 = arith.mulf %parallel_loop3A_201, %parallel_loop3A_191 : vector<16xf32>
          %parallel_loop3A_203 = arith.mulf %parallel_loop3A_202, %parallel_loop3A_199 : vector<16xf32>
          %parallel_loop3A_204 = arith.mulf %parallel_loop3A_203, %parallel_loop3A_199 : vector<16xf32>
          %parallel_loop3A_205 = arith.constant 1.500000e+00 : f32
          %parallel_loop3A_206 = vector.broadcast %parallel_loop3A_205 : f32 to vector<16xf32>
          %parallel_loop3A_207 = arith.subf %parallel_loop3A_206, %parallel_loop3A_204 : vector<16xf32>
          %parallel_loop3A_208 = arith.mulf %parallel_loop3A_199, %parallel_loop3A_207 : vector<16xf32>
          %parallel_loop3A_209 = arith.mulf %parallel_loop3A_202, %parallel_loop3A_208 : vector<16xf32>
          %parallel_loop3A_210 = arith.mulf %parallel_loop3A_209, %parallel_loop3A_208 : vector<16xf32>
          %parallel_loop3A_211 = arith.constant 1.500000e+00 : f32
          %parallel_loop3A_212 = vector.broadcast %parallel_loop3A_211 : f32 to vector<16xf32>
          %parallel_loop3A_213 = arith.subf %parallel_loop3A_212, %parallel_loop3A_210 : vector<16xf32>
          %parallel_loop3A_214 = arith.mulf %parallel_loop3A_208, %parallel_loop3A_213 : vector<16xf32>
          %parallel_loop3A_215 = arith.mulf %parallel_loop3A_163, %parallel_loop3A_214 : vector<16xf32>
          %parallel_loop3A_216 = arith.index_cast %parallel_loop3A_127 : i32 to index
          %parallel_loop3A_217 = tpu.vector_load %arg19[%parallel_loop3A_216] {strides = array<i32>} : memref<4000xf32, #tpu.memory_space<vmem>>, vector<16xf32>,
          tpu.vector_store %arg19[%parallel_loop3A_216], %parallel_loop3A_215 {strides = array<i32>} : memref<4000xf32, #tpu.memory_space<vmem>>, vector<16xf32>,
          %parallel_loop3A_218 = arith.mulf %parallel_loop3A_173, %parallel_loop3A_214 : vector<16xf32>
          %parallel_loop3A_219 = arith.index_cast %parallel_loop3A_127 : i32 to index
          %parallel_loop3A_220 = tpu.vector_load %arg20[%parallel_loop3A_219] {strides = array<i32>} : memref<4000xf32, #tpu.memory_space<vmem>>, vector<16xf32>,
          tpu.vector_store %arg20[%parallel_loop3A_219], %parallel_loop3A_218 {strides = array<i32>} : memref<4000xf32, #tpu.memory_space<vmem>>, vector<16xf32>,
          %parallel_loop3A_221 = arith.mulf %parallel_loop3A_183, %parallel_loop3A_214 : vector<16xf32>
          %parallel_loop3A_222 = arith.index_cast %parallel_loop3A_127 : i32 to index
          %parallel_loop3A_223 = tpu.vector_load %arg21[%parallel_loop3A_222] {strides = array<i32>} : memref<4000xf32, #tpu.memory_space<vmem>>, vector<16xf32>,
          tpu.vector_store %arg21[%parallel_loop3A_222], %parallel_loop3A_221 {strides = array<i32>} : memref<4000xf32, #tpu.memory_space<vmem>>, vector<16xf32>,
        } {sc.loop_unroll_factor = 5 : i64, sc.parallel_access}
        %mul3A_120 = arith.constant 4000 : i32
        %mul3A_121 = arith.muli %add3A_69, %mul3A_120 : i32
        %dma_start3A = tpu.memref_slice %arg7[%mul3A_121] : memref<2000000xf32, #tpu.memory_space<hbm>> -> memref<4000xf32, #tpu.memory_space<hbm>>
        %dma_start3A_122 = tpu.memref_slice %arg7[%mul3A_121] : memref<2000000xf32, #tpu.memory_space<hbm>> -> memref<4000xf32, #tpu.memory_space<hbm>>
        tpu.enqueue_dma source(%arg19 : memref<4000xf32, #tpu.memory_space<vmem>>) target(%dma_start3A_122 : memref<4000xf32, #tpu.memory_space<hbm>>) target_semaphore(%arg27 : memref<!tpu.dma_semaphore, #tpu.memory_space<semaphore_mem>>)
        %dma_start3A_123 = tpu.memref_slice %arg8[%mul3A_121] : memref<2000000xf32, #tpu.memory_space<hbm>> -> memref<4000xf32, #tpu.memory_space<hbm>>
        %dma_start3A_124 = tpu.memref_slice %arg8[%mul3A_121] : memref<2000000xf32, #tpu.memory_space<hbm>> -> memref<4000xf32, #tpu.memory_space<hbm>>
        tpu.enqueue_dma source(%arg20 : memref<4000xf32, #tpu.memory_space<vmem>>) target(%dma_start3A_124 : memref<4000xf32, #tpu.memory_space<hbm>>) target_semaphore(%arg27 : memref<!tpu.dma_semaphore, #tpu.memory_space<semaphore_mem>>)
        %dma_start3A_125 = tpu.memref_slice %arg9[%mul3A_121] : memref<2000000xf32, #tpu.memory_space<hbm>> -> memref<4000xf32, #tpu.memory_space<hbm>>
        %dma_start3A_126 = tpu.memref_slice %arg9[%mul3A_121] : memref<2000000xf32, #tpu.memory_space<hbm>> -> memref<4000xf32, #tpu.memory_space<hbm>>
        tpu.enqueue_dma source(%arg21 : memref<4000xf32, #tpu.memory_space<vmem>>) target(%dma_start3A_126 : memref<4000xf32, #tpu.memory_space<hbm>>) target_semaphore(%arg27 : memref<!tpu.dma_semaphore, #tpu.memory_space<semaphore_mem>>)
      } else {
      }
      %add3A_75 = arith.constant 1 : i32
      %add3A_76 = arith.addi %mul3A_36, %add3A_75 : i32
      %add3A_77 = arith.constant 1 : i32
      %add3A_78 = arith.addi %add3A_76, %add3A_77 : i32
      %mul3A_79 = arith.constant 32 : i32
      %mul3A_80 = arith.muli %add3A_78, %mul3A_79 : i32
      %add3A_81 = arith.addi %add3A, %mul3A_80 : i32
      %lt3A_82 = arith.constant 500 : i32
      %lt3A_83 = arith.cmpi slt, %add3A_81, %lt3A_82 : i32
      %convert_element_type3A_84 = arith.extui %lt3A_83 : i1 to i32
      %cond3A_85 = arith.constant 0 : i32
      %cond3A_86 = arith.cmpi ne, %convert_element_type3A_84, %cond3A_85 : i32
      scf.if %cond3A_86 {
        %mul3A_116 = arith.constant 4000 : i32
        %mul3A_117 = arith.muli %add3A_81, %mul3A_116 : i32
        %dma_start3A = tpu.memref_slice %arg5[%mul3A_117] : memref<2000000xi32, #tpu.memory_space<hbm>> -> memref<4000xi32, #tpu.memory_space<hbm>>
        %dma_start3A_118 = tpu.memref_slice %arg5[%mul3A_117] : memref<2000000xi32, #tpu.memory_space<hbm>> -> memref<4000xi32, #tpu.memory_space<hbm>>
        tpu.enqueue_dma source(%dma_start3A_118 : memref<4000xi32, #tpu.memory_space<hbm>>) target(%arg11 : memref<4000xi32, #tpu.memory_space<vmem>>) target_semaphore(%arg25 : memref<!tpu.dma_semaphore, #tpu.memory_space<semaphore_mem>>)
        %dma_start3A_119 = tpu.memref_slice %arg2[%mul3A_117] : memref<2000000xf32, #tpu.memory_space<hbm>> -> memref<4000xf32, #tpu.memory_space<hbm>>
        %dma_start3A_120 = tpu.memref_slice %arg2[%mul3A_117] : memref<2000000xf32, #tpu.memory_space<hbm>> -> memref<4000xf32, #tpu.memory_space<hbm>>
        tpu.enqueue_dma source(%dma_start3A_120 : memref<4000xf32, #tpu.memory_space<hbm>>) target(%arg12 : memref<4000xf32, #tpu.memory_space<vmem>>) target_semaphore(%arg25 : memref<!tpu.dma_semaphore, #tpu.memory_space<semaphore_mem>>)
        %dma_start3A_121 = tpu.memref_slice %arg3[%mul3A_117] : memref<2000000xf32, #tpu.memory_space<hbm>> -> memref<4000xf32, #tpu.memory_space<hbm>>
        %dma_start3A_122 = tpu.memref_slice %arg3[%mul3A_117] : memref<2000000xf32, #tpu.memory_space<hbm>> -> memref<4000xf32, #tpu.memory_space<hbm>>
        tpu.enqueue_dma source(%dma_start3A_122 : memref<4000xf32, #tpu.memory_space<hbm>>) target(%arg13 : memref<4000xf32, #tpu.memory_space<vmem>>) target_semaphore(%arg25 : memref<!tpu.dma_semaphore, #tpu.memory_space<semaphore_mem>>)
        %dma_start3A_123 = tpu.memref_slice %arg4[%mul3A_117] : memref<2000000xf32, #tpu.memory_space<hbm>> -> memref<4000xf32, #tpu.memory_space<hbm>>
        %dma_start3A_124 = tpu.memref_slice %arg4[%mul3A_117] : memref<2000000xf32, #tpu.memory_space<hbm>> -> memref<4000xf32, #tpu.memory_space<hbm>>
        tpu.enqueue_dma source(%dma_start3A_124 : memref<4000xf32, #tpu.memory_space<hbm>>) target(%arg14 : memref<4000xf32, #tpu.memory_space<vmem>>) target_semaphore(%arg25 : memref<!tpu.dma_semaphore, #tpu.memory_space<semaphore_mem>>)
      } else {
      }
      %mul3A_87 = arith.constant 32 : i32
      %mul3A_88 = arith.muli %add3A_76, %mul3A_87 : i32
      %add3A_89 = arith.addi %add3A, %mul3A_88 : i32
      %lt3A_90 = arith.constant 500 : i32
      %lt3A_91 = arith.cmpi slt, %add3A_89, %lt3A_90 : i32
      %convert_element_type3A_92 = arith.extui %lt3A_91 : i1 to i32
      %cond3A_93 = arith.constant 0 : i32
      %cond3A_94 = arith.cmpi ne, %convert_element_type3A_92, %cond3A_93 : i32
      scf.if %cond3A_94 {
        %mul3A_116 = arith.constant 4000 : i32
        %mul3A_117 = arith.muli %add3A_89, %mul3A_116 : i32
        %dma_wait3A = tpu.memref_slice %arg5[%mul3A_117] : memref<2000000xi32, #tpu.memory_space<hbm>> -> memref<4000xi32, #tpu.memory_space<hbm>>
        %dma_wait3A_118 = tpu.memref_slice %arg5[%mul3A_117] : memref<2000000xi32, #tpu.memory_space<hbm>> -> memref<4000xi32, #tpu.memory_space<hbm>>
        tpu.wait_dma2 semaphore(%arg26 : memref<!tpu.dma_semaphore, #tpu.memory_space<semaphore_mem>>) src(%dma_wait3A_118 : memref<4000xi32, #tpu.memory_space<hbm>>) dst(%arg15 : memref<4000xi32, #tpu.memory_space<vmem>>)
        %dma_wait3A_119 = tpu.memref_slice %arg2[%mul3A_117] : memref<2000000xf32, #tpu.memory_space<hbm>> -> memref<4000xf32, #tpu.memory_space<hbm>>
        %dma_wait3A_120 = tpu.memref_slice %arg2[%mul3A_117] : memref<2000000xf32, #tpu.memory_space<hbm>> -> memref<4000xf32, #tpu.memory_space<hbm>>
        tpu.wait_dma2 semaphore(%arg26 : memref<!tpu.dma_semaphore, #tpu.memory_space<semaphore_mem>>) src(%dma_wait3A_120 : memref<4000xf32, #tpu.memory_space<hbm>>) dst(%arg16 : memref<4000xf32, #tpu.memory_space<vmem>>)
        %dma_wait3A_121 = tpu.memref_slice %arg3[%mul3A_117] : memref<2000000xf32, #tpu.memory_space<hbm>> -> memref<4000xf32, #tpu.memory_space<hbm>>
        %dma_wait3A_122 = tpu.memref_slice %arg3[%mul3A_117] : memref<2000000xf32, #tpu.memory_space<hbm>> -> memref<4000xf32, #tpu.memory_space<hbm>>
        tpu.wait_dma2 semaphore(%arg26 : memref<!tpu.dma_semaphore, #tpu.memory_space<semaphore_mem>>) src(%dma_wait3A_122 : memref<4000xf32, #tpu.memory_space<hbm>>) dst(%arg17 : memref<4000xf32, #tpu.memory_space<vmem>>)
        %dma_wait3A_123 = tpu.memref_slice %arg4[%mul3A_117] : memref<2000000xf32, #tpu.memory_space<hbm>> -> memref<4000xf32, #tpu.memory_space<hbm>>
        %dma_wait3A_124 = tpu.memref_slice %arg4[%mul3A_117] : memref<2000000xf32, #tpu.memory_space<hbm>> -> memref<4000xf32, #tpu.memory_space<hbm>>
        tpu.wait_dma2 semaphore(%arg26 : memref<!tpu.dma_semaphore, #tpu.memory_space<semaphore_mem>>) src(%dma_wait3A_124 : memref<4000xf32, #tpu.memory_space<hbm>>) dst(%arg18 : memref<4000xf32, #tpu.memory_space<vmem>>)
      } else {
      }
      %sub3A_95 = arith.constant 2 : i32
      %sub3A_96 = arith.subi %add3A_76, %sub3A_95 : i32
      %mul3A_97 = arith.constant 32 : i32
      %mul3A_98 = arith.muli %sub3A_96, %mul3A_97 : i32
      %add3A_99 = arith.addi %add3A, %mul3A_98 : i32
      %ge3A_100 = arith.constant 0 : i32
      %ge3A_101 = arith.cmpi sge, %add3A_99, %ge3A_100 : i32
      %lt3A_102 = arith.constant 500 : i32
      %lt3A_103 = arith.cmpi slt, %add3A_99, %lt3A_102 : i32
      %and3A_104 = arith.andi %ge3A_101, %lt3A_103 : i1
      %convert_element_type3A_105 = arith.extui %and3A_104 : i1 to i32
      %cond3A_106 = arith.constant 0 : i32
      %cond3A_107 = arith.cmpi ne, %convert_element_type3A_105, %cond3A_106 : i32
      scf.if %cond3A_107 {
        %mul3A_116 = arith.constant 4000 : i32
        %mul3A_117 = arith.muli %add3A_99, %mul3A_116 : i32
        %dma_wait3A = tpu.memref_slice %arg7[%mul3A_117] : memref<2000000xf32, #tpu.memory_space<hbm>> -> memref<4000xf32, #tpu.memory_space<hbm>>
        %dma_wait3A_118 = tpu.memref_slice %arg7[%mul3A_117] : memref<2000000xf32, #tpu.memory_space<hbm>> -> memref<4000xf32, #tpu.memory_space<hbm>>
        tpu.wait_dma2 semaphore(%arg28 : memref<!tpu.dma_semaphore, #tpu.memory_space<semaphore_mem>>) src(%arg22 : memref<4000xf32, #tpu.memory_space<vmem>>) dst(%dma_wait3A_118 : memref<4000xf32, #tpu.memory_space<hbm>>)
        %dma_wait3A_119 = tpu.memref_slice %arg8[%mul3A_117] : memref<2000000xf32, #tpu.memory_space<hbm>> -> memref<4000xf32, #tpu.memory_space<hbm>>
        %dma_wait3A_120 = tpu.memref_slice %arg8[%mul3A_117] : memref<2000000xf32, #tpu.memory_space<hbm>> -> memref<4000xf32, #tpu.memory_space<hbm>>
        tpu.wait_dma2 semaphore(%arg28 : memref<!tpu.dma_semaphore, #tpu.memory_space<semaphore_mem>>) src(%arg23 : memref<4000xf32, #tpu.memory_space<vmem>>) dst(%dma_wait3A_120 : memref<4000xf32, #tpu.memory_space<hbm>>)
        %dma_wait3A_121 = tpu.memref_slice %arg9[%mul3A_117] : memref<2000000xf32, #tpu.memory_space<hbm>> -> memref<4000xf32, #tpu.memory_space<hbm>>
        %dma_wait3A_122 = tpu.memref_slice %arg9[%mul3A_117] : memref<2000000xf32, #tpu.memory_space<hbm>> -> memref<4000xf32, #tpu.memory_space<hbm>>
        tpu.wait_dma2 semaphore(%arg28 : memref<!tpu.dma_semaphore, #tpu.memory_space<semaphore_mem>>) src(%arg24 : memref<4000xf32, #tpu.memory_space<vmem>>) dst(%dma_wait3A_122 : memref<4000xf32, #tpu.memory_space<hbm>>)
      } else {
      }
      %mul3A_108 = arith.constant 32 : i32
      %mul3A_109 = arith.muli %add3A_76, %mul3A_108 : i32
      %add3A_110 = arith.addi %add3A, %mul3A_109 : i32
      %lt3A_111 = arith.constant 500 : i32
      %lt3A_112 = arith.cmpi slt, %add3A_110, %lt3A_111 : i32
      %convert_element_type3A_113 = arith.extui %lt3A_112 : i1 to i32
      %cond3A_114 = arith.constant 0 : i32
      %cond3A_115 = arith.cmpi ne, %convert_element_type3A_113, %cond3A_114 : i32
      scf.if %cond3A_115 {
        %mul3A_116 = arith.constant 4000 : i32
        %mul3A_117 = arith.muli %add3A_110, %mul3A_116 : i32
        %parallel_loop3A = arith.constant 0 : i32
        %parallel_loop3A_118 = arith.constant 4000 : i32
        %parallel_loop3A_119 = arith.constant 16 : i32
        scf.for %parallel_loop3A_127 = %parallel_loop3A to %parallel_loop3A_118 step %parallel_loop3A_119  : i32 {
          %parallel_loop3A_128 = arith.index_cast %parallel_loop3A_127 : i32 to index
          %parallel_loop3A_129 = tpu.vector_load %arg15[%parallel_loop3A_128] {strides = array<i32>} : memref<4000xi32, #tpu.memory_space<vmem>>, vector<16xi32>,
          %parallel_loop3A_130 = arith.constant 127 : i32
          %parallel_loop3A_131 = vector.broadcast %parallel_loop3A_130 : i32 to vector<16xi32>
          %parallel_loop3A_132 = arith.andi %parallel_loop3A_129, %parallel_loop3A_131 : vector<16xi32>
          %parallel_loop3A_133 = arith.constant 7 : i32
          %parallel_loop3A_134 = vector.broadcast %parallel_loop3A_133 : i32 to vector<16xi32>
          %parallel_loop3A_135 = arith.shrsi %parallel_loop3A_129, %parallel_loop3A_134 : vector<16xi32>
          %parallel_loop3A_136 = arith.constant 127 : i32
          %parallel_loop3A_137 = vector.broadcast %parallel_loop3A_136 : i32 to vector<16xi32>
          %parallel_loop3A_138 = arith.andi %parallel_loop3A_135, %parallel_loop3A_137 : vector<16xi32>
          %parallel_loop3A_139 = arith.constant 128 : i32
          %parallel_loop3A_140 = vector.broadcast %parallel_loop3A_139 : i32 to vector<16xi32>
          %parallel_loop3A_141 = arith.addi %parallel_loop3A_138, %parallel_loop3A_140 : vector<16xi32>
          %parallel_loop3A_142 = arith.constant 14 : i32
          %parallel_loop3A_143 = vector.broadcast %parallel_loop3A_142 : i32 to vector<16xi32>
          %parallel_loop3A_144 = arith.shrsi %parallel_loop3A_129, %parallel_loop3A_143 : vector<16xi32>
          %parallel_loop3A_145 = arith.constant 256 : i32
          %parallel_loop3A_146 = vector.broadcast %parallel_loop3A_145 : i32 to vector<16xi32>
          %parallel_loop3A_147 = arith.addi %parallel_loop3A_144, %parallel_loop3A_146 : vector<16xi32>
          %parallel_loop3A_148 = arith.index_cast %parallel_loop3A_127 : i32 to index
          %parallel_loop3A_149 = tpu.vector_load %arg16[%parallel_loop3A_148] {strides = array<i32>} : memref<4000xf32, #tpu.memory_space<vmem>>, vector<16xf32>,
          %parallel_loop3A_150 = arith.index_cast %parallel_loop3A_127 : i32 to index
          %parallel_loop3A_151 = tpu.vector_load %arg17[%parallel_loop3A_150] {strides = array<i32>} : memref<4000xf32, #tpu.memory_space<vmem>>, vector<16xf32>,
          %parallel_loop3A_152 = arith.index_cast %parallel_loop3A_127 : i32 to index
          %parallel_loop3A_153 = tpu.vector_load %arg18[%parallel_loop3A_152] {strides = array<i32>} : memref<4000xf32, #tpu.memory_space<vmem>>, vector<16xf32>,
          %parallel_loop3A_154 = tpu.vector_load_idx %arg10[%parallel_loop3A_132] : memref<2048xf32, #tpu.memory_space<vmem>>[vector<16xi32>], vector<16xf32>,
          %parallel_loop3A_155 = arith.constant 2.000000e+00 : f32
          %parallel_loop3A_156 = vector.broadcast %parallel_loop3A_155 : f32 to vector<16xf32>
          %parallel_loop3A_157 = arith.mulf %parallel_loop3A_156, %parallel_loop3A_154 : vector<16xf32>
          %parallel_loop3A_158 = arith.mulf %parallel_loop3A_157, %parallel_loop3A_149 : vector<16xf32>
          %parallel_loop3A_159 = arith.constant 384 : i32
          %parallel_loop3A_160 = vector.broadcast %parallel_loop3A_159 : i32 to vector<16xi32>
          %parallel_loop3A_161 = arith.addi %parallel_loop3A_132, %parallel_loop3A_160 : vector<16xi32>
          %parallel_loop3A_162 = tpu.vector_load_idx %arg10[%parallel_loop3A_161] : memref<2048xf32, #tpu.memory_space<vmem>>[vector<16xi32>], vector<16xf32>,
          %parallel_loop3A_163 = arith.addf %parallel_loop3A_158, %parallel_loop3A_162 : vector<16xf32>
          %parallel_loop3A_164 = tpu.vector_load_idx %arg10[%parallel_loop3A_141] : memref<2048xf32, #tpu.memory_space<vmem>>[vector<16xi32>], vector<16xf32>,
          %parallel_loop3A_165 = arith.constant 2.000000e+00 : f32
          %parallel_loop3A_166 = vector.broadcast %parallel_loop3A_165 : f32 to vector<16xf32>
          %parallel_loop3A_167 = arith.mulf %parallel_loop3A_166, %parallel_loop3A_164 : vector<16xf32>
          %parallel_loop3A_168 = arith.mulf %parallel_loop3A_167, %parallel_loop3A_151 : vector<16xf32>
          %parallel_loop3A_169 = arith.constant 384 : i32
          %parallel_loop3A_170 = vector.broadcast %parallel_loop3A_169 : i32 to vector<16xi32>
          %parallel_loop3A_171 = arith.addi %parallel_loop3A_141, %parallel_loop3A_170 : vector<16xi32>
          %parallel_loop3A_172 = tpu.vector_load_idx %arg10[%parallel_loop3A_171] : memref<2048xf32, #tpu.memory_space<vmem>>[vector<16xi32>], vector<16xf32>,
          %parallel_loop3A_173 = arith.addf %parallel_loop3A_168, %parallel_loop3A_172 : vector<16xf32>
          %parallel_loop3A_174 = tpu.vector_load_idx %arg10[%parallel_loop3A_147] : memref<2048xf32, #tpu.memory_space<vmem>>[vector<16xi32>], vector<16xf32>,
          %parallel_loop3A_175 = arith.constant 2.000000e+00 : f32
          %parallel_loop3A_176 = vector.broadcast %parallel_loop3A_175 : f32 to vector<16xf32>
          %parallel_loop3A_177 = arith.mulf %parallel_loop3A_176, %parallel_loop3A_174 : vector<16xf32>
          %parallel_loop3A_178 = arith.mulf %parallel_loop3A_177, %parallel_loop3A_153 : vector<16xf32>
          %parallel_loop3A_179 = arith.constant 384 : i32
          %parallel_loop3A_180 = vector.broadcast %parallel_loop3A_179 : i32 to vector<16xi32>
          %parallel_loop3A_181 = arith.addi %parallel_loop3A_147, %parallel_loop3A_180 : vector<16xi32>
          %parallel_loop3A_182 = tpu.vector_load_idx %arg10[%parallel_loop3A_181] : memref<2048xf32, #tpu.memory_space<vmem>>[vector<16xi32>], vector<16xf32>,
          %parallel_loop3A_183 = arith.addf %parallel_loop3A_178, %parallel_loop3A_182 : vector<16xf32>
          %parallel_loop3A_184 = arith.mulf %parallel_loop3A_163, %parallel_loop3A_163 : vector<16xf32>
          %parallel_loop3A_185 = arith.mulf %parallel_loop3A_173, %parallel_loop3A_173 : vector<16xf32>
          %parallel_loop3A_186 = arith.addf %parallel_loop3A_184, %parallel_loop3A_185 : vector<16xf32>
          %parallel_loop3A_187 = arith.mulf %parallel_loop3A_183, %parallel_loop3A_183 : vector<16xf32>
          %parallel_loop3A_188 = arith.addf %parallel_loop3A_186, %parallel_loop3A_187 : vector<16xf32>
          %parallel_loop3A_189 = arith.constant 1.000000e-24 : f32
          %parallel_loop3A_190 = vector.broadcast %parallel_loop3A_189 : f32 to vector<16xf32>
          %parallel_loop3A_191 = arith.maximumf %parallel_loop3A_188, %parallel_loop3A_190 : vector<16xf32>
          %parallel_loop3A_192 = tpu.bitcast %parallel_loop3A_191 : vector<16xf32> -> vector<16xi32>
          %parallel_loop3A_193 = arith.constant 1 : i32
          %parallel_loop3A_194 = vector.broadcast %parallel_loop3A_193 : i32 to vector<16xi32>
          %parallel_loop3A_195 = arith.shrsi %parallel_loop3A_192, %parallel_loop3A_194 : vector<16xi32>
          %parallel_loop3A_196 = arith.constant 1597463007 : i32
          %parallel_loop3A_197 = vector.broadcast %parallel_loop3A_196 : i32 to vector<16xi32>
          %parallel_loop3A_198 = arith.subi %parallel_loop3A_197, %parallel_loop3A_195 : vector<16xi32>
          %parallel_loop3A_199 = tpu.bitcast %parallel_loop3A_198 : vector<16xi32> -> vector<16xf32>
          %parallel_loop3A_200 = arith.constant 5.000000e-01 : f32
          %parallel_loop3A_201 = vector.broadcast %parallel_loop3A_200 : f32 to vector<16xf32>
          %parallel_loop3A_202 = arith.mulf %parallel_loop3A_201, %parallel_loop3A_191 : vector<16xf32>
          %parallel_loop3A_203 = arith.mulf %parallel_loop3A_202, %parallel_loop3A_199 : vector<16xf32>
          %parallel_loop3A_204 = arith.mulf %parallel_loop3A_203, %parallel_loop3A_199 : vector<16xf32>
          %parallel_loop3A_205 = arith.constant 1.500000e+00 : f32
          %parallel_loop3A_206 = vector.broadcast %parallel_loop3A_205 : f32 to vector<16xf32>
          %parallel_loop3A_207 = arith.subf %parallel_loop3A_206, %parallel_loop3A_204 : vector<16xf32>
          %parallel_loop3A_208 = arith.mulf %parallel_loop3A_199, %parallel_loop3A_207 : vector<16xf32>
          %parallel_loop3A_209 = arith.mulf %parallel_loop3A_202, %parallel_loop3A_208 : vector<16xf32>
          %parallel_loop3A_210 = arith.mulf %parallel_loop3A_209, %parallel_loop3A_208 : vector<16xf32>
          %parallel_loop3A_211 = arith.constant 1.500000e+00 : f32
          %parallel_loop3A_212 = vector.broadcast %parallel_loop3A_211 : f32 to vector<16xf32>
          %parallel_loop3A_213 = arith.subf %parallel_loop3A_212, %parallel_loop3A_210 : vector<16xf32>
          %parallel_loop3A_214 = arith.mulf %parallel_loop3A_208, %parallel_loop3A_213 : vector<16xf32>
          %parallel_loop3A_215 = arith.mulf %parallel_loop3A_163, %parallel_loop3A_214 : vector<16xf32>
          %parallel_loop3A_216 = arith.index_cast %parallel_loop3A_127 : i32 to index
          %parallel_loop3A_217 = tpu.vector_load %arg22[%parallel_loop3A_216] {strides = array<i32>} : memref<4000xf32, #tpu.memory_space<vmem>>, vector<16xf32>,
          tpu.vector_store %arg22[%parallel_loop3A_216], %parallel_loop3A_215 {strides = array<i32>} : memref<4000xf32, #tpu.memory_space<vmem>>, vector<16xf32>,
          %parallel_loop3A_218 = arith.mulf %parallel_loop3A_173, %parallel_loop3A_214 : vector<16xf32>
          %parallel_loop3A_219 = arith.index_cast %parallel_loop3A_127 : i32 to index
          %parallel_loop3A_220 = tpu.vector_load %arg23[%parallel_loop3A_219] {strides = array<i32>} : memref<4000xf32, #tpu.memory_space<vmem>>, vector<16xf32>,
          tpu.vector_store %arg23[%parallel_loop3A_219], %parallel_loop3A_218 {strides = array<i32>} : memref<4000xf32, #tpu.memory_space<vmem>>, vector<16xf32>,
          %parallel_loop3A_221 = arith.mulf %parallel_loop3A_183, %parallel_loop3A_214 : vector<16xf32>
          %parallel_loop3A_222 = arith.index_cast %parallel_loop3A_127 : i32 to index
          %parallel_loop3A_223 = tpu.vector_load %arg24[%parallel_loop3A_222] {strides = array<i32>} : memref<4000xf32, #tpu.memory_space<vmem>>, vector<16xf32>,
          tpu.vector_store %arg24[%parallel_loop3A_222], %parallel_loop3A_221 {strides = array<i32>} : memref<4000xf32, #tpu.memory_space<vmem>>, vector<16xf32>,
        } {sc.loop_unroll_factor = 5 : i64, sc.parallel_access}
        %mul3A_120 = arith.constant 4000 : i32
        %mul3A_121 = arith.muli %add3A_110, %mul3A_120 : i32
        %dma_start3A = tpu.memref_slice %arg7[%mul3A_121] : memref<2000000xf32, #tpu.memory_space<hbm>> -> memref<4000xf32, #tpu.memory_space<hbm>>
        %dma_start3A_122 = tpu.memref_slice %arg7[%mul3A_121] : memref<2000000xf32, #tpu.memory_space<hbm>> -> memref<4000xf32, #tpu.memory_space<hbm>>
        tpu.enqueue_dma source(%arg22 : memref<4000xf32, #tpu.memory_space<vmem>>) target(%dma_start3A_122 : memref<4000xf32, #tpu.memory_space<hbm>>) target_semaphore(%arg28 : memref<!tpu.dma_semaphore, #tpu.memory_space<semaphore_mem>>)
        %dma_start3A_123 = tpu.memref_slice %arg8[%mul3A_121] : memref<2000000xf32, #tpu.memory_space<hbm>> -> memref<4000xf32, #tpu.memory_space<hbm>>
        %dma_start3A_124 = tpu.memref_slice %arg8[%mul3A_121] : memref<2000000xf32, #tpu.memory_space<hbm>> -> memref<4000xf32, #tpu.memory_space<hbm>>
        tpu.enqueue_dma source(%arg23 : memref<4000xf32, #tpu.memory_space<vmem>>) target(%dma_start3A_124 : memref<4000xf32, #tpu.memory_space<hbm>>) target_semaphore(%arg28 : memref<!tpu.dma_semaphore, #tpu.memory_space<semaphore_mem>>)
        %dma_start3A_125 = tpu.memref_slice %arg9[%mul3A_121] : memref<2000000xf32, #tpu.memory_space<hbm>> -> memref<4000xf32, #tpu.memory_space<hbm>>
        %dma_start3A_126 = tpu.memref_slice %arg9[%mul3A_121] : memref<2000000xf32, #tpu.memory_space<hbm>> -> memref<4000xf32, #tpu.memory_space<hbm>>
        tpu.enqueue_dma source(%arg24 : memref<4000xf32, #tpu.memory_space<vmem>>) target(%dma_start3A_126 : memref<4000xf32, #tpu.memory_space<hbm>>) target_semaphore(%arg28 : memref<!tpu.dma_semaphore, #tpu.memory_space<semaphore_mem>>)
      } else {
      }
    }
    %scan3A_11 = arith.constant 8 : i32
    %mul3A_12 = arith.constant 14 : i32
    %mul3A_13 = arith.constant 32 : i32
    %mul3A_14 = arith.muli %mul3A_12, %mul3A_13 : i32
    %add3A_15 = arith.addi %add3A, %mul3A_14 : i32
    %ge3A = arith.constant 0 : i32
    %ge3A_16 = arith.cmpi sge, %add3A_15, %ge3A : i32
    %lt3A_17 = arith.constant 500 : i32
    %lt3A_18 = arith.cmpi slt, %add3A_15, %lt3A_17 : i32
    %and3A = arith.andi %ge3A_16, %lt3A_18 : i1
    %convert_element_type3A_19 = arith.extui %and3A : i1 to i32
    %cond3A_20 = arith.constant 0 : i32
    %cond3A_21 = arith.cmpi ne, %convert_element_type3A_19, %cond3A_20 : i32
    scf.if %cond3A_21 {
      %mul3A_34 = arith.constant 4000 : i32
      %mul3A_35 = arith.muli %add3A_15, %mul3A_34 : i32
      %dma_wait3A = tpu.memref_slice %arg7[%mul3A_35] : memref<2000000xf32, #tpu.memory_space<hbm>> -> memref<4000xf32, #tpu.memory_space<hbm>>
      %dma_wait3A_36 = tpu.memref_slice %arg7[%mul3A_35] : memref<2000000xf32, #tpu.memory_space<hbm>> -> memref<4000xf32, #tpu.memory_space<hbm>>
      tpu.wait_dma2 semaphore(%arg27 : memref<!tpu.dma_semaphore, #tpu.memory_space<semaphore_mem>>) src(%arg19 : memref<4000xf32, #tpu.memory_space<vmem>>) dst(%dma_wait3A_36 : memref<4000xf32, #tpu.memory_space<hbm>>)
      %dma_wait3A_37 = tpu.memref_slice %arg8[%mul3A_35] : memref<2000000xf32, #tpu.memory_space<hbm>> -> memref<4000xf32, #tpu.memory_space<hbm>>
      %dma_wait3A_38 = tpu.memref_slice %arg8[%mul3A_35] : memref<2000000xf32, #tpu.memory_space<hbm>> -> memref<4000xf32, #tpu.memory_space<hbm>>
      tpu.wait_dma2 semaphore(%arg27 : memref<!tpu.dma_semaphore, #tpu.memory_space<semaphore_mem>>) src(%arg20 : memref<4000xf32, #tpu.memory_space<vmem>>) dst(%dma_wait3A_38 : memref<4000xf32, #tpu.memory_space<hbm>>)
      %dma_wait3A_39 = tpu.memref_slice %arg9[%mul3A_35] : memref<2000000xf32, #tpu.memory_space<hbm>> -> memref<4000xf32, #tpu.memory_space<hbm>>
      %dma_wait3A_40 = tpu.memref_slice %arg9[%mul3A_35] : memref<2000000xf32, #tpu.memory_space<hbm>> -> memref<4000xf32, #tpu.memory_space<hbm>>
      tpu.wait_dma2 semaphore(%arg27 : memref<!tpu.dma_semaphore, #tpu.memory_space<semaphore_mem>>) src(%arg21 : memref<4000xf32, #tpu.memory_space<vmem>>) dst(%dma_wait3A_40 : memref<4000xf32, #tpu.memory_space<hbm>>)
    } else {
    }
    %mul3A_22 = arith.constant 15 : i32
    %mul3A_23 = arith.constant 32 : i32
    %mul3A_24 = arith.muli %mul3A_22, %mul3A_23 : i32
    %add3A_25 = arith.addi %add3A, %mul3A_24 : i32
    %ge3A_26 = arith.constant 0 : i32
    %ge3A_27 = arith.cmpi sge, %add3A_25, %ge3A_26 : i32
    %lt3A_28 = arith.constant 500 : i32
    %lt3A_29 = arith.cmpi slt, %add3A_25, %lt3A_28 : i32
    %and3A_30 = arith.andi %ge3A_27, %lt3A_29 : i1
    %convert_element_type3A_31 = arith.extui %and3A_30 : i1 to i32
    %cond3A_32 = arith.constant 0 : i32
    %cond3A_33 = arith.cmpi ne, %convert_element_type3A_31, %cond3A_32 : i32
    scf.if %cond3A_33 {
      %mul3A_34 = arith.constant 4000 : i32
      %mul3A_35 = arith.muli %add3A_25, %mul3A_34 : i32
      %dma_wait3A = tpu.memref_slice %arg7[%mul3A_35] : memref<2000000xf32, #tpu.memory_space<hbm>> -> memref<4000xf32, #tpu.memory_space<hbm>>
      %dma_wait3A_36 = tpu.memref_slice %arg7[%mul3A_35] : memref<2000000xf32, #tpu.memory_space<hbm>> -> memref<4000xf32, #tpu.memory_space<hbm>>
      tpu.wait_dma2 semaphore(%arg28 : memref<!tpu.dma_semaphore, #tpu.memory_space<semaphore_mem>>) src(%arg22 : memref<4000xf32, #tpu.memory_space<vmem>>) dst(%dma_wait3A_36 : memref<4000xf32, #tpu.memory_space<hbm>>)
      %dma_wait3A_37 = tpu.memref_slice %arg8[%mul3A_35] : memref<2000000xf32, #tpu.memory_space<hbm>> -> memref<4000xf32, #tpu.memory_space<hbm>>
      %dma_wait3A_38 = tpu.memref_slice %arg8[%mul3A_35] : memref<2000000xf32, #tpu.memory_space<hbm>> -> memref<4000xf32, #tpu.memory_space<hbm>>
      tpu.wait_dma2 semaphore(%arg28 : memref<!tpu.dma_semaphore, #tpu.memory_space<semaphore_mem>>) src(%arg23 : memref<4000xf32, #tpu.memory_space<vmem>>) dst(%dma_wait3A_38 : memref<4000xf32, #tpu.memory_space<hbm>>)
      %dma_wait3A_39 = tpu.memref_slice %arg9[%mul3A_35] : memref<2000000xf32, #tpu.memory_space<hbm>> -> memref<4000xf32, #tpu.memory_space<hbm>>
      %dma_wait3A_40 = tpu.memref_slice %arg9[%mul3A_35] : memref<2000000xf32, #tpu.memory_space<hbm>> -> memref<4000xf32, #tpu.memory_space<hbm>>
      tpu.wait_dma2 semaphore(%arg28 : memref<!tpu.dma_semaphore, #tpu.memory_space<semaphore_mem>>) src(%arg24 : memref<4000xf32, #tpu.memory_space<vmem>>) dst(%dma_wait3A_40 : memref<4000xf32, #tpu.memory_space<hbm>>)
    } else {
    }
    return
  }
}

#map = affine_map<(d0, d1) -> (0)>
module attributes {stable_mosaic.version = 14 : i64} {
  func.func @run(%arg0: i32, %arg1: i32, %arg2: memref<2000000xf32, #tpu.memory_space<hbm>>, %arg3: memref<2000000xf32, #tpu.memory_space<hbm>>, %arg4: memref<2000000xf32, #tpu.memory_space<hbm>>, %arg5: memref<2000000xi32, #tpu.memory_space<hbm>>, %arg6: memref<2048xf32, #tpu.memory_space<hbm>>, %arg7: memref<2000000xf32, #tpu.memory_space<hbm>>, %arg8: memref<2048xf32, #tpu.memory_space<vmem>>, %arg9: memref<4000xi32, #tpu.memory_space<vmem>>, %arg10: memref<4000xf32, #tpu.memory_space<vmem>>, %arg11: memref<4000xf32, #tpu.memory_space<vmem>>, %arg12: memref<4000xf32, #tpu.memory_space<vmem>>, %arg13: memref<4000xi32, #tpu.memory_space<vmem>>, %arg14: memref<4000xf32, #tpu.memory_space<vmem>>, %arg15: memref<4000xf32, #tpu.memory_space<vmem>>, %arg16: memref<4000xf32, #tpu.memory_space<vmem>>, %arg17: memref<4000xf32, #tpu.memory_space<vmem>>, %arg18: memref<4000xf32, #tpu.memory_space<vmem>>, %arg19: memref<!tpu.dma_semaphore, #tpu.memory_space<semaphore_mem>>, %arg20: memref<!tpu.dma_semaphore, #tpu.memory_space<semaphore_mem>>, %arg21: memref<!tpu.dma_semaphore, #tpu.memory_space<semaphore_mem>>, %arg22: memref<!tpu.dma_semaphore, #tpu.memory_space<semaphore_mem>>) attributes {dimension_semantics = [#tpu.dimension_semantics<core_parallel>, #tpu.dimension_semantics<subcore_parallel>], iteration_bounds = array<i64: 2, 16>, scalar_prefetch = 0 : i64, scratch_operands = 15 : i64, tpu.core_type = #tpu.core_type<sc_vector_subcore>, window_params = [{transform_indices = #map}, {transform_indices = #map}, {transform_indices = #map}, {transform_indices = #map}, {transform_indices = #map}, {transform_indices = #map}]} {
    "tpu.region"() ({
      %run_scoped3A = tpu.sem_alloc : memref<!tpu.dma_semaphore, #tpu.memory_space<semaphore_mem>>
      tpu.enqueue_dma source(%arg6 : memref<2048xf32, #tpu.memory_space<hbm>>) target(%arg8 : memref<2048xf32, #tpu.memory_space<vmem>>) target_semaphore(%run_scoped3A : memref<!tpu.dma_semaphore, #tpu.memory_space<semaphore_mem>>)
      tpu.wait_dma2 semaphore(%run_scoped3A : memref<!tpu.dma_semaphore, #tpu.memory_space<semaphore_mem>>) src(%arg6 : memref<2048xf32, #tpu.memory_space<hbm>>) dst(%arg8 : memref<2048xf32, #tpu.memory_space<vmem>>)
      tpu.yield
    }) : () -> ()
    %mul3A = arith.constant 2 : i32
    %mul3A_0 = arith.muli %arg1, %mul3A : i32
    %add3A = arith.addi %mul3A_0, %arg0 : i32
    %mul3A_1 = arith.constant 0 : i32
    %mul3A_2 = arith.constant 32 : i32
    %mul3A_3 = arith.muli %mul3A_1, %mul3A_2 : i32
    %add3A_4 = arith.addi %add3A, %mul3A_3 : i32
    %lt3A = arith.constant 500 : i32
    %lt3A_5 = arith.cmpi slt, %add3A_4, %lt3A : i32
    %convert_element_type3A = arith.extui %lt3A_5 : i1 to i32
    %cond3A = arith.constant 0 : i32
    %cond3A_6 = arith.cmpi ne, %convert_element_type3A, %cond3A : i32
    scf.if %cond3A_6 {
      %mul3A_34 = arith.constant 4000 : i32
      %mul3A_35 = arith.muli %add3A_4, %mul3A_34 : i32
      %dma_start3A = tpu.memref_slice %arg5[%mul3A_35] : memref<2000000xi32, #tpu.memory_space<hbm>> -> memref<4000xi32, #tpu.memory_space<hbm>>
      %dma_start3A_36 = tpu.memref_slice %arg5[%mul3A_35] : memref<2000000xi32, #tpu.memory_space<hbm>> -> memref<4000xi32, #tpu.memory_space<hbm>>
      tpu.enqueue_dma source(%dma_start3A_36 : memref<4000xi32, #tpu.memory_space<hbm>>) target(%arg9 : memref<4000xi32, #tpu.memory_space<vmem>>) target_semaphore(%arg19 : memref<!tpu.dma_semaphore, #tpu.memory_space<semaphore_mem>>)
      %dma_start3A_37 = tpu.memref_slice %arg2[%mul3A_35] : memref<2000000xf32, #tpu.memory_space<hbm>> -> memref<4000xf32, #tpu.memory_space<hbm>>
      %dma_start3A_38 = tpu.memref_slice %arg2[%mul3A_35] : memref<2000000xf32, #tpu.memory_space<hbm>> -> memref<4000xf32, #tpu.memory_space<hbm>>
      tpu.enqueue_dma source(%dma_start3A_38 : memref<4000xf32, #tpu.memory_space<hbm>>) target(%arg10 : memref<4000xf32, #tpu.memory_space<vmem>>) target_semaphore(%arg19 : memref<!tpu.dma_semaphore, #tpu.memory_space<semaphore_mem>>)
      %dma_start3A_39 = tpu.memref_slice %arg3[%mul3A_35] : memref<2000000xf32, #tpu.memory_space<hbm>> -> memref<4000xf32, #tpu.memory_space<hbm>>
      %dma_start3A_40 = tpu.memref_slice %arg3[%mul3A_35] : memref<2000000xf32, #tpu.memory_space<hbm>> -> memref<4000xf32, #tpu.memory_space<hbm>>
      tpu.enqueue_dma source(%dma_start3A_40 : memref<4000xf32, #tpu.memory_space<hbm>>) target(%arg11 : memref<4000xf32, #tpu.memory_space<vmem>>) target_semaphore(%arg19 : memref<!tpu.dma_semaphore, #tpu.memory_space<semaphore_mem>>)
      %dma_start3A_41 = tpu.memref_slice %arg4[%mul3A_35] : memref<2000000xf32, #tpu.memory_space<hbm>> -> memref<4000xf32, #tpu.memory_space<hbm>>
      %dma_start3A_42 = tpu.memref_slice %arg4[%mul3A_35] : memref<2000000xf32, #tpu.memory_space<hbm>> -> memref<4000xf32, #tpu.memory_space<hbm>>
      tpu.enqueue_dma source(%dma_start3A_42 : memref<4000xf32, #tpu.memory_space<hbm>>) target(%arg12 : memref<4000xf32, #tpu.memory_space<vmem>>) target_semaphore(%arg19 : memref<!tpu.dma_semaphore, #tpu.memory_space<semaphore_mem>>)
    } else {
    }
    %scan3A = arith.constant 0 : i32
    %scan3A_7 = arith.constant 0 : i32
    %scan3A_8 = arith.constant 8 : i32
    %scan3A_9 = arith.addi %scan3A_7, %scan3A_8 : i32
    %scan3A_10 = arith.constant 1 : i32
    scf.for %scan3A_34 = %scan3A_7 to %scan3A_9 step %scan3A_10  : i32 {
      %mul3A_35 = arith.constant 2 : i32
      %mul3A_36 = arith.muli %mul3A_35, %scan3A_34 : i32
      %add3A_37 = arith.constant 1 : i32
      %add3A_38 = arith.addi %mul3A_36, %add3A_37 : i32
      %mul3A_39 = arith.constant 32 : i32
      %mul3A_40 = arith.muli %add3A_38, %mul3A_39 : i32
      %add3A_41 = arith.addi %add3A, %mul3A_40 : i32
      %lt3A_42 = arith.constant 500 : i32
      %lt3A_43 = arith.cmpi slt, %add3A_41, %lt3A_42 : i32
      %convert_element_type3A_44 = arith.extui %lt3A_43 : i1 to i32
      %cond3A_45 = arith.constant 0 : i32
      %cond3A_46 = arith.cmpi ne, %convert_element_type3A_44, %cond3A_45 : i32
      scf.if %cond3A_46 {
        %mul3A_116 = arith.constant 4000 : i32
        %mul3A_117 = arith.muli %add3A_41, %mul3A_116 : i32
        %dma_start3A = tpu.memref_slice %arg5[%mul3A_117] : memref<2000000xi32, #tpu.memory_space<hbm>> -> memref<4000xi32, #tpu.memory_space<hbm>>
        %dma_start3A_118 = tpu.memref_slice %arg5[%mul3A_117] : memref<2000000xi32, #tpu.memory_space<hbm>> -> memref<4000xi32, #tpu.memory_space<hbm>>
        tpu.enqueue_dma source(%dma_start3A_118 : memref<4000xi32, #tpu.memory_space<hbm>>) target(%arg13 : memref<4000xi32, #tpu.memory_space<vmem>>) target_semaphore(%arg20 : memref<!tpu.dma_semaphore, #tpu.memory_space<semaphore_mem>>)
        %dma_start3A_119 = tpu.memref_slice %arg2[%mul3A_117] : memref<2000000xf32, #tpu.memory_space<hbm>> -> memref<4000xf32, #tpu.memory_space<hbm>>
        %dma_start3A_120 = tpu.memref_slice %arg2[%mul3A_117] : memref<2000000xf32, #tpu.memory_space<hbm>> -> memref<4000xf32, #tpu.memory_space<hbm>>
        tpu.enqueue_dma source(%dma_start3A_120 : memref<4000xf32, #tpu.memory_space<hbm>>) target(%arg14 : memref<4000xf32, #tpu.memory_space<vmem>>) target_semaphore(%arg20 : memref<!tpu.dma_semaphore, #tpu.memory_space<semaphore_mem>>)
        %dma_start3A_121 = tpu.memref_slice %arg3[%mul3A_117] : memref<2000000xf32, #tpu.memory_space<hbm>> -> memref<4000xf32, #tpu.memory_space<hbm>>
        %dma_start3A_122 = tpu.memref_slice %arg3[%mul3A_117] : memref<2000000xf32, #tpu.memory_space<hbm>> -> memref<4000xf32, #tpu.memory_space<hbm>>
        tpu.enqueue_dma source(%dma_start3A_122 : memref<4000xf32, #tpu.memory_space<hbm>>) target(%arg15 : memref<4000xf32, #tpu.memory_space<vmem>>) target_semaphore(%arg20 : memref<!tpu.dma_semaphore, #tpu.memory_space<semaphore_mem>>)
        %dma_start3A_123 = tpu.memref_slice %arg4[%mul3A_117] : memref<2000000xf32, #tpu.memory_space<hbm>> -> memref<4000xf32, #tpu.memory_space<hbm>>
        %dma_start3A_124 = tpu.memref_slice %arg4[%mul3A_117] : memref<2000000xf32, #tpu.memory_space<hbm>> -> memref<4000xf32, #tpu.memory_space<hbm>>
        tpu.enqueue_dma source(%dma_start3A_124 : memref<4000xf32, #tpu.memory_space<hbm>>) target(%arg16 : memref<4000xf32, #tpu.memory_space<vmem>>) target_semaphore(%arg20 : memref<!tpu.dma_semaphore, #tpu.memory_space<semaphore_mem>>)
      } else {
      }
      %mul3A_47 = arith.constant 32 : i32
      %mul3A_48 = arith.muli %mul3A_36, %mul3A_47 : i32
      %add3A_49 = arith.addi %add3A, %mul3A_48 : i32
      %lt3A_50 = arith.constant 500 : i32
      %lt3A_51 = arith.cmpi slt, %add3A_49, %lt3A_50 : i32
      %convert_element_type3A_52 = arith.extui %lt3A_51 : i1 to i32
      %cond3A_53 = arith.constant 0 : i32
      %cond3A_54 = arith.cmpi ne, %convert_element_type3A_52, %cond3A_53 : i32
      scf.if %cond3A_54 {
        %mul3A_116 = arith.constant 4000 : i32
        %mul3A_117 = arith.muli %add3A_49, %mul3A_116 : i32
        %dma_wait3A = tpu.memref_slice %arg5[%mul3A_117] : memref<2000000xi32, #tpu.memory_space<hbm>> -> memref<4000xi32, #tpu.memory_space<hbm>>
        %dma_wait3A_118 = tpu.memref_slice %arg5[%mul3A_117] : memref<2000000xi32, #tpu.memory_space<hbm>> -> memref<4000xi32, #tpu.memory_space<hbm>>
        tpu.wait_dma2 semaphore(%arg19 : memref<!tpu.dma_semaphore, #tpu.memory_space<semaphore_mem>>) src(%dma_wait3A_118 : memref<4000xi32, #tpu.memory_space<hbm>>) dst(%arg9 : memref<4000xi32, #tpu.memory_space<vmem>>)
        %dma_wait3A_119 = tpu.memref_slice %arg2[%mul3A_117] : memref<2000000xf32, #tpu.memory_space<hbm>> -> memref<4000xf32, #tpu.memory_space<hbm>>
        %dma_wait3A_120 = tpu.memref_slice %arg2[%mul3A_117] : memref<2000000xf32, #tpu.memory_space<hbm>> -> memref<4000xf32, #tpu.memory_space<hbm>>
        tpu.wait_dma2 semaphore(%arg19 : memref<!tpu.dma_semaphore, #tpu.memory_space<semaphore_mem>>) src(%dma_wait3A_120 : memref<4000xf32, #tpu.memory_space<hbm>>) dst(%arg10 : memref<4000xf32, #tpu.memory_space<vmem>>)
        %dma_wait3A_121 = tpu.memref_slice %arg3[%mul3A_117] : memref<2000000xf32, #tpu.memory_space<hbm>> -> memref<4000xf32, #tpu.memory_space<hbm>>
        %dma_wait3A_122 = tpu.memref_slice %arg3[%mul3A_117] : memref<2000000xf32, #tpu.memory_space<hbm>> -> memref<4000xf32, #tpu.memory_space<hbm>>
        tpu.wait_dma2 semaphore(%arg19 : memref<!tpu.dma_semaphore, #tpu.memory_space<semaphore_mem>>) src(%dma_wait3A_122 : memref<4000xf32, #tpu.memory_space<hbm>>) dst(%arg11 : memref<4000xf32, #tpu.memory_space<vmem>>)
        %dma_wait3A_123 = tpu.memref_slice %arg4[%mul3A_117] : memref<2000000xf32, #tpu.memory_space<hbm>> -> memref<4000xf32, #tpu.memory_space<hbm>>
        %dma_wait3A_124 = tpu.memref_slice %arg4[%mul3A_117] : memref<2000000xf32, #tpu.memory_space<hbm>> -> memref<4000xf32, #tpu.memory_space<hbm>>
        tpu.wait_dma2 semaphore(%arg19 : memref<!tpu.dma_semaphore, #tpu.memory_space<semaphore_mem>>) src(%dma_wait3A_124 : memref<4000xf32, #tpu.memory_space<hbm>>) dst(%arg12 : memref<4000xf32, #tpu.memory_space<vmem>>)
      } else {
      }
      %sub3A = arith.constant 2 : i32
      %sub3A_55 = arith.subi %mul3A_36, %sub3A : i32
      %mul3A_56 = arith.constant 32 : i32
      %mul3A_57 = arith.muli %sub3A_55, %mul3A_56 : i32
      %add3A_58 = arith.addi %add3A, %mul3A_57 : i32
      %ge3A_59 = arith.constant 0 : i32
      %ge3A_60 = arith.cmpi sge, %add3A_58, %ge3A_59 : i32
      %lt3A_61 = arith.constant 500 : i32
      %lt3A_62 = arith.cmpi slt, %add3A_58, %lt3A_61 : i32
      %and3A_63 = arith.andi %ge3A_60, %lt3A_62 : i1
      %convert_element_type3A_64 = arith.extui %and3A_63 : i1 to i32
      %cond3A_65 = arith.constant 0 : i32
      %cond3A_66 = arith.cmpi ne, %convert_element_type3A_64, %cond3A_65 : i32
      scf.if %cond3A_66 {
        %mul3A_116 = arith.constant 4000 : i32
        %mul3A_117 = arith.muli %add3A_58, %mul3A_116 : i32
        %dma_wait3A = tpu.memref_slice %arg7[%mul3A_117] : memref<2000000xf32, #tpu.memory_space<hbm>> -> memref<4000xf32, #tpu.memory_space<hbm>>
        %dma_wait3A_118 = tpu.memref_slice %arg7[%mul3A_117] : memref<2000000xf32, #tpu.memory_space<hbm>> -> memref<4000xf32, #tpu.memory_space<hbm>>
        tpu.wait_dma2 semaphore(%arg21 : memref<!tpu.dma_semaphore, #tpu.memory_space<semaphore_mem>>) src(%arg17 : memref<4000xf32, #tpu.memory_space<vmem>>) dst(%dma_wait3A_118 : memref<4000xf32, #tpu.memory_space<hbm>>)
      } else {
      }
      %mul3A_67 = arith.constant 32 : i32
      %mul3A_68 = arith.muli %mul3A_36, %mul3A_67 : i32
      %add3A_69 = arith.addi %add3A, %mul3A_68 : i32
      %lt3A_70 = arith.constant 500 : i32
      %lt3A_71 = arith.cmpi slt, %add3A_69, %lt3A_70 : i32
      %convert_element_type3A_72 = arith.extui %lt3A_71 : i1 to i32
      %cond3A_73 = arith.constant 0 : i32
      %cond3A_74 = arith.cmpi ne, %convert_element_type3A_72, %cond3A_73 : i32
      scf.if %cond3A_74 {
        %mul3A_116 = arith.constant 4000 : i32
        %mul3A_117 = arith.muli %add3A_69, %mul3A_116 : i32
        %parallel_loop3A = arith.constant 0 : i32
        %parallel_loop3A_118 = arith.constant 4000 : i32
        %parallel_loop3A_119 = arith.constant 16 : i32
        scf.for %parallel_loop3A_123 = %parallel_loop3A to %parallel_loop3A_118 step %parallel_loop3A_119  : i32 {
          %parallel_loop3A_124 = arith.index_cast %parallel_loop3A_123 : i32 to index
          %parallel_loop3A_125 = tpu.vector_load %arg9[%parallel_loop3A_124] {strides = array<i32>} : memref<4000xi32, #tpu.memory_space<vmem>>, vector<16xi32>,
          %parallel_loop3A_126 = arith.constant 127 : i32
          %parallel_loop3A_127 = vector.broadcast %parallel_loop3A_126 : i32 to vector<16xi32>
          %parallel_loop3A_128 = arith.andi %parallel_loop3A_125, %parallel_loop3A_127 : vector<16xi32>
          %parallel_loop3A_129 = arith.constant 7 : i32
          %parallel_loop3A_130 = vector.broadcast %parallel_loop3A_129 : i32 to vector<16xi32>
          %parallel_loop3A_131 = arith.shrsi %parallel_loop3A_125, %parallel_loop3A_130 : vector<16xi32>
          %parallel_loop3A_132 = arith.constant 127 : i32
          %parallel_loop3A_133 = vector.broadcast %parallel_loop3A_132 : i32 to vector<16xi32>
          %parallel_loop3A_134 = arith.andi %parallel_loop3A_131, %parallel_loop3A_133 : vector<16xi32>
          %parallel_loop3A_135 = arith.constant 128 : i32
          %parallel_loop3A_136 = vector.broadcast %parallel_loop3A_135 : i32 to vector<16xi32>
          %parallel_loop3A_137 = arith.addi %parallel_loop3A_134, %parallel_loop3A_136 : vector<16xi32>
          %parallel_loop3A_138 = arith.constant 14 : i32
          %parallel_loop3A_139 = vector.broadcast %parallel_loop3A_138 : i32 to vector<16xi32>
          %parallel_loop3A_140 = arith.shrsi %parallel_loop3A_125, %parallel_loop3A_139 : vector<16xi32>
          %parallel_loop3A_141 = arith.constant 256 : i32
          %parallel_loop3A_142 = vector.broadcast %parallel_loop3A_141 : i32 to vector<16xi32>
          %parallel_loop3A_143 = arith.addi %parallel_loop3A_140, %parallel_loop3A_142 : vector<16xi32>
          %parallel_loop3A_144 = arith.index_cast %parallel_loop3A_123 : i32 to index
          %parallel_loop3A_145 = tpu.vector_load %arg10[%parallel_loop3A_144] {strides = array<i32>} : memref<4000xf32, #tpu.memory_space<vmem>>, vector<16xf32>,
          %parallel_loop3A_146 = arith.index_cast %parallel_loop3A_123 : i32 to index
          %parallel_loop3A_147 = tpu.vector_load %arg11[%parallel_loop3A_146] {strides = array<i32>} : memref<4000xf32, #tpu.memory_space<vmem>>, vector<16xf32>,
          %parallel_loop3A_148 = arith.index_cast %parallel_loop3A_123 : i32 to index
          %parallel_loop3A_149 = tpu.vector_load %arg12[%parallel_loop3A_148] {strides = array<i32>} : memref<4000xf32, #tpu.memory_space<vmem>>, vector<16xf32>,
          %parallel_loop3A_150 = tpu.vector_load_idx %arg8[%parallel_loop3A_128] : memref<2048xf32, #tpu.memory_space<vmem>>[vector<16xi32>], vector<16xf32>,
          %parallel_loop3A_151 = arith.mulf %parallel_loop3A_150, %parallel_loop3A_145 : vector<16xf32>
          %parallel_loop3A_152 = tpu.vector_load_idx %arg8[%parallel_loop3A_137] : memref<2048xf32, #tpu.memory_space<vmem>>[vector<16xi32>], vector<16xf32>,
          %parallel_loop3A_153 = arith.mulf %parallel_loop3A_152, %parallel_loop3A_147 : vector<16xf32>
          %parallel_loop3A_154 = tpu.vector_load_idx %arg8[%parallel_loop3A_143] : memref<2048xf32, #tpu.memory_space<vmem>>[vector<16xi32>], vector<16xf32>,
          %parallel_loop3A_155 = arith.mulf %parallel_loop3A_154, %parallel_loop3A_149 : vector<16xf32>
          %parallel_loop3A_156 = arith.constant 384 : i32
          %parallel_loop3A_157 = vector.broadcast %parallel_loop3A_156 : i32 to vector<16xi32>
          %parallel_loop3A_158 = arith.addi %parallel_loop3A_128, %parallel_loop3A_157 : vector<16xi32>
          %parallel_loop3A_159 = tpu.vector_load_idx %arg8[%parallel_loop3A_158] : memref<2048xf32, #tpu.memory_space<vmem>>[vector<16xi32>], vector<16xf32>,
          %parallel_loop3A_160 = arith.constant 384 : i32
          %parallel_loop3A_161 = vector.broadcast %parallel_loop3A_160 : i32 to vector<16xi32>
          %parallel_loop3A_162 = arith.addi %parallel_loop3A_137, %parallel_loop3A_161 : vector<16xi32>
          %parallel_loop3A_163 = tpu.vector_load_idx %arg8[%parallel_loop3A_162] : memref<2048xf32, #tpu.memory_space<vmem>>[vector<16xi32>], vector<16xf32>,
          %parallel_loop3A_164 = arith.constant 384 : i32
          %parallel_loop3A_165 = vector.broadcast %parallel_loop3A_164 : i32 to vector<16xi32>
          %parallel_loop3A_166 = arith.addi %parallel_loop3A_143, %parallel_loop3A_165 : vector<16xi32>
          %parallel_loop3A_167 = tpu.vector_load_idx %arg8[%parallel_loop3A_166] : memref<2048xf32, #tpu.memory_space<vmem>>[vector<16xi32>], vector<16xf32>,
          %parallel_loop3A_168 = arith.constant 768 : i32
          %parallel_loop3A_169 = vector.broadcast %parallel_loop3A_168 : i32 to vector<16xi32>
          %parallel_loop3A_170 = arith.addi %parallel_loop3A_128, %parallel_loop3A_169 : vector<16xi32>
          %parallel_loop3A_171 = tpu.vector_load_idx %arg8[%parallel_loop3A_170] : memref<2048xf32, #tpu.memory_space<vmem>>[vector<16xi32>], vector<16xf32>,
          %parallel_loop3A_172 = arith.constant 768 : i32
          %parallel_loop3A_173 = vector.broadcast %parallel_loop3A_172 : i32 to vector<16xi32>
          %parallel_loop3A_174 = arith.addi %parallel_loop3A_137, %parallel_loop3A_173 : vector<16xi32>
          %parallel_loop3A_175 = tpu.vector_load_idx %arg8[%parallel_loop3A_174] : memref<2048xf32, #tpu.memory_space<vmem>>[vector<16xi32>], vector<16xf32>,
          %parallel_loop3A_176 = arith.addf %parallel_loop3A_171, %parallel_loop3A_175 : vector<16xf32>
          %parallel_loop3A_177 = arith.constant 768 : i32
          %parallel_loop3A_178 = vector.broadcast %parallel_loop3A_177 : i32 to vector<16xi32>
          %parallel_loop3A_179 = arith.addi %parallel_loop3A_143, %parallel_loop3A_178 : vector<16xi32>
          %parallel_loop3A_180 = tpu.vector_load_idx %arg8[%parallel_loop3A_179] : memref<2048xf32, #tpu.memory_space<vmem>>[vector<16xi32>], vector<16xf32>,
          %parallel_loop3A_181 = arith.addf %parallel_loop3A_176, %parallel_loop3A_180 : vector<16xf32>
          %parallel_loop3A_182 = arith.addf %parallel_loop3A_151, %parallel_loop3A_159 : vector<16xf32>
          %parallel_loop3A_183 = arith.mulf %parallel_loop3A_182, %parallel_loop3A_145 : vector<16xf32>
          %parallel_loop3A_184 = arith.addf %parallel_loop3A_153, %parallel_loop3A_163 : vector<16xf32>
          %parallel_loop3A_185 = arith.mulf %parallel_loop3A_184, %parallel_loop3A_147 : vector<16xf32>
          %parallel_loop3A_186 = arith.addf %parallel_loop3A_183, %parallel_loop3A_185 : vector<16xf32>
          %parallel_loop3A_187 = arith.addf %parallel_loop3A_155, %parallel_loop3A_167 : vector<16xf32>
          %parallel_loop3A_188 = arith.mulf %parallel_loop3A_187, %parallel_loop3A_149 : vector<16xf32>
          %parallel_loop3A_189 = arith.addf %parallel_loop3A_186, %parallel_loop3A_188 : vector<16xf32>
          %parallel_loop3A_190 = arith.addf %parallel_loop3A_189, %parallel_loop3A_181 : vector<16xf32>
          %parallel_loop3A_191 = arith.constant 2.000000e+00 : f32
          %parallel_loop3A_192 = vector.broadcast %parallel_loop3A_191 : f32 to vector<16xf32>
          %parallel_loop3A_193 = arith.mulf %parallel_loop3A_192, %parallel_loop3A_151 : vector<16xf32>
          %parallel_loop3A_194 = arith.addf %parallel_loop3A_193, %parallel_loop3A_159 : vector<16xf32>
          %parallel_loop3A_195 = arith.constant 2.000000e+00 : f32
          %parallel_loop3A_196 = vector.broadcast %parallel_loop3A_195 : f32 to vector<16xf32>
          %parallel_loop3A_197 = arith.mulf %parallel_loop3A_196, %parallel_loop3A_153 : vector<16xf32>
          %parallel_loop3A_198 = arith.addf %parallel_loop3A_197, %parallel_loop3A_163 : vector<16xf32>
          %parallel_loop3A_199 = arith.constant 2.000000e+00 : f32
          %parallel_loop3A_200 = vector.broadcast %parallel_loop3A_199 : f32 to vector<16xf32>
          %parallel_loop3A_201 = arith.mulf %parallel_loop3A_200, %parallel_loop3A_155 : vector<16xf32>
          %parallel_loop3A_202 = arith.addf %parallel_loop3A_201, %parallel_loop3A_167 : vector<16xf32>
          %parallel_loop3A_203 = arith.mulf %parallel_loop3A_194, %parallel_loop3A_194 : vector<16xf32>
          %parallel_loop3A_204 = arith.mulf %parallel_loop3A_198, %parallel_loop3A_198 : vector<16xf32>
          %parallel_loop3A_205 = arith.addf %parallel_loop3A_203, %parallel_loop3A_204 : vector<16xf32>
          %parallel_loop3A_206 = arith.mulf %parallel_loop3A_202, %parallel_loop3A_202 : vector<16xf32>
          %parallel_loop3A_207 = arith.addf %parallel_loop3A_205, %parallel_loop3A_206 : vector<16xf32>
          %parallel_loop3A_208 = tpu.bitcast %parallel_loop3A_207 : vector<16xf32> -> vector<16xi32>
          %parallel_loop3A_209 = arith.constant 1 : i32
          %parallel_loop3A_210 = vector.broadcast %parallel_loop3A_209 : i32 to vector<16xi32>
          %parallel_loop3A_211 = arith.shrsi %parallel_loop3A_208, %parallel_loop3A_210 : vector<16xi32>
          %parallel_loop3A_212 = arith.constant 1597463007 : i32
          %parallel_loop3A_213 = vector.broadcast %parallel_loop3A_212 : i32 to vector<16xi32>
          %parallel_loop3A_214 = arith.subi %parallel_loop3A_213, %parallel_loop3A_211 : vector<16xi32>
          %parallel_loop3A_215 = tpu.bitcast %parallel_loop3A_214 : vector<16xi32> -> vector<16xf32>
          %parallel_loop3A_216 = arith.constant 5.000000e-01 : f32
          %parallel_loop3A_217 = vector.broadcast %parallel_loop3A_216 : f32 to vector<16xf32>
          %parallel_loop3A_218 = arith.mulf %parallel_loop3A_217, %parallel_loop3A_207 : vector<16xf32>
          %parallel_loop3A_219 = arith.mulf %parallel_loop3A_218, %parallel_loop3A_215 : vector<16xf32>
          %parallel_loop3A_220 = arith.mulf %parallel_loop3A_219, %parallel_loop3A_215 : vector<16xf32>
          %parallel_loop3A_221 = arith.constant 1.500000e+00 : f32
          %parallel_loop3A_222 = vector.broadcast %parallel_loop3A_221 : f32 to vector<16xf32>
          %parallel_loop3A_223 = arith.subf %parallel_loop3A_222, %parallel_loop3A_220 : vector<16xf32>
          %parallel_loop3A_224 = arith.mulf %parallel_loop3A_215, %parallel_loop3A_223 : vector<16xf32>
          %parallel_loop3A_225 = arith.mulf %parallel_loop3A_218, %parallel_loop3A_224 : vector<16xf32>
          %parallel_loop3A_226 = arith.mulf %parallel_loop3A_225, %parallel_loop3A_224 : vector<16xf32>
          %parallel_loop3A_227 = arith.constant 1.500000e+00 : f32
          %parallel_loop3A_228 = vector.broadcast %parallel_loop3A_227 : f32 to vector<16xf32>
          %parallel_loop3A_229 = arith.subf %parallel_loop3A_228, %parallel_loop3A_226 : vector<16xf32>
          %parallel_loop3A_230 = arith.mulf %parallel_loop3A_224, %parallel_loop3A_229 : vector<16xf32>
          %parallel_loop3A_231 = arith.mulf %parallel_loop3A_190, %parallel_loop3A_230 : vector<16xf32>
          %parallel_loop3A_232 = arith.constant 7.812500e-03 : f32
          %parallel_loop3A_233 = vector.broadcast %parallel_loop3A_232 : f32 to vector<16xf32>
          %parallel_loop3A_234 = arith.mulf %parallel_loop3A_231, %parallel_loop3A_233 : vector<16xf32>
          %parallel_loop3A_235 = arith.index_cast %parallel_loop3A_123 : i32 to index
          %parallel_loop3A_236 = tpu.vector_load %arg17[%parallel_loop3A_235] {strides = array<i32>} : memref<4000xf32, #tpu.memory_space<vmem>>, vector<16xf32>,
          tpu.vector_store %arg17[%parallel_loop3A_235], %parallel_loop3A_234 {strides = array<i32>} : memref<4000xf32, #tpu.memory_space<vmem>>, vector<16xf32>,
        } {sc.loop_unroll_factor = 5 : i64, sc.parallel_access}
        %mul3A_120 = arith.constant 4000 : i32
        %mul3A_121 = arith.muli %add3A_69, %mul3A_120 : i32
        %dma_start3A = tpu.memref_slice %arg7[%mul3A_121] : memref<2000000xf32, #tpu.memory_space<hbm>> -> memref<4000xf32, #tpu.memory_space<hbm>>
        %dma_start3A_122 = tpu.memref_slice %arg7[%mul3A_121] : memref<2000000xf32, #tpu.memory_space<hbm>> -> memref<4000xf32, #tpu.memory_space<hbm>>
        tpu.enqueue_dma source(%arg17 : memref<4000xf32, #tpu.memory_space<vmem>>) target(%dma_start3A_122 : memref<4000xf32, #tpu.memory_space<hbm>>) target_semaphore(%arg21 : memref<!tpu.dma_semaphore, #tpu.memory_space<semaphore_mem>>)
      } else {
      }
      %add3A_75 = arith.constant 1 : i32
      %add3A_76 = arith.addi %mul3A_36, %add3A_75 : i32
      %add3A_77 = arith.constant 1 : i32
      %add3A_78 = arith.addi %add3A_76, %add3A_77 : i32
      %mul3A_79 = arith.constant 32 : i32
      %mul3A_80 = arith.muli %add3A_78, %mul3A_79 : i32
      %add3A_81 = arith.addi %add3A, %mul3A_80 : i32
      %lt3A_82 = arith.constant 500 : i32
      %lt3A_83 = arith.cmpi slt, %add3A_81, %lt3A_82 : i32
      %convert_element_type3A_84 = arith.extui %lt3A_83 : i1 to i32
      %cond3A_85 = arith.constant 0 : i32
      %cond3A_86 = arith.cmpi ne, %convert_element_type3A_84, %cond3A_85 : i32
      scf.if %cond3A_86 {
        %mul3A_116 = arith.constant 4000 : i32
        %mul3A_117 = arith.muli %add3A_81, %mul3A_116 : i32
        %dma_start3A = tpu.memref_slice %arg5[%mul3A_117] : memref<2000000xi32, #tpu.memory_space<hbm>> -> memref<4000xi32, #tpu.memory_space<hbm>>
        %dma_start3A_118 = tpu.memref_slice %arg5[%mul3A_117] : memref<2000000xi32, #tpu.memory_space<hbm>> -> memref<4000xi32, #tpu.memory_space<hbm>>
        tpu.enqueue_dma source(%dma_start3A_118 : memref<4000xi32, #tpu.memory_space<hbm>>) target(%arg9 : memref<4000xi32, #tpu.memory_space<vmem>>) target_semaphore(%arg19 : memref<!tpu.dma_semaphore, #tpu.memory_space<semaphore_mem>>)
        %dma_start3A_119 = tpu.memref_slice %arg2[%mul3A_117] : memref<2000000xf32, #tpu.memory_space<hbm>> -> memref<4000xf32, #tpu.memory_space<hbm>>
        %dma_start3A_120 = tpu.memref_slice %arg2[%mul3A_117] : memref<2000000xf32, #tpu.memory_space<hbm>> -> memref<4000xf32, #tpu.memory_space<hbm>>
        tpu.enqueue_dma source(%dma_start3A_120 : memref<4000xf32, #tpu.memory_space<hbm>>) target(%arg10 : memref<4000xf32, #tpu.memory_space<vmem>>) target_semaphore(%arg19 : memref<!tpu.dma_semaphore, #tpu.memory_space<semaphore_mem>>)
        %dma_start3A_121 = tpu.memref_slice %arg3[%mul3A_117] : memref<2000000xf32, #tpu.memory_space<hbm>> -> memref<4000xf32, #tpu.memory_space<hbm>>
        %dma_start3A_122 = tpu.memref_slice %arg3[%mul3A_117] : memref<2000000xf32, #tpu.memory_space<hbm>> -> memref<4000xf32, #tpu.memory_space<hbm>>
        tpu.enqueue_dma source(%dma_start3A_122 : memref<4000xf32, #tpu.memory_space<hbm>>) target(%arg11 : memref<4000xf32, #tpu.memory_space<vmem>>) target_semaphore(%arg19 : memref<!tpu.dma_semaphore, #tpu.memory_space<semaphore_mem>>)
        %dma_start3A_123 = tpu.memref_slice %arg4[%mul3A_117] : memref<2000000xf32, #tpu.memory_space<hbm>> -> memref<4000xf32, #tpu.memory_space<hbm>>
        %dma_start3A_124 = tpu.memref_slice %arg4[%mul3A_117] : memref<2000000xf32, #tpu.memory_space<hbm>> -> memref<4000xf32, #tpu.memory_space<hbm>>
        tpu.enqueue_dma source(%dma_start3A_124 : memref<4000xf32, #tpu.memory_space<hbm>>) target(%arg12 : memref<4000xf32, #tpu.memory_space<vmem>>) target_semaphore(%arg19 : memref<!tpu.dma_semaphore, #tpu.memory_space<semaphore_mem>>)
      } else {
      }
      %mul3A_87 = arith.constant 32 : i32
      %mul3A_88 = arith.muli %add3A_76, %mul3A_87 : i32
      %add3A_89 = arith.addi %add3A, %mul3A_88 : i32
      %lt3A_90 = arith.constant 500 : i32
      %lt3A_91 = arith.cmpi slt, %add3A_89, %lt3A_90 : i32
      %convert_element_type3A_92 = arith.extui %lt3A_91 : i1 to i32
      %cond3A_93 = arith.constant 0 : i32
      %cond3A_94 = arith.cmpi ne, %convert_element_type3A_92, %cond3A_93 : i32
      scf.if %cond3A_94 {
        %mul3A_116 = arith.constant 4000 : i32
        %mul3A_117 = arith.muli %add3A_89, %mul3A_116 : i32
        %dma_wait3A = tpu.memref_slice %arg5[%mul3A_117] : memref<2000000xi32, #tpu.memory_space<hbm>> -> memref<4000xi32, #tpu.memory_space<hbm>>
        %dma_wait3A_118 = tpu.memref_slice %arg5[%mul3A_117] : memref<2000000xi32, #tpu.memory_space<hbm>> -> memref<4000xi32, #tpu.memory_space<hbm>>
        tpu.wait_dma2 semaphore(%arg20 : memref<!tpu.dma_semaphore, #tpu.memory_space<semaphore_mem>>) src(%dma_wait3A_118 : memref<4000xi32, #tpu.memory_space<hbm>>) dst(%arg13 : memref<4000xi32, #tpu.memory_space<vmem>>)
        %dma_wait3A_119 = tpu.memref_slice %arg2[%mul3A_117] : memref<2000000xf32, #tpu.memory_space<hbm>> -> memref<4000xf32, #tpu.memory_space<hbm>>
        %dma_wait3A_120 = tpu.memref_slice %arg2[%mul3A_117] : memref<2000000xf32, #tpu.memory_space<hbm>> -> memref<4000xf32, #tpu.memory_space<hbm>>
        tpu.wait_dma2 semaphore(%arg20 : memref<!tpu.dma_semaphore, #tpu.memory_space<semaphore_mem>>) src(%dma_wait3A_120 : memref<4000xf32, #tpu.memory_space<hbm>>) dst(%arg14 : memref<4000xf32, #tpu.memory_space<vmem>>)
        %dma_wait3A_121 = tpu.memref_slice %arg3[%mul3A_117] : memref<2000000xf32, #tpu.memory_space<hbm>> -> memref<4000xf32, #tpu.memory_space<hbm>>
        %dma_wait3A_122 = tpu.memref_slice %arg3[%mul3A_117] : memref<2000000xf32, #tpu.memory_space<hbm>> -> memref<4000xf32, #tpu.memory_space<hbm>>
        tpu.wait_dma2 semaphore(%arg20 : memref<!tpu.dma_semaphore, #tpu.memory_space<semaphore_mem>>) src(%dma_wait3A_122 : memref<4000xf32, #tpu.memory_space<hbm>>) dst(%arg15 : memref<4000xf32, #tpu.memory_space<vmem>>)
        %dma_wait3A_123 = tpu.memref_slice %arg4[%mul3A_117] : memref<2000000xf32, #tpu.memory_space<hbm>> -> memref<4000xf32, #tpu.memory_space<hbm>>
        %dma_wait3A_124 = tpu.memref_slice %arg4[%mul3A_117] : memref<2000000xf32, #tpu.memory_space<hbm>> -> memref<4000xf32, #tpu.memory_space<hbm>>
        tpu.wait_dma2 semaphore(%arg20 : memref<!tpu.dma_semaphore, #tpu.memory_space<semaphore_mem>>) src(%dma_wait3A_124 : memref<4000xf32, #tpu.memory_space<hbm>>) dst(%arg16 : memref<4000xf32, #tpu.memory_space<vmem>>)
      } else {
      }
      %sub3A_95 = arith.constant 2 : i32
      %sub3A_96 = arith.subi %add3A_76, %sub3A_95 : i32
      %mul3A_97 = arith.constant 32 : i32
      %mul3A_98 = arith.muli %sub3A_96, %mul3A_97 : i32
      %add3A_99 = arith.addi %add3A, %mul3A_98 : i32
      %ge3A_100 = arith.constant 0 : i32
      %ge3A_101 = arith.cmpi sge, %add3A_99, %ge3A_100 : i32
      %lt3A_102 = arith.constant 500 : i32
      %lt3A_103 = arith.cmpi slt, %add3A_99, %lt3A_102 : i32
      %and3A_104 = arith.andi %ge3A_101, %lt3A_103 : i1
      %convert_element_type3A_105 = arith.extui %and3A_104 : i1 to i32
      %cond3A_106 = arith.constant 0 : i32
      %cond3A_107 = arith.cmpi ne, %convert_element_type3A_105, %cond3A_106 : i32
      scf.if %cond3A_107 {
        %mul3A_116 = arith.constant 4000 : i32
        %mul3A_117 = arith.muli %add3A_99, %mul3A_116 : i32
        %dma_wait3A = tpu.memref_slice %arg7[%mul3A_117] : memref<2000000xf32, #tpu.memory_space<hbm>> -> memref<4000xf32, #tpu.memory_space<hbm>>
        %dma_wait3A_118 = tpu.memref_slice %arg7[%mul3A_117] : memref<2000000xf32, #tpu.memory_space<hbm>> -> memref<4000xf32, #tpu.memory_space<hbm>>
        tpu.wait_dma2 semaphore(%arg22 : memref<!tpu.dma_semaphore, #tpu.memory_space<semaphore_mem>>) src(%arg18 : memref<4000xf32, #tpu.memory_space<vmem>>) dst(%dma_wait3A_118 : memref<4000xf32, #tpu.memory_space<hbm>>)
      } else {
      }
      %mul3A_108 = arith.constant 32 : i32
      %mul3A_109 = arith.muli %add3A_76, %mul3A_108 : i32
      %add3A_110 = arith.addi %add3A, %mul3A_109 : i32
      %lt3A_111 = arith.constant 500 : i32
      %lt3A_112 = arith.cmpi slt, %add3A_110, %lt3A_111 : i32
      %convert_element_type3A_113 = arith.extui %lt3A_112 : i1 to i32
      %cond3A_114 = arith.constant 0 : i32
      %cond3A_115 = arith.cmpi ne, %convert_element_type3A_113, %cond3A_114 : i32
      scf.if %cond3A_115 {
        %mul3A_116 = arith.constant 4000 : i32
        %mul3A_117 = arith.muli %add3A_110, %mul3A_116 : i32
        %parallel_loop3A = arith.constant 0 : i32
        %parallel_loop3A_118 = arith.constant 4000 : i32
        %parallel_loop3A_119 = arith.constant 16 : i32
        scf.for %parallel_loop3A_123 = %parallel_loop3A to %parallel_loop3A_118 step %parallel_loop3A_119  : i32 {
          %parallel_loop3A_124 = arith.index_cast %parallel_loop3A_123 : i32 to index
          %parallel_loop3A_125 = tpu.vector_load %arg13[%parallel_loop3A_124] {strides = array<i32>} : memref<4000xi32, #tpu.memory_space<vmem>>, vector<16xi32>,
          %parallel_loop3A_126 = arith.constant 127 : i32
          %parallel_loop3A_127 = vector.broadcast %parallel_loop3A_126 : i32 to vector<16xi32>
          %parallel_loop3A_128 = arith.andi %parallel_loop3A_125, %parallel_loop3A_127 : vector<16xi32>
          %parallel_loop3A_129 = arith.constant 7 : i32
          %parallel_loop3A_130 = vector.broadcast %parallel_loop3A_129 : i32 to vector<16xi32>
          %parallel_loop3A_131 = arith.shrsi %parallel_loop3A_125, %parallel_loop3A_130 : vector<16xi32>
          %parallel_loop3A_132 = arith.constant 127 : i32
          %parallel_loop3A_133 = vector.broadcast %parallel_loop3A_132 : i32 to vector<16xi32>
          %parallel_loop3A_134 = arith.andi %parallel_loop3A_131, %parallel_loop3A_133 : vector<16xi32>
          %parallel_loop3A_135 = arith.constant 128 : i32
          %parallel_loop3A_136 = vector.broadcast %parallel_loop3A_135 : i32 to vector<16xi32>
          %parallel_loop3A_137 = arith.addi %parallel_loop3A_134, %parallel_loop3A_136 : vector<16xi32>
          %parallel_loop3A_138 = arith.constant 14 : i32
          %parallel_loop3A_139 = vector.broadcast %parallel_loop3A_138 : i32 to vector<16xi32>
          %parallel_loop3A_140 = arith.shrsi %parallel_loop3A_125, %parallel_loop3A_139 : vector<16xi32>
          %parallel_loop3A_141 = arith.constant 256 : i32
          %parallel_loop3A_142 = vector.broadcast %parallel_loop3A_141 : i32 to vector<16xi32>
          %parallel_loop3A_143 = arith.addi %parallel_loop3A_140, %parallel_loop3A_142 : vector<16xi32>
          %parallel_loop3A_144 = arith.index_cast %parallel_loop3A_123 : i32 to index
          %parallel_loop3A_145 = tpu.vector_load %arg14[%parallel_loop3A_144] {strides = array<i32>} : memref<4000xf32, #tpu.memory_space<vmem>>, vector<16xf32>,
          %parallel_loop3A_146 = arith.index_cast %parallel_loop3A_123 : i32 to index
          %parallel_loop3A_147 = tpu.vector_load %arg15[%parallel_loop3A_146] {strides = array<i32>} : memref<4000xf32, #tpu.memory_space<vmem>>, vector<16xf32>,
          %parallel_loop3A_148 = arith.index_cast %parallel_loop3A_123 : i32 to index
          %parallel_loop3A_149 = tpu.vector_load %arg16[%parallel_loop3A_148] {strides = array<i32>} : memref<4000xf32, #tpu.memory_space<vmem>>, vector<16xf32>,
          %parallel_loop3A_150 = tpu.vector_load_idx %arg8[%parallel_loop3A_128] : memref<2048xf32, #tpu.memory_space<vmem>>[vector<16xi32>], vector<16xf32>,
          %parallel_loop3A_151 = arith.mulf %parallel_loop3A_150, %parallel_loop3A_145 : vector<16xf32>
          %parallel_loop3A_152 = tpu.vector_load_idx %arg8[%parallel_loop3A_137] : memref<2048xf32, #tpu.memory_space<vmem>>[vector<16xi32>], vector<16xf32>,
          %parallel_loop3A_153 = arith.mulf %parallel_loop3A_152, %parallel_loop3A_147 : vector<16xf32>
          %parallel_loop3A_154 = tpu.vector_load_idx %arg8[%parallel_loop3A_143] : memref<2048xf32, #tpu.memory_space<vmem>>[vector<16xi32>], vector<16xf32>,
          %parallel_loop3A_155 = arith.mulf %parallel_loop3A_154, %parallel_loop3A_149 : vector<16xf32>
          %parallel_loop3A_156 = arith.constant 384 : i32
          %parallel_loop3A_157 = vector.broadcast %parallel_loop3A_156 : i32 to vector<16xi32>
          %parallel_loop3A_158 = arith.addi %parallel_loop3A_128, %parallel_loop3A_157 : vector<16xi32>
          %parallel_loop3A_159 = tpu.vector_load_idx %arg8[%parallel_loop3A_158] : memref<2048xf32, #tpu.memory_space<vmem>>[vector<16xi32>], vector<16xf32>,
          %parallel_loop3A_160 = arith.constant 384 : i32
          %parallel_loop3A_161 = vector.broadcast %parallel_loop3A_160 : i32 to vector<16xi32>
          %parallel_loop3A_162 = arith.addi %parallel_loop3A_137, %parallel_loop3A_161 : vector<16xi32>
          %parallel_loop3A_163 = tpu.vector_load_idx %arg8[%parallel_loop3A_162] : memref<2048xf32, #tpu.memory_space<vmem>>[vector<16xi32>], vector<16xf32>,
          %parallel_loop3A_164 = arith.constant 384 : i32
          %parallel_loop3A_165 = vector.broadcast %parallel_loop3A_164 : i32 to vector<16xi32>
          %parallel_loop3A_166 = arith.addi %parallel_loop3A_143, %parallel_loop3A_165 : vector<16xi32>
          %parallel_loop3A_167 = tpu.vector_load_idx %arg8[%parallel_loop3A_166] : memref<2048xf32, #tpu.memory_space<vmem>>[vector<16xi32>], vector<16xf32>,
          %parallel_loop3A_168 = arith.constant 768 : i32
          %parallel_loop3A_169 = vector.broadcast %parallel_loop3A_168 : i32 to vector<16xi32>
          %parallel_loop3A_170 = arith.addi %parallel_loop3A_128, %parallel_loop3A_169 : vector<16xi32>
          %parallel_loop3A_171 = tpu.vector_load_idx %arg8[%parallel_loop3A_170] : memref<2048xf32, #tpu.memory_space<vmem>>[vector<16xi32>], vector<16xf32>,
          %parallel_loop3A_172 = arith.constant 768 : i32
          %parallel_loop3A_173 = vector.broadcast %parallel_loop3A_172 : i32 to vector<16xi32>
          %parallel_loop3A_174 = arith.addi %parallel_loop3A_137, %parallel_loop3A_173 : vector<16xi32>
          %parallel_loop3A_175 = tpu.vector_load_idx %arg8[%parallel_loop3A_174] : memref<2048xf32, #tpu.memory_space<vmem>>[vector<16xi32>], vector<16xf32>,
          %parallel_loop3A_176 = arith.addf %parallel_loop3A_171, %parallel_loop3A_175 : vector<16xf32>
          %parallel_loop3A_177 = arith.constant 768 : i32
          %parallel_loop3A_178 = vector.broadcast %parallel_loop3A_177 : i32 to vector<16xi32>
          %parallel_loop3A_179 = arith.addi %parallel_loop3A_143, %parallel_loop3A_178 : vector<16xi32>
          %parallel_loop3A_180 = tpu.vector_load_idx %arg8[%parallel_loop3A_179] : memref<2048xf32, #tpu.memory_space<vmem>>[vector<16xi32>], vector<16xf32>,
          %parallel_loop3A_181 = arith.addf %parallel_loop3A_176, %parallel_loop3A_180 : vector<16xf32>
          %parallel_loop3A_182 = arith.addf %parallel_loop3A_151, %parallel_loop3A_159 : vector<16xf32>
          %parallel_loop3A_183 = arith.mulf %parallel_loop3A_182, %parallel_loop3A_145 : vector<16xf32>
          %parallel_loop3A_184 = arith.addf %parallel_loop3A_153, %parallel_loop3A_163 : vector<16xf32>
          %parallel_loop3A_185 = arith.mulf %parallel_loop3A_184, %parallel_loop3A_147 : vector<16xf32>
          %parallel_loop3A_186 = arith.addf %parallel_loop3A_183, %parallel_loop3A_185 : vector<16xf32>
          %parallel_loop3A_187 = arith.addf %parallel_loop3A_155, %parallel_loop3A_167 : vector<16xf32>
          %parallel_loop3A_188 = arith.mulf %parallel_loop3A_187, %parallel_loop3A_149 : vector<16xf32>
          %parallel_loop3A_189 = arith.addf %parallel_loop3A_186, %parallel_loop3A_188 : vector<16xf32>
          %parallel_loop3A_190 = arith.addf %parallel_loop3A_189, %parallel_loop3A_181 : vector<16xf32>
          %parallel_loop3A_191 = arith.constant 2.000000e+00 : f32
          %parallel_loop3A_192 = vector.broadcast %parallel_loop3A_191 : f32 to vector<16xf32>
          %parallel_loop3A_193 = arith.mulf %parallel_loop3A_192, %parallel_loop3A_151 : vector<16xf32>
          %parallel_loop3A_194 = arith.addf %parallel_loop3A_193, %parallel_loop3A_159 : vector<16xf32>
          %parallel_loop3A_195 = arith.constant 2.000000e+00 : f32
          %parallel_loop3A_196 = vector.broadcast %parallel_loop3A_195 : f32 to vector<16xf32>
          %parallel_loop3A_197 = arith.mulf %parallel_loop3A_196, %parallel_loop3A_153 : vector<16xf32>
          %parallel_loop3A_198 = arith.addf %parallel_loop3A_197, %parallel_loop3A_163 : vector<16xf32>
          %parallel_loop3A_199 = arith.constant 2.000000e+00 : f32
          %parallel_loop3A_200 = vector.broadcast %parallel_loop3A_199 : f32 to vector<16xf32>
          %parallel_loop3A_201 = arith.mulf %parallel_loop3A_200, %parallel_loop3A_155 : vector<16xf32>
          %parallel_loop3A_202 = arith.addf %parallel_loop3A_201, %parallel_loop3A_167 : vector<16xf32>
          %parallel_loop3A_203 = arith.mulf %parallel_loop3A_194, %parallel_loop3A_194 : vector<16xf32>
          %parallel_loop3A_204 = arith.mulf %parallel_loop3A_198, %parallel_loop3A_198 : vector<16xf32>
          %parallel_loop3A_205 = arith.addf %parallel_loop3A_203, %parallel_loop3A_204 : vector<16xf32>
          %parallel_loop3A_206 = arith.mulf %parallel_loop3A_202, %parallel_loop3A_202 : vector<16xf32>
          %parallel_loop3A_207 = arith.addf %parallel_loop3A_205, %parallel_loop3A_206 : vector<16xf32>
          %parallel_loop3A_208 = tpu.bitcast %parallel_loop3A_207 : vector<16xf32> -> vector<16xi32>
          %parallel_loop3A_209 = arith.constant 1 : i32
          %parallel_loop3A_210 = vector.broadcast %parallel_loop3A_209 : i32 to vector<16xi32>
          %parallel_loop3A_211 = arith.shrsi %parallel_loop3A_208, %parallel_loop3A_210 : vector<16xi32>
          %parallel_loop3A_212 = arith.constant 1597463007 : i32
          %parallel_loop3A_213 = vector.broadcast %parallel_loop3A_212 : i32 to vector<16xi32>
          %parallel_loop3A_214 = arith.subi %parallel_loop3A_213, %parallel_loop3A_211 : vector<16xi32>
          %parallel_loop3A_215 = tpu.bitcast %parallel_loop3A_214 : vector<16xi32> -> vector<16xf32>
          %parallel_loop3A_216 = arith.constant 5.000000e-01 : f32
          %parallel_loop3A_217 = vector.broadcast %parallel_loop3A_216 : f32 to vector<16xf32>
          %parallel_loop3A_218 = arith.mulf %parallel_loop3A_217, %parallel_loop3A_207 : vector<16xf32>
          %parallel_loop3A_219 = arith.mulf %parallel_loop3A_218, %parallel_loop3A_215 : vector<16xf32>
          %parallel_loop3A_220 = arith.mulf %parallel_loop3A_219, %parallel_loop3A_215 : vector<16xf32>
          %parallel_loop3A_221 = arith.constant 1.500000e+00 : f32
          %parallel_loop3A_222 = vector.broadcast %parallel_loop3A_221 : f32 to vector<16xf32>
          %parallel_loop3A_223 = arith.subf %parallel_loop3A_222, %parallel_loop3A_220 : vector<16xf32>
          %parallel_loop3A_224 = arith.mulf %parallel_loop3A_215, %parallel_loop3A_223 : vector<16xf32>
          %parallel_loop3A_225 = arith.mulf %parallel_loop3A_218, %parallel_loop3A_224 : vector<16xf32>
          %parallel_loop3A_226 = arith.mulf %parallel_loop3A_225, %parallel_loop3A_224 : vector<16xf32>
          %parallel_loop3A_227 = arith.constant 1.500000e+00 : f32
          %parallel_loop3A_228 = vector.broadcast %parallel_loop3A_227 : f32 to vector<16xf32>
          %parallel_loop3A_229 = arith.subf %parallel_loop3A_228, %parallel_loop3A_226 : vector<16xf32>
          %parallel_loop3A_230 = arith.mulf %parallel_loop3A_224, %parallel_loop3A_229 : vector<16xf32>
          %parallel_loop3A_231 = arith.mulf %parallel_loop3A_190, %parallel_loop3A_230 : vector<16xf32>
          %parallel_loop3A_232 = arith.constant 7.812500e-03 : f32
          %parallel_loop3A_233 = vector.broadcast %parallel_loop3A_232 : f32 to vector<16xf32>
          %parallel_loop3A_234 = arith.mulf %parallel_loop3A_231, %parallel_loop3A_233 : vector<16xf32>
          %parallel_loop3A_235 = arith.index_cast %parallel_loop3A_123 : i32 to index
          %parallel_loop3A_236 = tpu.vector_load %arg18[%parallel_loop3A_235] {strides = array<i32>} : memref<4000xf32, #tpu.memory_space<vmem>>, vector<16xf32>,
          tpu.vector_store %arg18[%parallel_loop3A_235], %parallel_loop3A_234 {strides = array<i32>} : memref<4000xf32, #tpu.memory_space<vmem>>, vector<16xf32>,
        } {sc.loop_unroll_factor = 5 : i64, sc.parallel_access}
        %mul3A_120 = arith.constant 4000 : i32
        %mul3A_121 = arith.muli %add3A_110, %mul3A_120 : i32
        %dma_start3A = tpu.memref_slice %arg7[%mul3A_121] : memref<2000000xf32, #tpu.memory_space<hbm>> -> memref<4000xf32, #tpu.memory_space<hbm>>
        %dma_start3A_122 = tpu.memref_slice %arg7[%mul3A_121] : memref<2000000xf32, #tpu.memory_space<hbm>> -> memref<4000xf32, #tpu.memory_space<hbm>>
        tpu.enqueue_dma source(%arg18 : memref<4000xf32, #tpu.memory_space<vmem>>) target(%dma_start3A_122 : memref<4000xf32, #tpu.memory_space<hbm>>) target_semaphore(%arg22 : memref<!tpu.dma_semaphore, #tpu.memory_space<semaphore_mem>>)
      } else {
      }
    }
    %scan3A_11 = arith.constant 8 : i32
    %mul3A_12 = arith.constant 14 : i32
    %mul3A_13 = arith.constant 32 : i32
    %mul3A_14 = arith.muli %mul3A_12, %mul3A_13 : i32
    %add3A_15 = arith.addi %add3A, %mul3A_14 : i32
    %ge3A = arith.constant 0 : i32
    %ge3A_16 = arith.cmpi sge, %add3A_15, %ge3A : i32
    %lt3A_17 = arith.constant 500 : i32
    %lt3A_18 = arith.cmpi slt, %add3A_15, %lt3A_17 : i32
    %and3A = arith.andi %ge3A_16, %lt3A_18 : i1
    %convert_element_type3A_19 = arith.extui %and3A : i1 to i32
    %cond3A_20 = arith.constant 0 : i32
    %cond3A_21 = arith.cmpi ne, %convert_element_type3A_19, %cond3A_20 : i32
    scf.if %cond3A_21 {
      %mul3A_34 = arith.constant 4000 : i32
      %mul3A_35 = arith.muli %add3A_15, %mul3A_34 : i32
      %dma_wait3A = tpu.memref_slice %arg7[%mul3A_35] : memref<2000000xf32, #tpu.memory_space<hbm>> -> memref<4000xf32, #tpu.memory_space<hbm>>
      %dma_wait3A_36 = tpu.memref_slice %arg7[%mul3A_35] : memref<2000000xf32, #tpu.memory_space<hbm>> -> memref<4000xf32, #tpu.memory_space<hbm>>
      tpu.wait_dma2 semaphore(%arg21 : memref<!tpu.dma_semaphore, #tpu.memory_space<semaphore_mem>>) src(%arg17 : memref<4000xf32, #tpu.memory_space<vmem>>) dst(%dma_wait3A_36 : memref<4000xf32, #tpu.memory_space<hbm>>)
    } else {
    }
    %mul3A_22 = arith.constant 15 : i32
    %mul3A_23 = arith.constant 32 : i32
    %mul3A_24 = arith.muli %mul3A_22, %mul3A_23 : i32
    %add3A_25 = arith.addi %add3A, %mul3A_24 : i32
    %ge3A_26 = arith.constant 0 : i32
    %ge3A_27 = arith.cmpi sge, %add3A_25, %ge3A_26 : i32
    %lt3A_28 = arith.constant 500 : i32
    %lt3A_29 = arith.cmpi slt, %add3A_25, %lt3A_28 : i32
    %and3A_30 = arith.andi %ge3A_27, %lt3A_29 : i1
    %convert_element_type3A_31 = arith.extui %and3A_30 : i1 to i32
    %cond3A_32 = arith.constant 0 : i32
    %cond3A_33 = arith.cmpi ne, %convert_element_type3A_31, %cond3A_32 : i32
    scf.if %cond3A_33 {
      %mul3A_34 = arith.constant 4000 : i32
      %mul3A_35 = arith.muli %add3A_25, %mul3A_34 : i32
      %dma_wait3A = tpu.memref_slice %arg7[%mul3A_35] : memref<2000000xf32, #tpu.memory_space<hbm>> -> memref<4000xf32, #tpu.memory_space<hbm>>
      %dma_wait3A_36 = tpu.memref_slice %arg7[%mul3A_35] : memref<2000000xf32, #tpu.memory_space<hbm>> -> memref<4000xf32, #tpu.memory_space<hbm>>
      tpu.wait_dma2 semaphore(%arg22 : memref<!tpu.dma_semaphore, #tpu.memory_space<semaphore_mem>>) src(%arg18 : memref<4000xf32, #tpu.memory_space<vmem>>) dst(%dma_wait3A_36 : memref<4000xf32, #tpu.memory_space<hbm>>)
    } else {
    }
    return
  }
}

module attributes {stable_mosaic.version = 14 : i64} {
  func.func @_table_body(%arg0: memref<4xf32, #tpu.memory_space<smem>>, %arg1: memref<1x128xf32, #tpu.memory_space<vmem>>, %arg2: memref<1x128xf32, #tpu.memory_space<vmem>>, %arg3: memref<1x128xf32, #tpu.memory_space<vmem>>, %arg4: memref<16x128xf32, #tpu.memory_space<vmem>>) attributes {dimension_semantics = [], scalar_prefetch = 0 : i64, scratch_operands = 0 : i64, tpu.core_type = #tpu.core_type<tc>} {
    %iota3A = tpu.iota {dimensions = array<i32: 0>} : vector<128x128xi32>
    %iota3A_0 = tpu.iota {dimensions = array<i32: 1>} : vector<128x128xi32>
    %le3A = arith.cmpi sle, %iota3A, %iota3A_0 : vector<128x128xi32>
    %convert_element_type3A = arith.extui %le3A : vector<128x128xi1> to vector<128x128xi32>
    %convert_element_type3A_1 = arith.sitofp %convert_element_type3A : vector<128x128xi32> to vector<128x128xf32>
    %sub3A = arith.constant 1 : i32
    %sub3A_2 = vector.broadcast %sub3A : i32 to vector<128x128xi32>
    %sub3A_3 = arith.subi %iota3A_0, %sub3A_2 : vector<128x128xi32>
    %eq3A = arith.cmpi eq, %iota3A, %sub3A_3 : vector<128x128xi32>
    %convert_element_type3A_4 = arith.extui %eq3A : vector<128x128xi1> to vector<128x128xi32>
    %convert_element_type3A_5 = arith.sitofp %convert_element_type3A_4 : vector<128x128xi32> to vector<128x128xf32>
    %iota3A_6 = tpu.iota {dimensions = array<i32: 1>} : vector<1x128xi32>
    %gt3A = arith.constant 0 : i32
    %gt3A_7 = vector.broadcast %gt3A : i32 to vector<1x128xi32>
    %gt3A_8 = arith.cmpi sgt, %iota3A_6, %gt3A_7 : vector<1x128xi32>
    %convert_element_type3A_9 = arith.extui %gt3A_8 : vector<1x128xi1> to vector<1x128xi32>
    %convert_element_type3A_10 = arith.sitofp %convert_element_type3A_9 : vector<1x128xi32> to vector<1x128xf32>
    %sub3A_11 = arith.constant 1.000000e+00 : f32
    %sub3A_12 = vector.broadcast %sub3A_11 : f32 to vector<1x128xf32>
    %sub3A_13 = arith.subf %sub3A_12, %convert_element_type3A_10 : vector<1x128xf32>
    %get3A = arith.constant 0 : index
    %get3A_14 = arith.constant 0 : index
    %get3A_15 = vector.load %arg1[%get3A, %get3A_14] : memref<1x128xf32, #tpu.memory_space<vmem>>, vector<1x128xf32>
    %get3A_16 = arith.constant 0 : index
    %get3A_17 = memref.load %arg0[%get3A_16] : memref<4xf32, #tpu.memory_space<smem>>
    %dot_general3A = arith.constant dense<0.000000e+00> : vector<1x128xf32>
    %dot_general3A_18 = tpu.matmul %get3A_15, %convert_element_type3A_5, %dot_general3A {dimension_numbers = #tpu.dot_dimension_numbers<[1], [0], [0], [1], [0, 0, 1, 1], [], []>, transpose_lhs_hint = false} : vector<1x128xf32>, vector<128x128xf32>, vector<1x128xf32> -> vector<1x128xf32>
    %mul3A = arith.mulf %get3A_15, %convert_element_type3A_10 : vector<1x128xf32>
    %add3A = arith.addf %dot_general3A_18, %mul3A : vector<1x128xf32>
    %mul3A_19 = arith.constant 2.000000e+00 : f32
    %mul3A_20 = vector.broadcast %mul3A_19 : f32 to vector<1x128xf32>
    %mul3A_21 = arith.mulf %mul3A_20, %add3A : vector<1x128xf32>
    %mul3A_22 = vector.broadcast %get3A_17 : f32 to vector<1x128xf32>
    %mul3A_23 = arith.mulf %mul3A_22, %sub3A_13 : vector<1x128xf32>
    %add3A_24 = arith.addf %mul3A_21, %mul3A_23 : vector<1x128xf32>
    %dot_general3A_25 = arith.constant dense<0.000000e+00> : vector<1x128xf32>
    %dot_general3A_26 = tpu.matmul %add3A_24, %convert_element_type3A_1, %dot_general3A_25 {dimension_numbers = #tpu.dot_dimension_numbers<[1], [0], [0], [1], [0, 0, 1, 1], [], []>, transpose_lhs_hint = false} : vector<1x128xf32>, vector<128x128xf32>, vector<1x128xf32> -> vector<1x128xf32>
    %dot_general3A_27 = arith.constant dense<0.000000e+00> : vector<1x128xf32>
    %dot_general3A_28 = tpu.matmul %dot_general3A_26, %convert_element_type3A_5, %dot_general3A_27 {dimension_numbers = #tpu.dot_dimension_numbers<[1], [0], [0], [1], [0, 0, 1, 1], [], []>, transpose_lhs_hint = false} : vector<1x128xf32>, vector<128x128xf32>, vector<1x128xf32> -> vector<1x128xf32>
    %mul3A_29 = arith.constant 3.000000e+00 : f32
    %mul3A_30 = vector.broadcast %mul3A_29 : f32 to vector<1x128xf32>
    %mul3A_31 = arith.mulf %mul3A_30, %dot_general3A_18 : vector<1x128xf32>
    %mul3A_32 = arith.mulf %get3A_15, %convert_element_type3A_10 : vector<1x128xf32>
    %add3A_33 = arith.addf %mul3A_31, %mul3A_32 : vector<1x128xf32>
    %mul3A_34 = arith.constant 2.000000e+00 : f32
    %mul3A_35 = vector.broadcast %mul3A_34 : f32 to vector<1x128xf32>
    %mul3A_36 = arith.mulf %mul3A_35, %dot_general3A_28 : vector<1x128xf32>
    %add3A_37 = arith.addf %add3A_33, %mul3A_36 : vector<1x128xf32>
    %dot_general3A_38 = arith.constant dense<0.000000e+00> : vector<1x128xf32>
    %dot_general3A_39 = tpu.matmul %add3A_37, %convert_element_type3A_1, %dot_general3A_38 {dimension_numbers = #tpu.dot_dimension_numbers<[1], [0], [0], [1], [0, 0, 1, 1], [], []>, transpose_lhs_hint = false} : vector<1x128xf32>, vector<128x128xf32>, vector<1x128xf32> -> vector<1x128xf32>
    %get3A_40 = arith.constant 3 : index
    %get3A_41 = memref.load %arg0[%get3A_40] : memref<4xf32, #tpu.memory_space<smem>>
    %add3A_42 = vector.broadcast %get3A_41 : f32 to vector<1x128xf32>
    %add3A_43 = arith.addf %dot_general3A_39, %add3A_42 : vector<1x128xf32>
    %swap3A = arith.constant 0 : index
    %swap3A_44 = arith.constant 0 : index
    %swap3A_45 = vector.load %arg4[%swap3A, %swap3A_44] : memref<16x128xf32, #tpu.memory_space<vmem>>, vector<1x128xf32>
    tpu.vector_store %arg4[%swap3A, %swap3A_44], %get3A_15 {strides = array<i32>} : memref<16x128xf32, #tpu.memory_space<vmem>>, vector<1x128xf32>,
    %swap3A_46 = arith.constant 3 : index
    %swap3A_47 = arith.constant 0 : index
    %swap3A_48 = vector.load %arg4[%swap3A_46, %swap3A_47] : memref<16x128xf32, #tpu.memory_space<vmem>>, vector<1x128xf32>
    tpu.vector_store %arg4[%swap3A_46, %swap3A_47], %dot_general3A_26 {strides = array<i32>} : memref<16x128xf32, #tpu.memory_space<vmem>>, vector<1x128xf32>,
    %swap3A_49 = arith.constant 6 : index
    %swap3A_50 = arith.constant 0 : index
    %swap3A_51 = vector.load %arg4[%swap3A_49, %swap3A_50] : memref<16x128xf32, #tpu.memory_space<vmem>>, vector<1x128xf32>
    tpu.vector_store %arg4[%swap3A_49, %swap3A_50], %add3A_43 {strides = array<i32>} : memref<16x128xf32, #tpu.memory_space<vmem>>, vector<1x128xf32>,
    %get3A_52 = arith.constant 0 : index
    %get3A_53 = arith.constant 0 : index
    %get3A_54 = vector.load %arg2[%get3A_52, %get3A_53] : memref<1x128xf32, #tpu.memory_space<vmem>>, vector<1x128xf32>
    %get3A_55 = arith.constant 1 : index
    %get3A_56 = memref.load %arg0[%get3A_55] : memref<4xf32, #tpu.memory_space<smem>>
    %dot_general3A_57 = arith.constant dense<0.000000e+00> : vector<1x128xf32>
    %dot_general3A_58 = tpu.matmul %get3A_54, %convert_element_type3A_5, %dot_general3A_57 {dimension_numbers = #tpu.dot_dimension_numbers<[1], [0], [0], [1], [0, 0, 1, 1], [], []>, transpose_lhs_hint = false} : vector<1x128xf32>, vector<128x128xf32>, vector<1x128xf32> -> vector<1x128xf32>
    %mul3A_59 = arith.mulf %get3A_54, %convert_element_type3A_10 : vector<1x128xf32>
    %add3A_60 = arith.addf %dot_general3A_58, %mul3A_59 : vector<1x128xf32>
    %mul3A_61 = arith.constant 2.000000e+00 : f32
    %mul3A_62 = vector.broadcast %mul3A_61 : f32 to vector<1x128xf32>
    %mul3A_63 = arith.mulf %mul3A_62, %add3A_60 : vector<1x128xf32>
    %mul3A_64 = vector.broadcast %get3A_56 : f32 to vector<1x128xf32>
    %mul3A_65 = arith.mulf %mul3A_64, %sub3A_13 : vector<1x128xf32>
    %add3A_66 = arith.addf %mul3A_63, %mul3A_65 : vector<1x128xf32>
    %dot_general3A_67 = arith.constant dense<0.000000e+00> : vector<1x128xf32>
    %dot_general3A_68 = tpu.matmul %add3A_66, %convert_element_type3A_1, %dot_general3A_67 {dimension_numbers = #tpu.dot_dimension_numbers<[1], [0], [0], [1], [0, 0, 1, 1], [], []>, transpose_lhs_hint = false} : vector<1x128xf32>, vector<128x128xf32>, vector<1x128xf32> -> vector<1x128xf32>
    %dot_general3A_69 = arith.constant dense<0.000000e+00> : vector<1x128xf32>
    %dot_general3A_70 = tpu.matmul %dot_general3A_68, %convert_element_type3A_5, %dot_general3A_69 {dimension_numbers = #tpu.dot_dimension_numbers<[1], [0], [0], [1], [0, 0, 1, 1], [], []>, transpose_lhs_hint = false} : vector<1x128xf32>, vector<128x128xf32>, vector<1x128xf32> -> vector<1x128xf32>
    %mul3A_71 = arith.constant 3.000000e+00 : f32
    %mul3A_72 = vector.broadcast %mul3A_71 : f32 to vector<1x128xf32>
    %mul3A_73 = arith.mulf %mul3A_72, %dot_general3A_58 : vector<1x128xf32>
    %mul3A_74 = arith.mulf %get3A_54, %convert_element_type3A_10 : vector<1x128xf32>
    %add3A_75 = arith.addf %mul3A_73, %mul3A_74 : vector<1x128xf32>
    %mul3A_76 = arith.constant 2.000000e+00 : f32
    %mul3A_77 = vector.broadcast %mul3A_76 : f32 to vector<1x128xf32>
    %mul3A_78 = arith.mulf %mul3A_77, %dot_general3A_70 : vector<1x128xf32>
    %add3A_79 = arith.addf %add3A_75, %mul3A_78 : vector<1x128xf32>
    %dot_general3A_80 = arith.constant dense<0.000000e+00> : vector<1x128xf32>
    %dot_general3A_81 = tpu.matmul %add3A_79, %convert_element_type3A_1, %dot_general3A_80 {dimension_numbers = #tpu.dot_dimension_numbers<[1], [0], [0], [1], [0, 0, 1, 1], [], []>, transpose_lhs_hint = false} : vector<1x128xf32>, vector<128x128xf32>, vector<1x128xf32> -> vector<1x128xf32>
    %swap3A_82 = arith.constant 1 : index
    %swap3A_83 = arith.constant 0 : index
    %swap3A_84 = vector.load %arg4[%swap3A_82, %swap3A_83] : memref<16x128xf32, #tpu.memory_space<vmem>>, vector<1x128xf32>
    tpu.vector_store %arg4[%swap3A_82, %swap3A_83], %get3A_54 {strides = array<i32>} : memref<16x128xf32, #tpu.memory_space<vmem>>, vector<1x128xf32>,
    %swap3A_85 = arith.constant 4 : index
    %swap3A_86 = arith.constant 0 : index
    %swap3A_87 = vector.load %arg4[%swap3A_85, %swap3A_86] : memref<16x128xf32, #tpu.memory_space<vmem>>, vector<1x128xf32>
    tpu.vector_store %arg4[%swap3A_85, %swap3A_86], %dot_general3A_68 {strides = array<i32>} : memref<16x128xf32, #tpu.memory_space<vmem>>, vector<1x128xf32>,
    %swap3A_88 = arith.constant 7 : index
    %swap3A_89 = arith.constant 0 : index
    %swap3A_90 = vector.load %arg4[%swap3A_88, %swap3A_89] : memref<16x128xf32, #tpu.memory_space<vmem>>, vector<1x128xf32>
    tpu.vector_store %arg4[%swap3A_88, %swap3A_89], %dot_general3A_81 {strides = array<i32>} : memref<16x128xf32, #tpu.memory_space<vmem>>, vector<1x128xf32>,
    %get3A_91 = arith.constant 0 : index
    %get3A_92 = arith.constant 0 : index
    %get3A_93 = vector.load %arg3[%get3A_91, %get3A_92] : memref<1x128xf32, #tpu.memory_space<vmem>>, vector<1x128xf32>
    %get3A_94 = arith.constant 2 : index
    %get3A_95 = memref.load %arg0[%get3A_94] : memref<4xf32, #tpu.memory_space<smem>>
    %dot_general3A_96 = arith.constant dense<0.000000e+00> : vector<1x128xf32>
    %dot_general3A_97 = tpu.matmul %get3A_93, %convert_element_type3A_5, %dot_general3A_96 {dimension_numbers = #tpu.dot_dimension_numbers<[1], [0], [0], [1], [0, 0, 1, 1], [], []>, transpose_lhs_hint = false} : vector<1x128xf32>, vector<128x128xf32>, vector<1x128xf32> -> vector<1x128xf32>
    %mul3A_98 = arith.mulf %get3A_93, %convert_element_type3A_10 : vector<1x128xf32>
    %add3A_99 = arith.addf %dot_general3A_97, %mul3A_98 : vector<1x128xf32>
    %mul3A_100 = arith.constant 2.000000e+00 : f32
    %mul3A_101 = vector.broadcast %mul3A_100 : f32 to vector<1x128xf32>
    %mul3A_102 = arith.mulf %mul3A_101, %add3A_99 : vector<1x128xf32>
    %mul3A_103 = vector.broadcast %get3A_95 : f32 to vector<1x128xf32>
    %mul3A_104 = arith.mulf %mul3A_103, %sub3A_13 : vector<1x128xf32>
    %add3A_105 = arith.addf %mul3A_102, %mul3A_104 : vector<1x128xf32>
    %dot_general3A_106 = arith.constant dense<0.000000e+00> : vector<1x128xf32>
    %dot_general3A_107 = tpu.matmul %add3A_105, %convert_element_type3A_1, %dot_general3A_106 {dimension_numbers = #tpu.dot_dimension_numbers<[1], [0], [0], [1], [0, 0, 1, 1], [], []>, transpose_lhs_hint = false} : vector<1x128xf32>, vector<128x128xf32>, vector<1x128xf32> -> vector<1x128xf32>
    %dot_general3A_108 = arith.constant dense<0.000000e+00> : vector<1x128xf32>
    %dot_general3A_109 = tpu.matmul %dot_general3A_107, %convert_element_type3A_5, %dot_general3A_108 {dimension_numbers = #tpu.dot_dimension_numbers<[1], [0], [0], [1], [0, 0, 1, 1], [], []>, transpose_lhs_hint = false} : vector<1x128xf32>, vector<128x128xf32>, vector<1x128xf32> -> vector<1x128xf32>
    %mul3A_110 = arith.constant 3.000000e+00 : f32
    %mul3A_111 = vector.broadcast %mul3A_110 : f32 to vector<1x128xf32>
    %mul3A_112 = arith.mulf %mul3A_111, %dot_general3A_97 : vector<1x128xf32>
    %mul3A_113 = arith.mulf %get3A_93, %convert_element_type3A_10 : vector<1x128xf32>
    %add3A_114 = arith.addf %mul3A_112, %mul3A_113 : vector<1x128xf32>
    %mul3A_115 = arith.constant 2.000000e+00 : f32
    %mul3A_116 = vector.broadcast %mul3A_115 : f32 to vector<1x128xf32>
    %mul3A_117 = arith.mulf %mul3A_116, %dot_general3A_109 : vector<1x128xf32>
    %add3A_118 = arith.addf %add3A_114, %mul3A_117 : vector<1x128xf32>
    %dot_general3A_119 = arith.constant dense<0.000000e+00> : vector<1x128xf32>
    %dot_general3A_120 = tpu.matmul %add3A_118, %convert_element_type3A_1, %dot_general3A_119 {dimension_numbers = #tpu.dot_dimension_numbers<[1], [0], [0], [1], [0, 0, 1, 1], [], []>, transpose_lhs_hint = false} : vector<1x128xf32>, vector<128x128xf32>, vector<1x128xf32> -> vector<1x128xf32>
    %swap3A_121 = arith.constant 2 : index
    %swap3A_122 = arith.constant 0 : index
    %swap3A_123 = vector.load %arg4[%swap3A_121, %swap3A_122] : memref<16x128xf32, #tpu.memory_space<vmem>>, vector<1x128xf32>
    tpu.vector_store %arg4[%swap3A_121, %swap3A_122], %get3A_93 {strides = array<i32>} : memref<16x128xf32, #tpu.memory_space<vmem>>, vector<1x128xf32>,
    %swap3A_124 = arith.constant 5 : index
    %swap3A_125 = arith.constant 0 : index
    %swap3A_126 = vector.load %arg4[%swap3A_124, %swap3A_125] : memref<16x128xf32, #tpu.memory_space<vmem>>, vector<1x128xf32>
    tpu.vector_store %arg4[%swap3A_124, %swap3A_125], %dot_general3A_107 {strides = array<i32>} : memref<16x128xf32, #tpu.memory_space<vmem>>, vector<1x128xf32>,
    %swap3A_127 = arith.constant 8 : index
    %swap3A_128 = arith.constant 0 : index
    %swap3A_129 = vector.load %arg4[%swap3A_127, %swap3A_128] : memref<16x128xf32, #tpu.memory_space<vmem>>, vector<1x128xf32>
    tpu.vector_store %arg4[%swap3A_127, %swap3A_128], %dot_general3A_120 {strides = array<i32>} : memref<16x128xf32, #tpu.memory_space<vmem>>, vector<1x128xf32>,
    %broadcast_in_dim3A = arith.constant 0.000000e+00 : f32
    %broadcast_in_dim3A_130 = vector.broadcast %broadcast_in_dim3A : f32 to vector<7x128xf32>
    %swap3A_131 = arith.constant 9 : index
    %swap3A_132 = arith.constant 0 : index
    %swap3A_133 = vector.load %arg4[%swap3A_131, %swap3A_132] : memref<16x128xf32, #tpu.memory_space<vmem>>, vector<7x128xf32>
    tpu.vector_store %arg4[%swap3A_131, %swap3A_132], %broadcast_in_dim3A_130 {strides = array<i32>} : memref<16x128xf32, #tpu.memory_space<vmem>>, vector<7x128xf32>,
    return
  }
}

</mosaic_0001>

<sc_bundles>
// kernel: kernel.5.cloned.1.call-start
scs
__scs_entry_jumppad:
0x0: {  	(pc) =	sbr.rel $0x88, $3  }
0x1: {  	(tag) =	ssettag $0x0;
	lr =	simm.s32 $0x1  }
0x2: {  	[smem:$0x3F99] =	sst lr;
	_ =	strace $0xD0000000  }
0x3: {  	_ = 	snop  }
0x4: {  	_ = 	snop  }
0x5: {  	_ = 	snop  }
0x6: {  	_ = 	snop  }
0x7: {  	_ = 	snop  }
__scs_overlays_trampoline_lowered:
0x8: {  	[smem:$0x3FA8] =	sst s0  }
0x9: {  	[smem:$0x3FA9] =	sst s1  }
0xa: {  	[smem:$0x3FAA] =	sst s2  }
0xb: {  	[smem:$0x3FAB] =	sst s3  }
0xc: {  	[smem:$0x3FAC] =	sst s4  }
0xd: {  	[smem:$0x3FAD] =	sst s5  }
0xe: {  	[smem:$0x3FAE] =	sst s6  }
0xf: {  	[smem:$0x3FAF] =	sst s7  }
0x10: {  	[smem:$0x3FB0] =	sst s8  }
0x11: {  	[smem:$0x3FB1] =	sst s9;
	s0 =	simm.s32 @!p0 $0x0  }
0x12: {  	s1 =	sld [smem:$0x3F97];
	s0 =	simm.s32 @p0 $0x1  }
0x13: {  	[smem:$0x3FB2] =	sst s0;
	s0 =	simm.s32 @!p1 $0x0  }
0x14: {  	s2 =	sld [smem:$0x3F96];
	s0 =	simm.s32 @p1 $0x1  }
0x15: {  	[smem:$0x3FB3] =	sst s0;
	s0 =	simm.s32 @!p2 $0x0  }
0x16: {  	s3 =	sld [smem:$0x3FDB];
	s0 =	simm.s32 @p2 $0x1  }
0x17: {  	s4 =	simm.s32 $0x1BF5;
	[smem:$0x3FB5] =	sst s0  }
0x18: {  	s0 =	sld [smem:$0x3F98];
	_ =	swait.ge [sflag:s4], $0x0  }
0x19: {  	s7 =	sld [smem:$0x3F99]  }
0x1a: {  	s8 =	sadd.s32 $0xFFFFE003, lr  }
0x1b: {  	s9 =	sadd.s32 $0xFFFFFEF7, lr;
	s5 =	simm.s32 $0xFFFFFFFF;
	p2 =	slt.u32 s8, $0xFFFFF086  }
0x1c: {  	p1 =	slt.u32 s9, $0xF7A;
	s5 =	simm.s32 @!p2 $0x0  }
0x1d: {  	s5 =	simm.s32 @p1 $0x1;
	p0 =	seq.s32 s7, s2  }
0x1e: {  	s7 =	smul.u32 @!p0 $0xF7A, s2;
	p2 =	seq.s32 @!p0 s5, $0x0  }
0x1f: {  	s9 =	smul.u32 $0xF7A, s1;
	s8 =	simm.s32 @!p0 $0x1BF5;
	p2 =	por !p2, p0  }
0x20: {  	[sflag:s8] =	ssyncset.s32 @!p0 $0xFFFFF086;
	s6 =	sadd.s32 @!p0 s3, s7;
	s7 =	simm.s32 @!p0 $0x108  }
0x21: {  	s3 =	sadd.s32 s3, s9;
	s6 =	sadd.s32 @!p0 $0x88, s6;
	s7 =	simm.s32 @p2 $0x1082  }
0x22: {  	[simem:s7], [sflag:s8] =	dma.local @!p0 [hbm:s6], $0xF7A  }
0x23: {  	s9 =	sor.u32 $0xD0000000, s2;
	s6 =	simm.s32 $0x108;
	_ =	swait.ge @!p0 [sflag:s8], $0x0  }
0x24: {  	s3 =	sadd.s32 $0x88, s3;
	s6 =	simm.s32 @!p1 $0x1082;
	[sflag:s4] =	ssyncset.s32 $0xFFFFF086  }
0x25: {  	[simem:s6], [sflag:s4] =	dma.local [hbm:s3], $0xF7A  }
0x26: {  	[smem:$0x3F99] =	sst s1;
	(tag) =	ssettag s2;
	_ =	strace s9  }
0x27: {  	s1 =	sld [smem:$0x3FA9]  }
0x28: {  	s2 =	sld [smem:$0x3FAA]  }
0x29: {  	s4 =	sld [smem:$0x3FAC]  }
0x2a: {  	p0 =	seq.s32 s5, $0x0;
	s5 =	sld [smem:$0x3FAD]  }
0x2b: {  	s6 =	sld [smem:$0x3FAE]  }
0x2c: {  	s7 =	sld [smem:$0x3FAF]  }
0x2d: {  	s3 =	simm.s32 $0x108;
	s8 =	sld [smem:$0x3FB0]  }
0x2e: {  	s3 =	simm.s32 @!p0 $0x1082;
	s9 =	sld [smem:$0x3FB1]  }
0x2f: {  	lr =	sadd.s32 s0, s3;
	s0 =	sld [smem:$0x3FA8]  }
0x30: {  	s3 =	sld [smem:$0x3FAB]  }
0x31: {  	[smem:$0x3FB4] =	sst s10  }
0x32: {  	s10 =	sld [smem:$0x3FB2];
	_ =	sdelay $0x3  }
0x33: {  	p0 =	seq.s32 s10, $0x1;
	s10 =	sld [smem:$0x3FB4];
	_ =	sdelay $0x3  }
0x34: {  	[smem:$0x3FB4] =	sst s10  }
0x35: {  	s10 =	sld [smem:$0x3FB3];
	_ =	sdelay $0x3  }
0x36: {  	p1 =	seq.s32 s10, $0x1;
	s10 =	sld [smem:$0x3FB4];
	_ =	sdelay $0x3  }
0x37: {  	[smem:$0x3FB4] =	sst s10  }
0x38: {  	s10 =	sld [smem:$0x3FB5]  }
0x39: {  	_ = 	snop;
	(pc) =	sbr.ind lr, $3  }
0x3a: {  	_ = 	snop  }
0x3b: {  	_ = 	snop  }
0x3c: {  	p2 =	seq.s32 s10, $0x1;
	s10 =	sld [smem:$0x3FB4]  }
0x3d: {  	_ =	shalt  }
0x3e: {  	_ =	shalt  }
0x3f: {  	_ =	shalt  }
0x40: {  	_ =	shalt  }
0x41: {  	_ =	shalt  }
0x42: {  	_ =	shalt  }
0x43: {  	_ =	shalt  }
0x44: {  	_ =	shalt  }
0x45: {  	_ =	shalt  }
0x46: {  	_ =	shalt  }
0x47: {  	_ =	shalt  }
0x48: {  	_ =	shalt  }
0x49: {  	_ =	shalt  }
0x4a: {  	_ =	shalt  }
0x4b: {  	_ =	shalt  }
0x4c: {  	_ =	shalt  }
0x4d: {  	_ =	shalt  }
0x4e: {  	_ =	shalt  }
0x4f: {  	_ =	shalt  }
0x50: {  	_ =	shalt  }
0x51: {  	_ =	shalt  }
0x52: {  	_ =	shalt  }
0x53: {  	_ =	shalt  }
0x54: {  	_ =	shalt  }
0x55: {  	_ =	shalt  }
0x56: {  	_ =	shalt  }
0x57: {  	_ =	shalt  }
0x58: {  	_ =	shalt  }
0x59: {  	_ =	shalt  }
0x5a: {  	_ =	shalt  }
0x5b: {  	_ =	shalt  }
0x5c: {  	_ =	shalt  }
0x5d: {  	_ =	shalt  }
0x5e: {  	_ =	shalt  }
0x5f: {  	_ =	shalt  }
0x60: {  	_ =	shalt  }
0x61: {  	_ =	shalt  }
0x62: {  	_ =	shalt  }
0x63: {  	_ =	shalt  }
0x64: {  	_ =	shalt  }
0x65: {  	_ =	shalt  }
0x66: {  	_ =	shalt  }
0x67: {  	_ =	shalt  }
0x68: {  	_ =	shalt  }
0x69: {  	_ =	shalt  }
0x6a: {  	_ =	shalt  }
0x6b: {  	_ =	shalt  }
0x6c: {  	_ =	shalt  }
0x6d: {  	_ =	shalt  }
0x6e: {  	_ =	shalt  }
0x6f: {  	_ =	shalt  }
0x70: {  	_ =	shalt  }
0x71: {  	_ =	shalt  }
0x72: {  	_ =	shalt  }
0x73: {  	_ =	shalt  }
0x74: {  	_ =	shalt  }
0x75: {  	_ =	shalt  }
0x76: {  	_ =	shalt  }
0x77: {  	_ =	shalt  }
0x78: {  	_ =	shalt  }
0x79: {  	_ =	shalt  }
0x7a: {  	_ =	shalt  }
0x7b: {  	_ =	shalt  }
0x7c: {  	_ =	shalt  }
0x7d: {  	_ =	shalt  }
0x7e: {  	_ =	shalt  }
0x7f: {  	_ =	shalt  }
0x80: {  	_ =	shalt  }
0x81: {  	_ =	shalt  }
0x82: {  	_ =	shalt  }
0x83: {  	_ =	shalt  }
0x84: {  	_ =	shalt  }
0x85: {  	_ =	shalt  }
0x86: {  	_ =	shalt  }
0x87: {  	_ =	shalt  }
.Lfunc_end0:
.L_simem_size_0:
called_computation_lowered:
.L_overlay_start_0:
0x88: {  	s2 =	sld [smem:$0x3FD9]  }
0x89: {  	s3 =	sld [smem:$0x3FFE];
	_ =	sdelay $0x1  }
0x8a: {  	s1 =	srdreg.scid  }
0x8b: {  	s0 =	sand.u32 $0x1, s1  }
0x8c: {  	s14 =	sshll.u32 s0, $0xA;
	s2 =	sadd.s32 s3, s2  }
0x8d: {  	s2 =	sadd.s32 s2, s14  }
0x8e: {  	[smem:$0x3FC0] =	sst s2  }
0x8f: {  	_ = 	snop  }
0x90: {  	s2 =	sld [smem:$0x3FD0];
	_ =	sdelay $0x2  }
0x91: {  	s4 =	simm.s32 $0xB;
	s5 =	simm.s32 $0x10;
	s15 =	sld [smem:$0x3FC8]  }
0x92: {  	[smem:s5], [sflag:s4] =	dma.local [hbm:s2], $0x1  }
0x93: {  	_ =	swait.eq [sflag:s4], $0x1  }
0x94: {  	[sflag:s4] =	ssyncset.done $0x0  }
0x95: {  	[sflag:s4] =	ssyncadd.s32 $0xFFFFFFFF  }
0x96: {  	s16 =	sld [smem:$0x11];
	(tm) =	ssettm $0x1  }
0x97: {  	s17 =	sld [smem:$0x3FFB];
	_ =	sdelay $0x3  }
0x98: {  	_ =	strace s17  }
0x99: {  	s4 =	sld [smem:$0x3FFC];
	_ =	sdelay $0x3  }
0x9a: {  	_ =	strace s4  }
0x9b: {  	s4 =	sld [smem:$0x3FFD];
	_ =	sdelay $0x3  }
0x9c: {  	_ =	strace s4  }
0x9d: {  	_ =	strace $0x8FFFFFFF  }
0x9e: {  	s18 =	sld [smem:$0x3FDB];
	_ =	sdelay $0x1  }
0x9f: {  	s19 =	simm.s32 $_scs_section_size  }
0xa0: {  	s6 =	simm.s32 $_size__tile_overlayer_lowered;
	s7 =	simm.s32 $_tile_overlayer_lowered  }
0xa1: {  	s22 =	simm.s32 $0x1BFF;
	s21 =	sshll.u32 s7, $0x1;
	s4 =	sadd.s32 s19, s18  }
0xa2: {  	s8 =	simm.s32 $0x0;
	s20 =	sshll.u32 s6, $0x1;
	s6 =	sadd.s32 s21, s4  }
0xa3: {  	[timem:s8], [sflag:s22] =	dma.local [hbm:s6], s20  }
0xa4: {  	_ =	swait.ge [sflag:s22], s20  }
0xa5: {  	s5 =	ssub.s32 $0x0, s20;
	[sflag:s22] =	ssyncset.done $0x0  }
0xa6: {  	[sflag:s22] =	ssyncadd.s32 s5;
	_ =	sdelay $0x1  }
0xa7: {  	s23 =	simm.s32 $0x1B8B  }
0xa8: {  	_ =	swait.ge [sflag:s23], $0x1  }
0xa9: {  	[sflag:s23] =	ssyncset.done $0x0  }
0xaa: {  	s25 =	simm.s32 $0x1B8E;
	s24 =	sld [smem:$0x3FFE];
	[sflag:s23] =	ssyncadd.s32 $0xFFFFFFFF  }
0xab: {  	s26 =	simm.s32 $execute0_lowered;
	[smem:$0x3FD2] =	sst s25  }
0xac: {  	s6 =	sshll.u32 s26, $0x1;
	_ =	strace $0x80000046;
	[dreg:$0x1] =	wrdreg $0xFFFFFFFF  }
0xad: {  	s28 =	simm.s32 $_size_execute0_lowered;
	s4 =	sadd.s32 s4, s6;
	[dreg:$0x0] =	wrdreg $0x0  }
0xae: {  	s6 =	sshll.u32 s28, $0x1;
	[dreg:$0x2] =	wrdreg s4  }
0xaf: {  	[dreg:$0x3] =	wrdreg s6  }
0xb0: {  	[dreg:$0x4] =	wrdreg $0xC0  }
0xb1: {  	_ =	task [dreg:s8], $0x5FFFF  }
0xb2: {  	[dreg:$0x1] =	wrdreg $0xFFFFFFFF  }
0xb3: {  	[dreg:$0x0] =	wrdreg $0x60  }
0xb4: {  	[dreg:$0x2] =	wrdreg s24  }
0xb5: {  	[dreg:$0x3] =	wrdreg s16  }
0xb6: {  	[dreg:$0x4] =	wrdreg s15  }
0xb7: {  	[dreg:$0x5] =	wrdreg $0x9  }
0xb8: {  	_ =	task.clear_ibuf [dreg:s8], $0x6FFFF;
	_ =	strace $0x90000046  }
0xb9: {  	s29 =	simm.s32 $0x9;
	_ =	strace $0x80000048  }
0xba: {  	_ =	swait.ge [sflag:s29], $0x1  }
0xbb: {  	[sflag:s29] =	ssyncadd.s32 $0xFFFFFFFF  }
0xbc: {  	_ =	strace $0x90000048  }
0xbd: {  	_ =	sfence  }
0xbe: {  	s30 =	sld [smem:$0x0];
	_ =	sdelay $0x2  }
0xbf: {  	s31 =	sshll.u32 s1, $0xD;
	s1 =	sshrl.u32 s1, $0x2  }
0xc0: {  	s3 =	sand.u32 $0x4000, s31;
	s1 =	sadd.s32 s1, s30  }
0xc1: {  	s0 =	sor.u32 s3, s0;
	s1 =	sshll.u32 s1, $0x11  }
0xc2: {  	s0 =	sor.u32 s1, s0  }
0xc3: {  	s0 =	sadd.s32 $0x8F2B, s0  }
0xc4: {  	[sflag:s0] =	ssyncadd.remote.s32 $0x1  }
0xc5: {  	_ =	sfence.sel $0xFFFF  }
0xc6: {  	[dreg:$0x0] =	wrdreg $0xFFFFFFFF;
	(pc) =	sbr.abs _section_cstart, $3  }
0xc7: {  	[dreg:$0x1] =	wrdreg $0xFFFFFFFF  }
0xc8: {  	_ =	task.clear_ibuf [dreg:s8], $0x2FFFF;
	_ =	strace $0x9FFFFFFF  }
0xc9: {  	(tm) =	ssettm $0x7FFFFFFF  }
tec
execute0_lowered:
.L_overlay_start_1:
0x0: {  	(tag) =	ssettag $0x1  }
0x1: {  	s0 =	rddreg [dreg:$0x0]  }
0x2: {  	s1 =	rddreg [dreg:$0x1]  }
0x3: {  	s2 =	rddreg [dreg:$0x2]  }
0x4: {  	s4 =	simm.s32 $0x0;
	s3 =	srdreg.scid;
	s13 =	stileid.u32  }
0x5: {  	s28 =	simm.s32 $0x9800;
	s29 =	simm.s32 $0xA800;
	[smem:$0x7FF] =	sst s4  }
0x6: {  	s5 =	sadd.s32 $0x3FA00, s0;
	s3 =	sand.u32 $0x1, s3;
	s7 =	sshll.u32 s13, $0x1  }
0x7: {  	s6 =	sadd.s32 $0x2800, s0;
	s8 =	sadd.s32 $0x7CC00, s0;
	s9 =	sadd.s32 $0x7CE00, s0  }
0x8: {  	_ =	strace $0x80000047;
	[dreg:$0x4] =	wrdreg s8;
	s8 =	sor.u32 s3, s7  }
0x9: {  	s10 =	sadd.s32 $0xBA000, s0;
	s11 =	sadd.s32 $0xF7200, s0;
	s12 =	smul.u32 $0x1F4, s8  }
0xa: {  	p0 =	sgt.u32 s13, $0x9;
	s3 =	ssub.s32 $0x2, s3;
	s16 =	sor.u32 $0xFFFFFFC0, s7  }
0xb: {  	s18 =	sor.u32 $0xFFFFFFE0, s7;
	s7 =	simm.s32 $0x0;
	s25 =	sadd.s32 s2, s12  }
.Ltmp0:
0xc: {  	s26 =	sadd.s32 s5, s12;
	[dreg:$0x5] =	wrdreg s25;
	(pc) =	sbr.rel .LBB2_1-.Ltmp0, $4  }
0xd: {  	s24 =	sshrl.u32 s3, $0x1;
	s30 =	sadd.s32 s6, s12;
	[dreg:$0x6] =	wrdreg s26  }
0xe: {  	s0 =	ssub.s32 s3, s24;
	s31 =	sadd.s32 s1, s12;
	[dreg:$0x7] =	wrdreg s30  }
0xf: {  	s17 =	sor.u32 $0x40, s8;
	s0 =	smax.u32 s0, $0x1;
	[dreg:$0x8] =	wrdreg s31  }
0x10: {  	[dreg:$0x9] =	wrdreg s0;
	s25 =	simm.s32 $0x1;
	s26 =	simm.s32 $0x8800  }
.LBB2_9:
0x11: {  	s0 =	simm.s32 $0x3  }
0x12: {  	_ =	swait.ge [sflag:s0], $0xFA0  }
0x13: {  	[sflag:s0] =	ssyncset.done $0x0  }
0x14: {  	[sflag:s0] =	ssyncadd.s32 $0xFFFFF060  }
0x15: {  	_ =	swait.ge [sflag:s0], $0xFA0  }
0x16: {  	[sflag:s0] =	ssyncset.done $0x0  }
0x17: {  	[sflag:s0] =	ssyncadd.s32 $0xFFFFF060  }
0x18: {  	_ =	swait.ge [sflag:s0], $0xFA0  }
0x19: {  	[sflag:s0] =	ssyncset.done $0x0  }
0x1a: {  	[sflag:s0] =	ssyncadd.s32 $0xFFFFF060;
	s0 =	simm.s32 @!p0 $0x4  }
0x1b: {  	_ =	swait.ge @!p0 [sflag:s0], $0xFA0  }
0x1c: {  	[sflag:s0] =	ssyncset.done @!p0 $0x0  }
0x1d: {  	[sflag:s0] =	ssyncadd.s32 @!p0 $0xFFFFF060  }
0x1e: {  	_ =	swait.ge @!p0 [sflag:s0], $0xFA0  }
0x1f: {  	[sflag:s0] =	ssyncset.done @!p0 $0x0  }
0x20: {  	[sflag:s0] =	ssyncadd.s32 @!p0 $0xFFFFF060  }
0x21: {  	_ =	swait.ge @!p0 [sflag:s0], $0xFA0  }
0x22: {  	s7 =	rddreg [dreg:$0xa]  }
0x23: {  	s3 =	rddreg [dreg:$0x9];
	s7 =	sadd.s32 $0x1, s7  }
0x24: {  	p1 =	sne.s32 s7, s3  }
.Ltmp1:
0x25: {  	_ = 	snop;
	(pc) =	sbr.rel @!p1 .LBB2_10-.Ltmp1, $3  }
0x26: {  	_ =	sdelay $0x1  }
0x27: {  	[sflag:s0] =	ssyncset.done @!p0 $0x0  }
0x28: {  	[sflag:s0] =	ssyncadd.s32 @!p0 $0xFFFFF060  }
.LBB2_1:
0x29: {  	[dreg:$0xa] =	wrdreg s7  }
0x2a: {  	s0 =	rddreg [dreg:$0x4];
	s19 =	simm.s32 $0x5  }
0x2b: {  	[tilespmem:s4], [sflag:$0x5] =	stream.linear.gather [hbm4b:s0+s4], $0x800, $0x38;
	[tilespmem:$0xE800] =	vst v63  }
0x2c: {  	_ =	swait.ge [sflag:s19], $0x800  }
0x2d: {  	[sflag:s19] =	ssyncset.done $0x0  }
0x2e: {  	s3 =	simm.s32 $0x800;
	s20 =	rddreg [dreg:$0x5];
	[sflag:s19] =	ssyncadd.s32 $0xFFFFF800  }
0x2f: {  	[tilespmem:s3], [sflag:$0x1] =	stream.linear.gather [hbm4b:s20+s4], $0xFA0, $0x38;
	[tilespmem:$0xE800] =	vst v63  }
0x30: {  	s22 =	simm.s32 $0x1800;
	s21 =	rddreg [dreg:$0x6]  }
0x31: {  	[tilespmem:s22], [sflag:$0x1] =	stream.linear.gather [hbm4b:s21+s4], $0xFA0, $0x38;
	[tilespmem:$0xE800] =	vst v63  }
.Ltmp2:
0x32: {  	_ = 	snop;
	(pc) =	sbr.rel .LBB2_2-.Ltmp2, $4  }
0x33: {  	s24 =	simm.s32 $0x2800;
	s23 =	rddreg [dreg:$0x7]  }
0x34: {  	[tilespmem:s24], [sflag:$0x1] =	stream.linear.gather [hbm4b:s23+s4], $0xFA0, $0x38;
	[tilespmem:$0xE800] =	vst v63  }
0x35: {  	s31 =	simm.s32 $0x3800;
	s30 =	rddreg [dreg:$0x8];
	s22 =	simm.s32 $0x0  }
0x36: {  	[tilespmem:s31], [sflag:$0x1] =	stream.linear.gather [hbm4b:s30+s4], $0xFA0, $0x38;
	[tilespmem:$0xE800] =	vst v63  }
.LBB2_8:
0x37: {  	s22 =	sadd.s32 $0x1, s22  }
0x38: {  	p1 =	sne.s32 s22, $0x8  }
.Ltmp3:
0x39: {  	_ = 	snop;
	(pc) =	sbr.rel @!p1 .LBB2_9-.Ltmp3, $1  }
0x3a: {  	_ =	sdelay $0x3  }
.LBB2_2:
0x3b: {  	s24 =	sshll.u32 s22, $0x6  }
0x3c: {  	s7 =	sor.u32 s24, s8  }
0x3d: {  	s23 =	sor.u32 $0x20, s7  }
0x3e: {  	p1 =	sgt.u32 s23, $0x1F3  }
0x3f: {  	s0 =	smul.u32 @!p1 $0x1F4, s23;
	_ =	sdelay $0x1  }
0x40: {  	s12 =	simm.s32 @!p1 $0x0;
	s13 =	simm.s32 @!p1 $0x4800;
	s3 =	sadd.s32 @!p1 s2, s0  }
0x41: {  	[tilespmem:s13], [sflag:$0x2] =	stream.linear.gather @!p1 [hbm4b:s3+s12], $0xFA0, $0x38;
	[tilespmem:$0xE800] =	vst v63  }
0x42: {  	s3 =	sadd.s32 @!p1 s5, s0;
	s13 =	simm.s32 @!p1 $0x5800  }
0x43: {  	[tilespmem:s13], [sflag:$0x2] =	stream.linear.gather @!p1 [hbm4b:s3+s12], $0xFA0, $0x38;
	[tilespmem:$0xE800] =	vst v63  }
0x44: {  	s3 =	sadd.s32 @!p1 s6, s0;
	s13 =	simm.s32 @!p1 $0x6800  }
0x45: {  	[tilespmem:s13], [sflag:$0x2] =	stream.linear.gather @!p1 [hbm4b:s3+s12], $0xFA0, $0x38;
	[tilespmem:$0xE800] =	vst v63  }
0x46: {  	s0 =	sadd.s32 @!p1 s1, s0;
	s3 =	simm.s32 @!p1 $0x7800  }
0x47: {  	[tilespmem:s3], [sflag:$0x2] =	stream.linear.gather @!p1 [hbm4b:s0+s12], $0xFA0, $0x38;
	[tilespmem:$0xE800] =	vst v63  }
0x48: {  	_ =	swait.ge [sflag:s25], $0xFA0  }
0x49: {  	[sflag:s25] =	ssyncset.done $0x0  }
0x4a: {  	[sflag:s25] =	ssyncadd.s32 $0xFFFFF060  }
0x4b: {  	_ =	swait.ge [sflag:s25], $0xFA0  }
0x4c: {  	[sflag:s25] =	ssyncset.done $0x0  }
0x4d: {  	[sflag:s25] =	ssyncadd.s32 $0xFFFFF060  }
0x4e: {  	_ =	swait.ge [sflag:s25], $0xFA0  }
0x4f: {  	[sflag:s25] =	ssyncset.done $0x0  }
0x50: {  	[sflag:s25] =	ssyncadd.s32 $0xFFFFF060  }
0x51: {  	s13 =	sadd.s32 s16, s24;
	_ =	swait.ge [sflag:s25], $0xFA0  }
0x52: {  	p2 =	sgt.u32 s13, $0x1F3;
	[sflag:s25] =	ssyncset.done $0x0  }
0x53: {  	s0 =	simm.s32 @!p2 $0x3;
	[sflag:s25] =	ssyncadd.s32 $0xFFFFF060  }
0x54: {  	_ =	swait.ge @!p2 [sflag:s0], $0xFA0  }
0x55: {  	[sflag:s0] =	ssyncset.done @!p2 $0x0  }
0x56: {  	[sflag:s0] =	ssyncadd.s32 @!p2 $0xFFFFF060  }
0x57: {  	_ =	swait.ge @!p2 [sflag:s0], $0xFA0  }
0x58: {  	[sflag:s0] =	ssyncset.done @!p2 $0x0  }
0x59: {  	[sflag:s0] =	ssyncadd.s32 @!p2 $0xFFFFF060  }
0x5a: {  	_ =	swait.ge @!p2 [sflag:s0], $0xFA0  }
0x5b: {  	[sflag:s0] =	ssyncset.done @!p2 $0x0  }
0x5c: {  	s14 =	simm.s32 $0x820;
	[sflag:s0] =	ssyncadd.s32 @!p2 $0xFFFFF060  }
0x5d: {  	v0 =	vld [tilespmem:s14+$0x20]  }
0x5e: {  	v2 =	vld [tilespmem:s14+$0xFFFFFFF0]  }
0x5f: {  	v4 =	vld [tilespmem:s14+$0xFFFFFFE0]  }
0x60: {  	v6 =	vld [tilespmem:s14+$0x0]  }
0x61: {  	s15 =	simm.s32 $0x1820;
	v7 =	vld [tilespmem:s14+$0x10]  }
0x62: {  	s19 =	simm.s32 $0x2820;
	v9 =	vld [tilespmem:s15+$0x20]  }
0x63: {  	s20 =	simm.s32 $0x3820;
	v13 =	vld [tilespmem:s19+$0x20]  }
0x64: {  	v20 =	vld [tilespmem:s20+$0x20];
	v1 =	vshrl.u32 v0, $0x7  }
0x65: {  	v29 =	vld [tilespmem:s19+$0xFFFFFFE0];
	v3 =	vand.u32 $0x7F, v0;
	v1 =	vand.u32 $0x7F, v1  }
0x66: {  	v30 =	vld [tilespmem:s15+$0xFFFFFFF0];
	v5 =	vor.u32 $0x80, v1  }
0x67: {  	v32 =	vld [tilespmem:s19+$0xFFFFFFF0];
	v0 =	vshra.s32 v0, $0xE  }
0x68: {  	v33 =	vld [tilespmem:s15+$0x0];
	v8 =	vadd.s32 $0x100, v0  }
0x69: {  	v35 =	vld [tilespmem:s19+$0x0];
	v10 =	vor.u32 $0x180, v3  }
0x6a: {  	v1 =	vor.u32 $0x200, v1;
	v3 =	vld.idx.msk [tilespmem:v3+s4+$0x0], $0xffff  }
0x6b: {  	v5 =	vld.idx.msk [tilespmem:v5+s4+$0x0], $0xffff  }
0x6c: {  	v36 =	vld [tilespmem:s15+$0x10];
	v11 =	vshrl.u32 v4, $0x7;
	v0 =	vadd.s32 $0x280, v0  }
0x6d: {  	v12 =	vshrl.u32 v2, $0x7;
	v14 =	vshrl.u32 v6, $0x7;
	v16 =	vshrl.u32 v7, $0x7;
	v8 =	vld.idx.msk [tilespmem:v8+s4+$0x0], $0xffff  }
0x6e: {  	v21 =	vand.u32 $0x7F, v4;
	v22 =	vand.u32 $0x7F, v2;
	v24 =	vand.u32 $0x7F, v7;
	v10 =	vld.idx.msk [tilespmem:v10+s4+$0x0], $0xffff  }
0x6f: {  	v4 =	vshra.s32 v4, $0xE;
	v2 =	vshra.s32 v2, $0xE;
	v7 =	vshra.s32 v7, $0xE;
	v1 =	vld.idx.msk [tilespmem:v1+s4+$0x0], $0xffff  }
0x70: {  	v37 =	vld [tilespmem:s19+$0x10];
	v11 =	vand.u32 $0x7F, v11;
	v3 =	vadd.f32 v3, v3;
	v5 =	vadd.f32 v5, v5  }
0x71: {  	v12 =	vand.u32 $0x7F, v12;
	v25 =	vadd.s32 $0x100, v4;
	v26 =	vadd.s32 $0x100, v2;
	v0 =	vld.idx.msk [tilespmem:v0+s4+$0x0], $0xffff  }
0x72: {  	s21 =	simm.s32 $0x870;
	v48 =	vld [tilespmem:s20+$0xFFFFFFF0];
	v8 =	vadd.f32 v8, v8;
	v3 =	vmul.f32 v3, v9;
	v5 =	vmul.f32 v5, v13  }
0x73: {  	v54 =	vld [tilespmem:s21+$0x0];
	v14 =	vand.u32 $0x7F, v14;
	v27 =	vadd.s32 $0x100, v7;
	v15 =	vor.u32 $0x80, v11  }
0x74: {  	v59 =	vld [tilespmem:s21+$0xFFFFFFE0];
	v10 =	vadd.f32 v3, v10;
	v3 =	vmul.f32 v8, v20;
	v1 =	vadd.f32 v5, v1  }
0x75: {  	v16 =	vand.u32 $0x7F, v16;
	v17 =	vor.u32 $0x80, v12;
	v18 =	vor.u32 $0x80, v14;
	v28 =	vld.idx.msk [tilespmem:v22+s4+$0x0], $0xffff  }
0x76: {  	v25 =	vld.idx.msk [tilespmem:v25+s4+$0x0], $0xffff;
	v20 =	vadd.f32 v3, v0;
	v0 =	vmul.f32 v10, v10;
	v3 =	vmul.f32 v1, v1  }
0x77: {  	v19 =	vor.u32 $0x80, v16;
	v26 =	vld.idx.msk [tilespmem:v26+s4+$0x0], $0xffff  }
0x78: {  	v11 =	vor.u32 $0x200, v11;
	v27 =	vld.idx.msk [tilespmem:v27+s4+$0x0], $0xffff;
	v0 =	vadd.f32 v3, v0;
	v3 =	vmul.f32 v20, v20  }
0x79: {  	v12 =	vor.u32 $0x200, v12;
	v15 =	vld.idx.msk [tilespmem:v15+s4+$0x0], $0xffff  }
0x7a: {  	v23 =	vand.u32 $0x7F, v6;
	v17 =	vld.idx.msk [tilespmem:v17+s4+$0x0], $0xffff;
	v0 =	vadd.f32 v3, v0  }
0x7b: {  	v6 =	vshra.s32 v6, $0xE;
	v16 =	vor.u32 $0x200, v16;
	v18 =	vld.idx.msk [tilespmem:v18+s4+$0x0], $0xffff  }
0x7c: {  	v39 =	vshrl.u32 v54, $0x7;
	v41 =	vshrl.u32 v59, $0x7;
	v19 =	vld.idx.msk [tilespmem:v19+s4+$0x0], $0xffff;
	v0 =	vmax.f32 v0, $1.000000020e-24  }
0x7d: {  	v38 =	vadd.s32 $0x280, v4;
	v11 =	vld.idx.msk [tilespmem:v11+s4+$0x0], $0xffff;
	v31 =	vshra.s32 v0, $0x1;
	v0 =	vmul.f32 $5.000000000e-01, v0  }
0x7e: {  	v2 =	vadd.s32 $0x280, v2;
	v45 =	vadd.s32 $0x280, v6;
	v12 =	vld.idx.msk [tilespmem:v12+s4+$0x0], $0xffff;
	v31 =	vsub.s32 $0x5F3759DF, v31  }
0x7f: {  	v7 =	vadd.s32 $0x280, v7;
	v14 =	vor.u32 $0x200, v14;
	v5 =	vld.idx.msk [tilespmem:v23+s4+$0x0], $0xffff;
	v34 =	vmul.f32 v31, v0  }
0x80: {  	v39 =	vand.u32 $0x7F, v39;
	v41 =	vand.u32 $0x7F, v41;
	v16 =	vld.idx.msk [tilespmem:v16+s4+$0x0], $0xffff;
	v13 =	vadd.s32 $0x100, v6  }
0x81: {  	v44 =	vor.u32 $0x80, v41;
	v41 =	vor.u32 $0x200, v41;
	v9 =	vld.idx.msk [tilespmem:v21+s4+$0x0], $0xffff;
	v34 =	vmul.f32 v31, v34  }
0x82: {  	v25 =	vadd.f32 v25, v25;
	v21 =	vor.u32 $0x180, v21;
	v8 =	vld.idx.msk [tilespmem:v24+s4+$0x0], $0xffff;
	v6 =	vadd.f32 v15, v15  }
0x83: {  	v22 =	vor.u32 $0x180, v22;
	v15 =	vadd.f32 v17, v17;
	v3 =	vld [tilespmem:s15+$0xFFFFFFE0];
	v4 =	vsub.f32 $1.500000000e+00, v34  }
0x84: {  	v24 =	vor.u32 $0x180, v24;
	v17 =	vld.idx.msk [tilespmem:v14+s4+$0x0], $0xffff;
	v14 =	vadd.f32 v18, v18;
	v5 =	vadd.f32 v5, v5  }
0x85: {  	v18 =	vadd.f32 v19, v19;
	v23 =	vor.u32 $0x180, v23;
	v13 =	vld.idx.msk [tilespmem:v13+s4+$0x0], $0xffff;
	v19 =	vmul.f32 v31, v4  }
0x86: {  	v44 =	vld.idx.msk [tilespmem:v44+s4+$0x0], $0xffff;
	v26 =	vadd.f32 v26, v26;
	v47 =	vmul.f32 v5, v33;
	v4 =	vadd.f32 v9, v9  }
0x87: {  	v21 =	vld.idx.msk [tilespmem:v21+s4+$0x0], $0xffff;
	v5 =	vmul.f32 v14, v35;
	v9 =	vadd.f32 v28, v28;
	v0 =	vmul.f32 v19, v0  }
0x88: {  	v22 =	vld.idx.msk [tilespmem:v22+s4+$0x0], $0xffff;
	v27 =	vadd.f32 v27, v27;
	v3 =	vmul.f32 v4, v3;
	v4 =	vmul.f32 v6, v29  }
0x89: {  	v8 =	vadd.f32 v8, v8;
	v24 =	vld.idx.msk [tilespmem:v24+s4+$0x0], $0xffff;
	v6 =	vmul.f32 v9, v30;
	v9 =	vmul.f32 v15, v32  }
0x8a: {  	v23 =	vld.idx.msk [tilespmem:v23+s4+$0x0], $0xffff;
	v46 =	vadd.f32 v13, v13;
	v13 =	vadd.f32 v5, v17;
	v0 =	vmul.f32 v0, v19  }
0x8b: {  	v18 =	vmul.f32 v18, v37;
	v15 =	vld [tilespmem:s20+$0xFFFFFFE0];
	v4 =	vadd.f32 v4, v11;
	v14 =	vadd.f32 v9, v12  }
0x8c: {  	v8 =	vmul.f32 v8, v36;
	v12 =	vld [tilespmem:s20+$0x10];
	v3 =	vadd.f32 v3, v21;
	v0 =	vsub.f32 $1.500000000e+00, v0  }
0x8d: {  	v44 =	vadd.f32 v44, v44;
	v9 =	vld [tilespmem:s20+$0x0];
	v21 =	vmul.f32 v13, v13;
	v17 =	vmul.f32 v4, v4  }
0x8e: {  	v31 =	vshra.s32 v59, $0xE;
	v49 =	vmul.f32 v3, v3;
	v11 =	vmul.f32 v0, v19  }
0x8f: {  	v2 =	vld.idx.msk [tilespmem:v2+s4+$0x0], $0xffff;
	v19 =	vmul.f32 v14, v14;
	v0 =	vadd.f32 v18, v16;
	v16 =	vadd.f32 v47, v23  }
0x90: {  	v18 =	vld.idx.msk [tilespmem:v38+s4+$0x0], $0xffff;
	v23 =	vmul.f32 v25, v15;
	v15 =	vadd.f32 v8, v24;
	v8 =	vmul.f32 v26, v48  }
0x91: {  	v25 =	vadd.f32 v17, v49;
	v49 =	vand.u32 $0x7F, v54;
	v12 =	vmul.f32 v27, v12;
	v27 =	vld [tilespmem:s21+$0x10]  }
0x92: {  	v7 =	vld.idx.msk [tilespmem:v7+s4+$0x0], $0xffff;
	v51 =	vmul.f32 v46, v9;
	v5 =	vmul.f32 v11, v10;
	v10 =	vadd.f32 v6, v22  }
0x93: {  	v46 =	vand.u32 $0x7F, v59;
	v22 =	vmul.f32 v0, v0;
	v6 =	vmul.f32 v11, v1;
	v1 =	vld.idx.msk [tilespmem:v45+s4+$0x0], $0xffff  }
0x94: {  	v45 =	vor.u32 $0x80, v39;
	v39 =	vor.u32 $0x200, v39;
	v50 =	vmul.f32 v10, v10  }
0x95: {  	v9 =	vadd.f32 v23, v18;
	v23 =	vmul.f32 v16, v16;
	v18 =	vadd.f32 v8, v2  }
0x96: {  	v2 =	vadd.f32 v19, v50;
	v19 =	vmul.f32 v15, v15;
	v40 =	vshrl.u32 v27, $0x7  }
0x97: {  	v50 =	vand.u32 $0x7F, v27;
	v27 =	vshra.s32 v27, $0xE;
	v8 =	vmul.f32 v9, v9  }
0x98: {  	v17 =	vadd.f32 v51, v1;
	v52 =	vmul.f32 v18, v18;
	v1 =	vadd.f32 v12, v7  }
0x99: {  	v12 =	vadd.f32 v21, v23;
	v7 =	vmul.f32 v11, v20;
	v40 =	vand.u32 $0x7F, v40  }
0x9a: {  	v51 =	vadd.s32 $0x100, v31;
	v31 =	vadd.s32 $0x280, v31;
	v19 =	vadd.f32 v22, v19  }
0x9b: {  	v20 =	vld [tilespmem:s21+$0x20];
	v48 =	vor.u32 $0x80, v40;
	v40 =	vor.u32 $0x200, v40;
	v8 =	vadd.f32 v8, v25  }
0x9c: {  	v21 =	vmul.f32 v17, v17;
	v2 =	vadd.f32 v52, v2;
	v25 =	vshra.s32 v54, $0xE  }
0x9d: {  	v22 =	vmul.f32 v1, v1;
	v54 =	vadd.s32 $0x100, v25;
	v25 =	vadd.s32 $0x280, v25  }
0x9e: {  	s12 =	simm.s32 $0x1870;
	v8 =	vmax.f32 v8, $1.000000020e-24;
	v11 =	vadd.f32 v21, v12;
	v2 =	vmax.f32 v2, $1.000000020e-24  }
0x9f: {  	s13 =	simm.s32 $0x2870;
	v63 =	vld [tilespmem:s12+$0x20];
	v19 =	vadd.f32 v22, v19;
	v21 =	vshra.s32 v8, $0x1;
	v12 =	vmul.f32 $5.000000000e-01, v8  }
0xa0: {  	v42 =	vld [tilespmem:s13+$0x20];
	v22 =	vshra.s32 v2, $0x1;
	v8 =	vmul.f32 $5.000000000e-01, v2;
	v55 =	vshrl.u32 v20, $0x7  }
0xa1: {  	v41 =	vld.idx.msk [tilespmem:v41+s4+$0x0], $0xffff;
	v56 =	vand.u32 $0x7F, v20;
	v20 =	vshra.s32 v20, $0xE;
	v11 =	vmax.f32 v11, $1.000000020e-24  }
0xa2: {  	v39 =	vld.idx.msk [tilespmem:v39+s4+$0x0], $0xffff;
	v2 =	vmax.f32 v19, $1.000000020e-24;
	v21 =	vsub.s32 $0x5F3759DF, v21;
	v22 =	vsub.s32 $0x5F3759DF, v22  }
0xa3: {  	v51 =	vld.idx.msk [tilespmem:v51+s4+$0x0], $0xffff;
	v26 =	vand.u32 $0x7F, v55;
	v61 =	vadd.s32 $0x100, v20;
	v23 =	vshra.s32 v11, $0x1  }
0xa4: {  	s14 =	simm.s32 $0x3870;
	v19 =	vld [tilespmem:s21+$0xFFFFFFF0];
	v11 =	vmul.f32 $5.000000000e-01, v11;
	v53 =	vshra.s32 v2, $0x1;
	v2 =	vmul.f32 $5.000000000e-01, v2  }
0xa5: {  	v52 =	vld [tilespmem:s14+$0x20];
	v55 =	vor.u32 $0x180, v56;
	v57 =	vmul.f32 v21, v12;
	v58 =	vmul.f32 v22, v8  }
0xa6: {  	v31 =	vld.idx.msk [tilespmem:v31+s4+$0x0], $0xffff;
	v60 =	vor.u32 $0x80, v26;
	v23 =	vsub.s32 $0x5F3759DF, v23;
	v24 =	vsub.s32 $0x5F3759DF, v53  }
0xa7: {  	v20 =	vadd.s32 $0x280, v20;
	v48 =	vld.idx.msk [tilespmem:v48+s4+$0x0], $0xffff;
	v33 =	vmul.f32 v23, v11;
	v34 =	vmul.f32 v24, v2  }
0xa8: {  	v26 =	vor.u32 $0x200, v26;
	v29 =	vmul.f32 v21, v57;
	v30 =	vmul.f32 v22, v58;
	v28 =	vld.idx.msk [tilespmem:v56+s4+$0x0], $0xffff  }
0xa9: {  	v56 =	vld.idx.msk [tilespmem:v45+s4+$0x0], $0xffff;
	v51 =	vadd.f32 v51, v51;
	v62 =	vshrl.u32 v19, $0x7;
	v47 =	vand.u32 $0x7F, v19  }
0xaa: {  	v38 =	vld.idx.msk [tilespmem:v55+s4+$0x0], $0xffff;
	v19 =	vshra.s32 v19, $0xE;
	v55 =	vadd.s32 $0x100, v27;
	v27 =	vadd.s32 $0x280, v27  }
0xab: {  	v33 =	vmul.f32 v23, v33;
	v29 =	vsub.f32 $1.500000000e+00, v29;
	v34 =	vmul.f32 v24, v34;
	v32 =	vld.idx.msk [tilespmem:v60+s4+$0x0], $0xffff  }
0xac: {  	v35 =	vld.idx.msk [tilespmem:v61+s4+$0x0], $0xffff;
	v30 =	vsub.f32 $1.500000000e+00, v30;
	v36 =	vand.u32 $0x7F, v62;
	v53 =	vadd.s32 $0x100, v19  }
0xad: {  	v45 =	vor.u32 $0x180, v47;
	v62 =	vld [tilespmem:s13+$0xFFFFFFE0];
	v43 =	vor.u32 $0x80, v36;
	v61 =	vsub.f32 $1.500000000e+00, v33  }
0xae: {  	v40 =	vld.idx.msk [tilespmem:v40+s4+$0x0], $0xffff;
	v36 =	vor.u32 $0x200, v36;
	v21 =	vmul.f32 v21, v29;
	v34 =	vsub.f32 $1.500000000e+00, v34  }
0xaf: {  	v26 =	vld.idx.msk [tilespmem:v26+s4+$0x0], $0xffff;
	v22 =	vmul.f32 v22, v30;
	v28 =	vadd.f32 v28, v28;
	v23 =	vmul.f32 v23, v61  }
0xb0: {  	v20 =	vld.idx.msk [tilespmem:v20+s4+$0x0], $0xffff;
	v24 =	vmul.f32 v24, v34;
	v12 =	vmul.f32 v21, v12;
	v32 =	vadd.f32 v32, v32  }
0xb1: {  	v29 =	vadd.f32 v48, v48;
	v48 =	vld [tilespmem:s12+$0xFFFFFFE0];
	v8 =	vmul.f32 v22, v8;
	v28 =	vmul.f32 v28, v63  }
0xb2: {  	v30 =	vld [tilespmem:s13+$0xFFFFFFF0];
	v35 =	vadd.f32 v35, v35;
	v33 =	vmul.f32 v44, v62;
	v32 =	vmul.f32 v32, v42  }
0xb3: {  	v37 =	vadd.f32 v56, v56;
	v56 =	vld [tilespmem:s12+$0xFFFFFFF0];
	v11 =	vmul.f32 v23, v11;
	v2 =	vmul.f32 v24, v2  }
0xb4: {  	v47 =	vld.idx.msk [tilespmem:v47+s4+$0x0], $0xffff;
	v57 =	vmul.f32 v35, v52;
	v28 =	vadd.f32 v28, v38;
	v26 =	vadd.f32 v32, v26  }
0xb5: {  	v61 =	vld [tilespmem:s12+$0x0];
	v12 =	vmul.f32 v12, v21;
	v8 =	vmul.f32 v8, v22;
	v42 =	vor.u32 $0x180, v46  }
0xb6: {  	v62 =	vld [tilespmem:s13+$0x0];
	v20 =	vadd.f32 v57, v20;
	v58 =	vmul.f32 v28, v28;
	v59 =	vmul.f32 v26, v26  }
0xb7: {  	v35 =	vld.idx.msk [tilespmem:v46+s4+$0x0], $0xffff;
	v38 =	vor.u32 $0x180, v49;
	v46 =	vor.u32 $0x180, v50;
	v11 =	vmul.f32 v11, v23  }
0xb8: {  	v55 =	vld.idx.msk [tilespmem:v55+s4+$0x0], $0xffff;
	v12 =	vsub.f32 $1.500000000e+00, v12;
	v60 =	vmul.f32 v20, v20;
	v32 =	vadd.f32 v59, v58  }
0xb9: {  	v53 =	vld.idx.msk [tilespmem:v53+s4+$0x0], $0xffff;
	v8 =	vsub.f32 $1.500000000e+00, v8;
	v2 =	vmul.f32 v2, v24;
	v47 =	vadd.f32 v47, v47  }
0xba: {  	v43 =	vld.idx.msk [tilespmem:v43+s4+$0x0], $0xffff;
	v11 =	vsub.f32 $1.500000000e+00, v11;
	v21 =	vmul.f32 v12, v21;
	v32 =	vadd.f32 v60, v32  }
0xbb: {  	v52 =	vld.idx.msk [tilespmem:v54+s4+$0x0], $0xffff;
	v22 =	vmul.f32 v8, v22;
	v8 =	vsub.f32 $1.500000000e+00, v2;
	v2 =	vadd.f32 v33, v41  }
0xbc: {  	v49 =	vld.idx.msk [tilespmem:v49+s4+$0x0], $0xffff;
	v37 =	vmul.f32 v37, v62;
	v47 =	vmul.f32 v47, v56;
	v32 =	vmax.f32 v32, $1.000000020e-24  }
0xbd: {  	v50 =	vld.idx.msk [tilespmem:v50+s4+$0x0], $0xffff;
	v23 =	vmul.f32 v11, v23;
	v63 =	vshra.s32 v32, $0x1;
	v32 =	vmul.f32 $5.000000000e-01, v32  }
0xbe: {  	v57 =	vld [tilespmem:s13+$0x10];
	v62 =	vmul.f32 v21, v3;
	v11 =	vmul.f32 v8, v24;
	v54 =	vsub.s32 $0x5F3759DF, v63  }
0xbf: {  	v43 =	vadd.f32 v43, v43;
	v33 =	vmul.f32 v2, v2;
	v63 =	vld [tilespmem:s12+$0x10];
	v60 =	vmul.f32 v54, v32  }
0xc0: {  	v36 =	vld.idx.msk [tilespmem:v36+s4+$0x0], $0xffff;
	v35 =	vadd.f32 v35, v35;
	v8 =	vmul.f32 v21, v4;
	v21 =	vmul.f32 v21, v9  }
0xc1: {  	v18 =	vmul.f32 v22, v18;
	v49 =	vadd.f32 v49, v49;
	v42 =	vld.idx.msk [tilespmem:v42+s4+$0x0], $0xffff;
	v34 =	vmul.f32 v54, v60  }
0xc2: {  	s30 =	simm.s32 $0x8820;
	v50 =	vadd.f32 v50, v50;
	v38 =	vld.idx.msk [tilespmem:v38+s4+$0x0], $0xffff;
	v35 =	vmul.f32 v35, v48;
	v30 =	vmul.f32 v43, v30  }
0xc3: {  	s15 =	simm.s32 $0x9820;
	[tilespmem:s30+$0x20] =	vst v5;
	v29 =	vmul.f32 v29, v57;
	v48 =	vmul.f32 v49, v61;
	v61 =	vld.idx.msk [tilespmem:v46+s4+$0x0], $0xffff;
	v34 =	vsub.f32 $1.500000000e+00, v34  }
0xc4: {  	[tilespmem:s15+$0x20] =	vst v6;
	v3 =	vadd.f32 v37, v39;
	v16 =	vmul.f32 v23, v16;
	v59 =	vmul.f32 v50, v63;
	v63 =	vld [tilespmem:s14+$0xFFFFFFE0]  }
0xc5: {  	v19 =	vadd.s32 $0x280, v19;
	[tilespmem:s30+$0xFFFFFFE0] =	vst v62;
	v13 =	vmul.f32 v23, v13;
	v60 =	vld.idx.msk [tilespmem:v45+s4+$0x0], $0xffff;
	v34 =	vmul.f32 v54, v34  }
0xc6: {  	s19 =	simm.s32 $0xA820;
	v17 =	vmul.f32 v23, v17;
	v46 =	vmul.f32 v3, v3;
	v49 =	vld [tilespmem:s14+$0x10];
	[tilespmem:s15+$0xFFFFFFE0] =	vst v8;
	v5 =	vadd.f32 v30, v36  }
0xc7: {  	v53 =	vadd.f32 v53, v53;
	[tilespmem:s19+$0xFFFFFFE0] =	vst v21;
	v21 =	vmul.f32 v22, v14;
	v32 =	vmul.f32 v34, v32  }
0xc8: {  	[tilespmem:s19+$0x20] =	vst v7;
	v41 =	vld [tilespmem:s14+$0xFFFFFFF0];
	v36 =	vmul.f32 v5, v5;
	v7 =	vadd.f32 v35, v42;
	v8 =	vadd.f32 v48, v38  }
0xc9: {  	v58 =	vadd.f32 v55, v55;
	v45 =	vld [tilespmem:s14+$0x0];
	v24 =	vmul.f32 v51, v63;
	v32 =	vmul.f32 v32, v34  }
0xca: {  	v27 =	vld.idx.msk [tilespmem:v27+s4+$0x0], $0xffff;
	v55 =	vmul.f32 v7, v7;
	v57 =	vmul.f32 v8, v8;
	v4 =	vadd.f32 v47, v60  }
0xcb: {  	v19 =	vld.idx.msk [tilespmem:v19+s4+$0x0], $0xffff;
	v35 =	vmul.f32 v58, v49;
	v9 =	vadd.f32 v24, v31;
	v12 =	vsub.f32 $1.500000000e+00, v32  }
0xcc: {  	v25 =	vld.idx.msk [tilespmem:v25+s4+$0x0], $0xffff;
	v52 =	vadd.f32 v52, v52;
	v60 =	vmul.f32 v22, v10;
	v56 =	vmul.f32 v4, v4  }
0xcd: {  	v31 =	vmul.f32 v9, v9;
	v6 =	vmul.f32 v12, v34  }
0xce: {  	[tilespmem:s30+$0x0] =	vst v16;
	v12 =	vadd.f32 v29, v40;
	v34 =	vmul.f32 v53, v41;
	v29 =	vmul.f32 v52, v45  }
0xcf: {  	v14 =	vadd.f32 v35, v27;
	[tilespmem:s30+$0xFFFFFFF0] =	vst v60;
	v28 =	vmul.f32 v6, v28;
	v26 =	vmul.f32 v6, v26  }
0xd0: {  	s21 =	simm.s32 $0x8870;
	[tilespmem:s15+$0xFFFFFFF0] =	vst v21;
	v20 =	vmul.f32 v6, v20;
	v6 =	vadd.f32 v59, v61;
	v10 =	vadd.f32 v34, v19  }
0xd1: {  	s20 =	simm.s32 $0x9870;
	v50 =	vmul.f32 v12, v12;
	v19 =	vadd.f32 v29, v25;
	[tilespmem:s21+$0x20] =	vst v28;
	v28 =	vadd.f32 v33, v55  }
0xd2: {  	s3 =	simm.s32 $0xA870;
	v58 =	vadd.f32 v36, v56;
	v59 =	vmul.f32 v6, v6;
	v22 =	vmul.f32 v10, v10;
	[tilespmem:s20+$0x20] =	vst v26  }
0xd3: {  	v62 =	vmul.f32 v19, v19;
	[tilespmem:s3+$0x20] =	vst v20;
	v20 =	vadd.f32 v46, v57;
	v21 =	vadd.f32 v31, v28  }
0xd4: {  	[tilespmem:s19+$0xFFFFFFF0] =	vst v18;
	v61 =	vadd.f32 v50, v59;
	v18 =	vadd.f32 v22, v58;
	v22 =	vmul.f32 v14, v14  }
0xd5: {  	[tilespmem:s15+$0x0] =	vst v13;
	v63 =	vmul.f32 v11, v15;
	v21 =	vmax.f32 v21, $1.000000020e-24;
	v23 =	vadd.f32 v62, v20  }
0xd6: {  	[tilespmem:s19+$0x0] =	vst v17;
	v16 =	vmax.f32 v18, $1.000000020e-24;
	v13 =	vadd.f32 v22, v61;
	v20 =	vshra.s32 v21, $0x1  }
0xd7: {  	s31 =	simm.s32 $0x50;
	s0 =	simm.s32 $0x8C0;
	[tilespmem:s30+$0x10] =	vst v63;
	s30 =	simm.s32 $0x8870;
	v15 =	vmul.f32 $5.000000000e-01, v21;
	v21 =	vshra.s32 v16, $0x1;
	v18 =	vmax.f32 v23, $1.000000020e-24  }
.LBB2_3:
0xd8: {  	v22 =	vld [tilespmem:s0+$0x20];
	v17 =	vmul.f32 $5.000000000e-01, v16;
	v23 =	vshra.s32 v18, $0x1;
	v16 =	vmax.f32 v13, $1.000000020e-24;
	v13 =	vmovc v19  }
0xd9: {  	v18 =	vmul.f32 $5.000000000e-01, v18;
	v19 =	vld [tilespmem:s0+$0xFFFFFFF0];
	v24 =	vshra.s32 v16, $0x1;
	v16 =	vmul.f32 $5.000000000e-01, v16  }
0xda: {  	s31 =	sadd.s32 $0x50, s31;
	v32 =	vsub.s32 $0x5F3759DF, v20;
	v28 =	vsub.s32 $0x5F3759DF, v21;
	v23 =	vsub.s32 $0x5F3759DF, v23;
	v25 =	vld [tilespmem:s0+$0x0]  }
0xdb: {  	p2 =	slt.u32 s31, $0xF50;
	v21 =	vmul.f32 v32, v15;
	v26 =	vmul.f32 v28, v17;
	v24 =	vsub.s32 $0x5F3759DF, v24;
	v20 =	vld [tilespmem:s0+$0x10]  }
0xdc: {  	v33 =	vmul.f32 v23, v18;
	v34 =	vmul.f32 v24, v16;
	v27 =	vld [tilespmem:s0+$0xFFFFFFE0]  }
0xdd: {  	v35 =	vmul.f32 v32, v21;
	v36 =	vmul.f32 v28, v26;
	v29 =	vshrl.u32 v22, $0x7  }
0xde: {  	v26 =	vand.u32 $0x7F, v22;
	v21 =	vshrl.u32 v19, $0x7;
	v29 =	vand.u32 $0x7F, v29  }
0xdf: {  	v21 =	vand.u32 $0x7F, v21;
	v30 =	vshrl.u32 v25, $0x7;
	v31 =	vor.u32 $0x80, v29  }
0xe0: {  	v22 =	vshra.s32 v22, $0xE;
	v30 =	vand.u32 $0x7F, v30;
	v37 =	vshrl.u32 v20, $0x7  }
0xe1: {  	s12 =	sadd.s32 $0x50, s12;
	v39 =	vadd.s32 $0x100, v22;
	v38 =	vshrl.u32 v27, $0x7;
	v37 =	vand.u32 $0x7F, v37  }
0xe2: {  	v42 =	vor.u32 $0x180, v26;
	v40 =	vor.u32 $0x80, v21;
	v38 =	vand.u32 $0x7F, v38;
	v41 =	vld [tilespmem:s12+$0x20]  }
0xe3: {  	v29 =	vor.u32 $0x200, v29;
	v44 =	vor.u32 $0x80, v30;
	v43 =	vor.u32 $0x80, v38;
	v26 =	vld.idx.msk [tilespmem:v26+s4+$0x0], $0xffff  }
0xe4: {  	s13 =	sadd.s32 $0x50, s13;
	v46 =	vand.u32 $0x7F, v19;
	v45 =	vand.u32 $0x7F, v27;
	v47 =	vor.u32 $0x80, v37;
	v48 =	vld.idx.msk [tilespmem:v31+s4+$0x0], $0xffff  }
0xe5: {  	v22 =	vadd.s32 $0x280, v22;
	v49 =	vand.u32 $0x7F, v25;
	v50 =	vand.u32 $0x7F, v20;
	v51 =	vld [tilespmem:s13+$0x20]  }
0xe6: {  	v19 =	vshra.s32 v19, $0xE;
	v25 =	vshra.s32 v25, $0xE;
	v27 =	vshra.s32 v27, $0xE;
	v39 =	vld.idx.msk [tilespmem:v39+s4+$0x0], $0xffff  }
0xe7: {  	v53 =	vadd.s32 $0x100, v19;
	v20 =	vshra.s32 v20, $0xE;
	v52 =	vadd.s32 $0x100, v27;
	v42 =	vld.idx.msk [tilespmem:v42+s4+$0x0], $0xffff  }
0xe8: {  	s14 =	sadd.s32 $0x50, s14;
	v54 =	vadd.s32 $0x100, v25;
	v55 =	vadd.s32 $0x100, v20;
	v38 =	vor.u32 $0x200, v38;
	v56 =	vld.idx.msk [tilespmem:v29+s4+$0x0], $0xffff  }
0xe9: {  	v57 =	vor.u32 $0x200, v21;
	v58 =	vor.u32 $0x200, v30;
	v37 =	vor.u32 $0x200, v37;
	v59 =	vld [tilespmem:s14+$0x20]  }
0xea: {  	v31 =	vor.u32 $0x180, v45;
	v21 =	vadd.f32 v26, v26;
	v26 =	vadd.f32 v48, v48;
	v48 =	vld.idx.msk [tilespmem:v22+s4+$0x0], $0xffff  }
0xeb: {  	v60 =	vor.u32 $0x180, v46;
	v30 =	vor.u32 $0x180, v49;
	v29 =	vor.u32 $0x180, v50;
	v43 =	vld.idx.msk [tilespmem:v43+s4+$0x0], $0xffff  }
0xec: {  	v41 =	vmul.f32 v21, v41;
	v26 =	vmul.f32 v26, v51;
	v39 =	vadd.f32 v39, v39;
	v40 =	vld.idx.msk [tilespmem:v40+s4+$0x0], $0xffff  }
0xed: {  	v22 =	vadd.s32 $0x280, v27;
	v21 =	vadd.s32 $0x280, v19;
	v19 =	vadd.s32 $0x280, v25;
	v44 =	vld.idx.msk [tilespmem:v44+s4+$0x0], $0xffff  }
0xee: {  	v27 =	vadd.f32 v41, v42;
	v25 =	vadd.f32 v26, v56;
	v47 =	vld.idx.msk [tilespmem:v47+s4+$0x0], $0xffff;
	v26 =	vmul.f32 v39, v59  }
0xef: {  	v33 =	vmul.f32 v23, v33;
	v34 =	vmul.f32 v24, v34;
	v20 =	vadd.s32 $0x280, v20;
	v39 =	vld.idx.msk [tilespmem:v45+s4+$0x0], $0xffff  }
0xf0: {  	v42 =	vmul.f32 v27, v27;
	v45 =	vmul.f32 v25, v25;
	v41 =	vld.idx.msk [tilespmem:v46+s4+$0x0], $0xffff;
	v26 =	vadd.f32 v26, v48  }
0xf1: {  	v35 =	vsub.f32 $1.500000000e+00, v35;
	v43 =	vadd.f32 v43, v43;
	v48 =	vmul.f32 v11, v0;
	v0 =	vmovc v12;
	v46 =	vld.idx.msk [tilespmem:v49+s4+$0x0], $0xffff  }
0xf2: {  	v12 =	vadd.f32 v40, v40;
	v42 =	vadd.f32 v45, v42;
	v40 =	vld.idx.msk [tilespmem:v50+s4+$0x0], $0xffff;
	v45 =	vmul.f32 v26, v26  }
0xf3: {  	v32 =	vmul.f32 v32, v35;
	v35 =	vsub.f32 $1.500000000e+00, v36;
	v44 =	vadd.f32 v44, v44;
	v49 =	vld.idx.msk [tilespmem:v52+s4+$0x0], $0xffff;
	[tilespmem:s15+$0x10] =	vst v48;
	s15 =	smov.u32 s20  }
0xf4: {  	v11 =	vmul.f32 v11, v1;
	v47 =	vadd.f32 v47, v47;
	v36 =	vld.idx.msk [tilespmem:v53+s4+$0x0], $0xffff;
	v42 =	vadd.f32 v45, v42  }
0xf5: {  	v33 =	vsub.f32 $1.500000000e+00, v33;
	v28 =	vmul.f32 v28, v35;
	v1 =	vmovc v14;
	v39 =	vadd.f32 v39, v39;
	v45 =	vld.idx.msk [tilespmem:v54+s4+$0x0], $0xffff  }
0xf6: {  	v34 =	vsub.f32 $1.500000000e+00, v34;
	v14 =	vadd.f32 v41, v41;
	v35 =	vld.idx.msk [tilespmem:v55+s4+$0x0], $0xffff;
	v41 =	vmax.f32 v42, $1.000000020e-24;
	[tilespmem:s19+$0x10] =	vst v11;
	s19 =	smov.u32 s3  }
0xf7: {  	v42 =	vadd.f32 v46, v46;
	v11 =	vld [tilespmem:s12+$0xFFFFFFE0];
	v46 =	vshra.s32 v41, $0x1;
	v41 =	vmul.f32 $5.000000000e-01, v41  }
0xf8: {  	v23 =	vmul.f32 v23, v33;
	v40 =	vadd.f32 v40, v40;
	v48 =	vld [tilespmem:s13+$0xFFFFFFE0];
	v46 =	vsub.s32 $0x5F3759DF, v46  }
0xf9: {  	v24 =	vmul.f32 v24, v34;
	v33 =	vadd.f32 v49, v49;
	v49 =	vld [tilespmem:s12+$0xFFFFFFF0];
	v50 =	vmul.f32 v46, v41  }
0xfa: {  	v15 =	vmul.f32 v32, v15;
	v17 =	vmul.f32 v28, v17;
	v36 =	vadd.f32 v36, v36;
	v34 =	vld [tilespmem:s13+$0xFFFFFFF0]  }
0xfb: {  	v18 =	vmul.f32 v23, v18;
	v45 =	vadd.f32 v45, v45;
	v51 =	vld [tilespmem:s12+$0x0];
	v50 =	vmul.f32 v46, v50  }
0xfc: {  	v16 =	vmul.f32 v24, v16;
	v35 =	vadd.f32 v35, v35;
	v39 =	vmul.f32 v39, v11;
	v11 =	vld [tilespmem:s13+$0x0]  }
0xfd: {  	v15 =	vmul.f32 v15, v32;
	v43 =	vmul.f32 v43, v48;
	v48 =	vld [tilespmem:s12+$0x10];
	v50 =	vsub.f32 $1.500000000e+00, v50  }
0xfe: {  	v17 =	vmul.f32 v17, v28;
	v14 =	vmul.f32 v14, v49;
	v49 =	vld [tilespmem:s13+$0x10]  }
0xff: {  	v15 =	vsub.f32 $1.500000000e+00, v15;
	v38 =	vld.idx.msk [tilespmem:v38+s4+$0x0], $0xffff;
	v12 =	vmul.f32 v12, v34;
	v34 =	vmul.f32 v46, v50  }
0x100: {  	v18 =	vmul.f32 v18, v23;
	v17 =	vsub.f32 $1.500000000e+00, v17;
	v46 =	vld.idx.msk [tilespmem:v57+s4+$0x0], $0xffff;
	v42 =	vmul.f32 v42, v51  }
0x101: {  	v44 =	vmul.f32 v44, v11;
	v50 =	vld.idx.msk [tilespmem:v58+s4+$0x0], $0xffff;
	v11 =	vmul.f32 v34, v41  }
0x102: {  	v16 =	vmul.f32 v16, v24;
	v18 =	vsub.f32 $1.500000000e+00, v18;
	v40 =	vmul.f32 v40, v48;
	v37 =	vld.idx.msk [tilespmem:v37+s4+$0x0], $0xffff  }
0x103: {  	v31 =	vld.idx.msk [tilespmem:v31+s4+$0x0], $0xffff;
	v41 =	vmul.f32 v47, v49;
	v11 =	vmul.f32 v11, v34  }
0x104: {  	v15 =	vmul.f32 v15, v32;
	v16 =	vsub.f32 $1.500000000e+00, v16;
	v17 =	vmul.f32 v17, v28;
	v47 =	vld.idx.msk [tilespmem:v60+s4+$0x0], $0xffff  }
0x105: {  	v18 =	vmul.f32 v18, v23;
	v28 =	vadd.f32 v43, v38;
	v30 =	vld.idx.msk [tilespmem:v30+s4+$0x0], $0xffff;
	v32 =	vsub.f32 $1.500000000e+00, v11  }
0x106: {  	v7 =	vmul.f32 v15, v7;
	v23 =	vadd.f32 v12, v46;
	v11 =	vmul.f32 v16, v24;
	v29 =	vld.idx.msk [tilespmem:v29+s4+$0x0], $0xffff  }
0x107: {  	v24 =	vmul.f32 v28, v28;
	v38 =	vadd.f32 v44, v50;
	v16 =	vld [tilespmem:s14+$0xFFFFFFE0];
	v32 =	vmul.f32 v32, v34  }
0x108: {  	v43 =	vmul.f32 v23, v23;
	v12 =	vadd.f32 v41, v37;
	v37 =	vmul.f32 v15, v2;
	v34 =	vld [tilespmem:s14+$0xFFFFFFF0];
	[tilespmem:s21+$0xFFFFFFE0] =	vst v7  }
0x109: {  	v2 =	vmovc v28;
	v7 =	vadd.f32 v39, v31;
	v39 =	vmul.f32 v38, v38;
	v31 =	vld [tilespmem:s14+$0x0];
	v27 =	vmul.f32 v32, v27  }
0x10a: {  	s21 =	sadd.s32 $0x50, s21;
	v14 =	vadd.f32 v14, v47;
	v41 =	vmul.f32 v12, v12;
	v25 =	vmul.f32 v32, v25;
	v28 =	vld [tilespmem:s14+$0x10];
	[tilespmem:s20+$0xFFFFFFE0] =	vst v37  }
0x10b: {  	v26 =	vmul.f32 v32, v26;
	v30 =	vadd.f32 v42, v30;
	s20 =	sadd.s32 $0x50, s20;
	v22 =	vld.idx.msk [tilespmem:v22+s4+$0x0], $0xffff;
	[tilespmem:s21+$0x20] =	vst v27  }
0x10c: {  	s3 =	sadd.s32 $0x50, s3;
	v27 =	vadd.f32 v40, v29;
	v16 =	vmul.f32 v33, v16;
	v21 =	vld.idx.msk [tilespmem:v21+s4+$0x0], $0xffff;
	[tilespmem:s20+$0x20] =	vst v25  }
0x10d: {  	v25 =	vmul.f32 v7, v7;
	v29 =	vmul.f32 v36, v34;
	v19 =	vld.idx.msk [tilespmem:v19+s4+$0x0], $0xffff;
	[tilespmem:s3+$0x20] =	vst v26  }
0x10e: {  	v26 =	vmul.f32 v14, v14;
	v31 =	vmul.f32 v45, v31;
	v20 =	vld.idx.msk [tilespmem:v20+s4+$0x0], $0xffff  }
0x10f: {  	v24 =	vadd.f32 v24, v25;
	v25 =	vmul.f32 v30, v30;
	v28 =	vmul.f32 v35, v28  }
0x110: {  	v15 =	vmul.f32 v15, v9;
	v32 =	vmul.f32 v27, v27;
	v26 =	vadd.f32 v43, v26  }
0x111: {  	v9 =	vadd.f32 v16, v22;
	v16 =	vadd.f32 v39, v25;
	v22 =	vmul.f32 v17, v4;
	v4 =	vmovc v14  }
0x112: {  	v5 =	vmul.f32 v17, v5;
	v25 =	vadd.f32 v29, v21;
	v21 =	vadd.f32 v41, v32;
	[tilespmem:s19+$0xFFFFFFE0] =	vst v15  }
0x113: {  	v10 =	vmul.f32 v17, v10;
	v15 =	vmul.f32 v9, v9;
	v19 =	vadd.f32 v31, v19;
	[tilespmem:s30+$0xFFFFFFF0] =	vst v22  }
0x114: {  	v17 =	vmul.f32 v25, v25;
	v14 =	vadd.f32 v28, v20;
	v20 =	vmul.f32 v18, v8;
	[tilespmem:s15+$0xFFFFFFF0] =	vst v5  }
.Ltmp4:
0x115: {  	v28 =	vmul.f32 v18, v3;
	v29 =	vadd.f32 v15, v24;
	v15 =	vmul.f32 v19, v19;
	[tilespmem:s19+$0xFFFFFFF0] =	vst v10;
	(pc) =	sbr.rel @p2 .LBB2_3-.Ltmp4, $4  }
0x116: {  	v18 =	vmul.f32 v18, v13;
	v31 =	vadd.f32 v17, v26;
	v17 =	vmul.f32 v14, v14;
	[tilespmem:s30+$0x0] =	vst v20  }
0x117: {  	v5 =	vmovc v23;
	v26 =	vmul.f32 v11, v6;
	v22 =	vmax.f32 v29, $1.000000020e-24;
	v24 =	vadd.f32 v15, v16;
	[tilespmem:s15+$0x0] =	vst v28  }
0x118: {  	v3 =	vmovc v38;
	v8 =	vmovc v30;
	v20 =	vshra.s32 v22, $0x1;
	v16 =	vmax.f32 v31, $1.000000020e-24;
	v13 =	vadd.f32 v17, v21;
	[tilespmem:s19+$0x0] =	vst v18  }
0x119: {  	s0 =	sadd.s32 $0x50, s0;
	v6 =	vmovc v27;
	v10 =	vmovc v25;
	v15 =	vmul.f32 $5.000000000e-01, v22;
	v21 =	vshra.s32 v16, $0x1;
	v18 =	vmax.f32 v24, $1.000000020e-24;
	[tilespmem:s30+$0x10] =	vst v26;
	s30 =	smov.u32 s21  }
0x11a: {  	v17 =	vsub.s32 $0x5F3759DF, v20  }
0x11b: {  	v16 =	vmul.f32 $5.000000000e-01, v16;
	v20 =	vmul.f32 v17, v15  }
0x11c: {  	v21 =	vsub.s32 $0x5F3759DF, v21;
	v22 =	vshra.s32 v18, $0x1;
	v45 =	vmul.f32 $5.000000000e-01, v18  }
0x11d: {  	v22 =	vsub.s32 $0x5F3759DF, v22;
	v23 =	vmul.f32 v21, v16;
	v20 =	vmul.f32 v17, v20  }
0x11e: {  	v25 =	vmul.f32 v22, v45  }
0x11f: {  	v13 =	vmax.f32 v13, $1.000000020e-24;
	v23 =	vmul.f32 v21, v23;
	v20 =	vsub.f32 $1.500000000e+00, v20  }
0x120: {  	v24 =	vshra.s32 v13, $0x1;
	v13 =	vmul.f32 $5.000000000e-01, v13;
	v25 =	vmul.f32 v22, v25  }
0x121: {  	v24 =	vsub.s32 $0x5F3759DF, v24;
	v23 =	vsub.f32 $1.500000000e+00, v23;
	v17 =	vmul.f32 v17, v20  }
0x122: {  	v46 =	vmul.f32 v24, v13;
	v48 =	vsub.f32 $1.500000000e+00, v25  }
0x123: {  	v21 =	vmul.f32 v21, v23;
	v47 =	vmul.f32 v17, v15  }
0x124: {  	v20 =	vmul.f32 v24, v46;
	v22 =	vmul.f32 v22, v48  }
0x125: {  	v16 =	vmul.f32 v21, v16;
	v15 =	vmul.f32 v47, v17  }
0x126: {  	v20 =	vsub.f32 $1.500000000e+00, v20;
	v18 =	vmul.f32 v22, v45  }
0x127: {  	v0 =	vmul.f32 v11, v0;
	v16 =	vmul.f32 v16, v21;
	v15 =	vsub.f32 $1.500000000e+00, v15  }
0x128: {  	v20 =	vmul.f32 v24, v20;
	v51 =	vmul.f32 v18, v22  }
0x129: {  	v50 =	vsub.f32 $1.500000000e+00, v16;
	v15 =	vmul.f32 v15, v17  }
0x12a: {  	v1 =	vmul.f32 v11, v1;
	[tilespmem:s15+$0x10] =	vst v0;
	v49 =	vmul.f32 v20, v13;
	v0 =	vsub.f32 $1.500000000e+00, v51  }
0x12b: {  	v52 =	vmul.f32 v50, v21;
	v7 =	vmul.f32 v15, v7  }
0x12c: {  	[tilespmem:s19+$0x10] =	vst v1;
	v0 =	vmul.f32 v0, v22;
	v2 =	vmul.f32 v15, v2  }
0x12d: {  	v55 =	vmul.f32 v52, v4;
	[tilespmem:s21+$0xFFFFFFE0] =	vst v7  }
0x12e: {  	v54 =	vmul.f32 v49, v20;
	v58 =	vmul.f32 v0, v8;
	[tilespmem:s20+$0xFFFFFFE0] =	vst v2  }
0x12f: {  	v53 =	vmul.f32 v15, v9;
	[tilespmem:s30+$0xFFFFFFF0] =	vst v55  }
0x130: {  	v57 =	vsub.f32 $1.500000000e+00, v54;
	v56 =	vmul.f32 v52, v5;
	[tilespmem:s30+$0x0] =	vst v58  }
0x131: {  	v60 =	vmul.f32 v0, v3;
	[tilespmem:s3+$0xFFFFFFE0] =	vst v53  }
0x132: {  	v1 =	vmul.f32 v52, v10;
	v59 =	vmul.f32 v57, v20;
	[tilespmem:s20+$0xFFFFFFF0] =	vst v56  }
0x133: {  	v0 =	vmul.f32 v0, v19;
	[tilespmem:s20+$0x0] =	vst v60  }
0x134: {  	v61 =	vmul.f32 v59, v6;
	[tilespmem:s3+$0xFFFFFFF0] =	vst v1  }
0x135: {  	v62 =	vmul.f32 v59, v12;
	[tilespmem:s3+$0x0] =	vst v0  }
0x136: {  	s0 =	smul.u32 $0x1F4, s7;
	v63 =	vmul.f32 v59, v14;
	[tilespmem:s30+$0x10] =	vst v61  }
0x137: {  	[tilespmem:s20+$0x10] =	vst v62  }
0x138: {  	s21 =	sadd.s32 s9, s0;
	[tilespmem:s3+$0x10] =	vst v63;
	s3 =	sadd.s32 s17, s24  }
0x139: {  	[hbm4b:s21+s4] =	stream.linear.scatter [tilespmem:s26], [sflag:$0x3], $0xFA0, $0x38;
	[tilespmem:$0xE800] =	vst v63  }
0x13a: {  	s30 =	sadd.s32 s10, s0;
	p2 =	sgt.u32 s3, $0x1F3  }
0x13b: {  	[hbm4b:s30+s4] =	stream.linear.scatter [tilespmem:s28], [sflag:$0x3], $0xFA0, $0x38;
	[tilespmem:$0xE800] =	vst v63  }
0x13c: {  	s0 =	sadd.s32 s11, s0;
	s3 =	smul.u32 @!p2 $0x1F4, s3  }
0x13d: {  	[hbm4b:s0+s4] =	stream.linear.scatter [tilespmem:s29], [sflag:$0x3], $0xFA0, $0x38;
	[tilespmem:$0xE800] =	vst v63  }
0x13e: {  	s7 =	simm.s32 @!p2 $0x0;
	s12 =	simm.s32 @!p2 $0x800;
	s0 =	sadd.s32 @!p2 s2, s3  }
0x13f: {  	[tilespmem:s12], [sflag:$0x1] =	stream.linear.gather @!p2 [hbm4b:s0+s7], $0xFA0, $0x38;
	[tilespmem:$0xE800] =	vst v63  }
0x140: {  	s0 =	sadd.s32 @!p2 s5, s3;
	s12 =	simm.s32 @!p2 $0x1800  }
0x141: {  	[tilespmem:s12], [sflag:$0x1] =	stream.linear.gather @!p2 [hbm4b:s0+s7], $0xFA0, $0x38;
	[tilespmem:$0xE800] =	vst v63  }
0x142: {  	s0 =	sadd.s32 @!p2 s6, s3;
	s12 =	simm.s32 @!p2 $0x2800  }
0x143: {  	[tilespmem:s12], [sflag:$0x1] =	stream.linear.gather @!p2 [hbm4b:s0+s7], $0xFA0, $0x38;
	[tilespmem:$0xE800] =	vst v63  }
0x144: {  	s0 =	sadd.s32 @!p2 s1, s3;
	s3 =	simm.s32 @!p2 $0x3800  }
0x145: {  	[tilespmem:s3], [sflag:$0x1] =	stream.linear.gather @!p2 [hbm4b:s0+s7], $0xFA0, $0x38;
	[tilespmem:$0xE800] =	vst v63  }
0x146: {  	s0 =	simm.s32 @!p1 $0x2  }
0x147: {  	_ =	swait.ge @!p1 [sflag:s0], $0xFA0  }
0x148: {  	[sflag:s0] =	ssyncset.done @!p1 $0x0  }
0x149: {  	[sflag:s0] =	ssyncadd.s32 @!p1 $0xFFFFF060  }
0x14a: {  	_ =	swait.ge @!p1 [sflag:s0], $0xFA0  }
0x14b: {  	[sflag:s0] =	ssyncset.done @!p1 $0x0  }
0x14c: {  	[sflag:s0] =	ssyncadd.s32 @!p1 $0xFFFFF060  }
0x14d: {  	_ =	swait.ge @!p1 [sflag:s0], $0xFA0  }
0x14e: {  	[sflag:s0] =	ssyncset.done @!p1 $0x0  }
0x14f: {  	[sflag:s0] =	ssyncadd.s32 @!p1 $0xFFFFF060  }
0x150: {  	s31 =	sadd.s32 s18, s24;
	_ =	swait.ge @!p1 [sflag:s0], $0xFA0  }
0x151: {  	p2 =	sgt.u32 s31, $0x1F3;
	[sflag:s0] =	ssyncset.done @!p1 $0x0  }
0x152: {  	[sflag:s0] =	ssyncadd.s32 @!p1 $0xFFFFF060;
	s0 =	simm.s32 @!p2 $0x4  }
0x153: {  	_ =	swait.ge @!p2 [sflag:s0], $0xFA0  }
0x154: {  	[sflag:s0] =	ssyncset.done @!p2 $0x0  }
0x155: {  	[sflag:s0] =	ssyncadd.s32 @!p2 $0xFFFFF060  }
0x156: {  	_ =	swait.ge @!p2 [sflag:s0], $0xFA0  }
.Ltmp5:
0x157: {  	[sflag:s0] =	ssyncset.done @!p2 $0x0;
	(pc) =	sbr.rel @p1 .LBB2_8-.Ltmp5, $4  }
0x158: {  	[sflag:s0] =	ssyncadd.s32 @!p2 $0xFFFFF060  }
0x159: {  	_ =	swait.ge @!p2 [sflag:s0], $0xFA0  }
0x15a: {  	[sflag:s0] =	ssyncset.done @!p2 $0x0  }
0x15b: {  	[sflag:s0] =	ssyncadd.s32 @!p2 $0xFFFFF060  }
0x15c: {  	s0 =	simm.s32 $0x4820  }
0x15d: {  	v0 =	vld [tilespmem:s0+$0x20]  }
0x15e: {  	v2 =	vld [tilespmem:s0+$0xFFFFFFF0]  }
0x15f: {  	v4 =	vld [tilespmem:s0+$0xFFFFFFE0]  }
0x160: {  	v6 =	vld [tilespmem:s0+$0x0]  }
0x161: {  	s3 =	simm.s32 $0x5820;
	v7 =	vld [tilespmem:s0+$0x10]  }
0x162: {  	s7 =	simm.s32 $0x6820;
	v9 =	vld [tilespmem:s3+$0x20]  }
0x163: {  	s30 =	simm.s32 $0x7820;
	v13 =	vld [tilespmem:s7+$0x20]  }
0x164: {  	v20 =	vld [tilespmem:s30+$0x20];
	v1 =	vshrl.u32 v0, $0x7  }
0x165: {  	v29 =	vld [tilespmem:s7+$0xFFFFFFE0];
	v3 =	vand.u32 $0x7F, v0;
	v1 =	vand.u32 $0x7F, v1  }
0x166: {  	v30 =	vld [tilespmem:s3+$0xFFFFFFF0];
	v5 =	vor.u32 $0x80, v1  }
0x167: {  	v32 =	vld [tilespmem:s7+$0xFFFFFFF0];
	v0 =	vshra.s32 v0, $0xE  }
0x168: {  	v33 =	vld [tilespmem:s3+$0x0];
	v8 =	vadd.s32 $0x100, v0  }
0x169: {  	v35 =	vld [tilespmem:s7+$0x0];
	v10 =	vor.u32 $0x180, v3  }
0x16a: {  	v1 =	vor.u32 $0x200, v1;
	v3 =	vld.idx.msk [tilespmem:v3+s4+$0x0], $0xffff  }
0x16b: {  	v5 =	vld.idx.msk [tilespmem:v5+s4+$0x0], $0xffff  }
0x16c: {  	v36 =	vld [tilespmem:s3+$0x10];
	v11 =	vshrl.u32 v4, $0x7;
	v0 =	vadd.s32 $0x280, v0  }
0x16d: {  	v12 =	vshrl.u32 v2, $0x7;
	v14 =	vshrl.u32 v6, $0x7;
	v16 =	vshrl.u32 v7, $0x7;
	v8 =	vld.idx.msk [tilespmem:v8+s4+$0x0], $0xffff  }
0x16e: {  	v21 =	vand.u32 $0x7F, v4;
	v22 =	vand.u32 $0x7F, v2;
	v24 =	vand.u32 $0x7F, v7;
	v10 =	vld.idx.msk [tilespmem:v10+s4+$0x0], $0xffff  }
0x16f: {  	v4 =	vshra.s32 v4, $0xE;
	v2 =	vshra.s32 v2, $0xE;
	v7 =	vshra.s32 v7, $0xE;
	v1 =	vld.idx.msk [tilespmem:v1+s4+$0x0], $0xffff  }
0x170: {  	v37 =	vld [tilespmem:s7+$0x10];
	v11 =	vand.u32 $0x7F, v11;
	v3 =	vadd.f32 v3, v3;
	v5 =	vadd.f32 v5, v5  }
0x171: {  	v12 =	vand.u32 $0x7F, v12;
	v25 =	vadd.s32 $0x100, v4;
	v26 =	vadd.s32 $0x100, v2;
	v0 =	vld.idx.msk [tilespmem:v0+s4+$0x0], $0xffff  }
0x172: {  	s31 =	simm.s32 $0x4870;
	v48 =	vld [tilespmem:s30+$0xFFFFFFF0];
	v8 =	vadd.f32 v8, v8;
	v3 =	vmul.f32 v3, v9;
	v5 =	vmul.f32 v5, v13  }
0x173: {  	v54 =	vld [tilespmem:s31+$0x0];
	v14 =	vand.u32 $0x7F, v14;
	v27 =	vadd.s32 $0x100, v7;
	v15 =	vor.u32 $0x80, v11  }
0x174: {  	v59 =	vld [tilespmem:s31+$0xFFFFFFE0];
	v10 =	vadd.f32 v3, v10;
	v3 =	vmul.f32 v8, v20;
	v1 =	vadd.f32 v5, v1  }
0x175: {  	v16 =	vand.u32 $0x7F, v16;
	v17 =	vor.u32 $0x80, v12;
	v18 =	vor.u32 $0x80, v14;
	v28 =	vld.idx.msk [tilespmem:v22+s4+$0x0], $0xffff  }
0x176: {  	v25 =	vld.idx.msk [tilespmem:v25+s4+$0x0], $0xffff;
	v20 =	vadd.f32 v3, v0;
	v0 =	vmul.f32 v10, v10;
	v3 =	vmul.f32 v1, v1  }
0x177: {  	v19 =	vor.u32 $0x80, v16;
	v26 =	vld.idx.msk [tilespmem:v26+s4+$0x0], $0xffff  }
0x178: {  	v11 =	vor.u32 $0x200, v11;
	v27 =	vld.idx.msk [tilespmem:v27+s4+$0x0], $0xffff;
	v0 =	vadd.f32 v3, v0;
	v3 =	vmul.f32 v20, v20  }
0x179: {  	v12 =	vor.u32 $0x200, v12;
	v15 =	vld.idx.msk [tilespmem:v15+s4+$0x0], $0xffff  }
0x17a: {  	v23 =	vand.u32 $0x7F, v6;
	v17 =	vld.idx.msk [tilespmem:v17+s4+$0x0], $0xffff;
	v0 =	vadd.f32 v3, v0  }
0x17b: {  	v6 =	vshra.s32 v6, $0xE;
	v16 =	vor.u32 $0x200, v16;
	v18 =	vld.idx.msk [tilespmem:v18+s4+$0x0], $0xffff  }
0x17c: {  	v39 =	vshrl.u32 v54, $0x7;
	v41 =	vshrl.u32 v59, $0x7;
	v19 =	vld.idx.msk [tilespmem:v19+s4+$0x0], $0xffff;
	v0 =	vmax.f32 v0, $1.000000020e-24  }
0x17d: {  	v38 =	vadd.s32 $0x280, v4;
	v11 =	vld.idx.msk [tilespmem:v11+s4+$0x0], $0xffff;
	v31 =	vshra.s32 v0, $0x1;
	v0 =	vmul.f32 $5.000000000e-01, v0  }
0x17e: {  	v2 =	vadd.s32 $0x280, v2;
	v45 =	vadd.s32 $0x280, v6;
	v12 =	vld.idx.msk [tilespmem:v12+s4+$0x0], $0xffff;
	v31 =	vsub.s32 $0x5F3759DF, v31  }
0x17f: {  	v7 =	vadd.s32 $0x280, v7;
	v14 =	vor.u32 $0x200, v14;
	v5 =	vld.idx.msk [tilespmem:v23+s4+$0x0], $0xffff;
	v34 =	vmul.f32 v31, v0  }
0x180: {  	v39 =	vand.u32 $0x7F, v39;
	v41 =	vand.u32 $0x7F, v41;
	v16 =	vld.idx.msk [tilespmem:v16+s4+$0x0], $0xffff;
	v13 =	vadd.s32 $0x100, v6  }
0x181: {  	v44 =	vor.u32 $0x80, v41;
	v41 =	vor.u32 $0x200, v41;
	v9 =	vld.idx.msk [tilespmem:v21+s4+$0x0], $0xffff;
	v34 =	vmul.f32 v31, v34  }
0x182: {  	v25 =	vadd.f32 v25, v25;
	v21 =	vor.u32 $0x180, v21;
	v8 =	vld.idx.msk [tilespmem:v24+s4+$0x0], $0xffff;
	v6 =	vadd.f32 v15, v15  }
0x183: {  	v22 =	vor.u32 $0x180, v22;
	v15 =	vadd.f32 v17, v17;
	v3 =	vld [tilespmem:s3+$0xFFFFFFE0];
	v4 =	vsub.f32 $1.500000000e+00, v34  }
0x184: {  	v24 =	vor.u32 $0x180, v24;
	v17 =	vld.idx.msk [tilespmem:v14+s4+$0x0], $0xffff;
	v14 =	vadd.f32 v18, v18;
	v5 =	vadd.f32 v5, v5  }
0x185: {  	v18 =	vadd.f32 v19, v19;
	v23 =	vor.u32 $0x180, v23;
	v13 =	vld.idx.msk [tilespmem:v13+s4+$0x0], $0xffff;
	v19 =	vmul.f32 v31, v4  }
0x186: {  	v44 =	vld.idx.msk [tilespmem:v44+s4+$0x0], $0xffff;
	v26 =	vadd.f32 v26, v26;
	v47 =	vmul.f32 v5, v33;
	v4 =	vadd.f32 v9, v9  }
0x187: {  	v21 =	vld.idx.msk [tilespmem:v21+s4+$0x0], $0xffff;
	v5 =	vmul.f32 v14, v35;
	v9 =	vadd.f32 v28, v28;
	v0 =	vmul.f32 v19, v0  }
0x188: {  	v22 =	vld.idx.msk [tilespmem:v22+s4+$0x0], $0xffff;
	v27 =	vadd.f32 v27, v27;
	v3 =	vmul.f32 v4, v3;
	v4 =	vmul.f32 v6, v29  }
0x189: {  	v8 =	vadd.f32 v8, v8;
	v24 =	vld.idx.msk [tilespmem:v24+s4+$0x0], $0xffff;
	v6 =	vmul.f32 v9, v30;
	v9 =	vmul.f32 v15, v32  }
0x18a: {  	v23 =	vld.idx.msk [tilespmem:v23+s4+$0x0], $0xffff;
	v46 =	vadd.f32 v13, v13;
	v13 =	vadd.f32 v5, v17;
	v0 =	vmul.f32 v0, v19  }
0x18b: {  	v18 =	vmul.f32 v18, v37;
	v15 =	vld [tilespmem:s30+$0xFFFFFFE0];
	v4 =	vadd.f32 v4, v11;
	v14 =	vadd.f32 v9, v12  }
0x18c: {  	v8 =	vmul.f32 v8, v36;
	v12 =	vld [tilespmem:s30+$0x10];
	v3 =	vadd.f32 v3, v21;
	v0 =	vsub.f32 $1.500000000e+00, v0  }
0x18d: {  	v44 =	vadd.f32 v44, v44;
	v9 =	vld [tilespmem:s30+$0x0];
	v21 =	vmul.f32 v13, v13;
	v17 =	vmul.f32 v4, v4  }
0x18e: {  	v31 =	vshra.s32 v59, $0xE;
	v49 =	vmul.f32 v3, v3;
	v11 =	vmul.f32 v0, v19  }
0x18f: {  	v2 =	vld.idx.msk [tilespmem:v2+s4+$0x0], $0xffff;
	v19 =	vmul.f32 v14, v14;
	v0 =	vadd.f32 v18, v16;
	v16 =	vadd.f32 v47, v23  }
0x190: {  	v18 =	vld.idx.msk [tilespmem:v38+s4+$0x0], $0xffff;
	v23 =	vmul.f32 v25, v15;
	v15 =	vadd.f32 v8, v24;
	v8 =	vmul.f32 v26, v48  }
0x191: {  	v25 =	vadd.f32 v17, v49;
	v49 =	vand.u32 $0x7F, v54;
	v12 =	vmul.f32 v27, v12;
	v27 =	vld [tilespmem:s31+$0x10]  }
0x192: {  	v7 =	vld.idx.msk [tilespmem:v7+s4+$0x0], $0xffff;
	v51 =	vmul.f32 v46, v9;
	v5 =	vmul.f32 v11, v10;
	v10 =	vadd.f32 v6, v22  }
0x193: {  	v46 =	vand.u32 $0x7F, v59;
	v22 =	vmul.f32 v0, v0;
	v6 =	vmul.f32 v11, v1;
	v1 =	vld.idx.msk [tilespmem:v45+s4+$0x0], $0xffff  }
0x194: {  	v45 =	vor.u32 $0x80, v39;
	v39 =	vor.u32 $0x200, v39;
	v50 =	vmul.f32 v10, v10  }
0x195: {  	v9 =	vadd.f32 v23, v18;
	v23 =	vmul.f32 v16, v16;
	v18 =	vadd.f32 v8, v2  }
0x196: {  	v2 =	vadd.f32 v19, v50;
	v19 =	vmul.f32 v15, v15;
	v40 =	vshrl.u32 v27, $0x7  }
0x197: {  	v50 =	vand.u32 $0x7F, v27;
	v27 =	vshra.s32 v27, $0xE;
	v8 =	vmul.f32 v9, v9  }
0x198: {  	v17 =	vadd.f32 v51, v1;
	v52 =	vmul.f32 v18, v18;
	v1 =	vadd.f32 v12, v7  }
0x199: {  	v12 =	vadd.f32 v21, v23;
	v7 =	vmul.f32 v11, v20;
	v40 =	vand.u32 $0x7F, v40  }
0x19a: {  	v51 =	vadd.s32 $0x100, v31;
	v31 =	vadd.s32 $0x280, v31;
	v19 =	vadd.f32 v22, v19  }
0x19b: {  	v20 =	vld [tilespmem:s31+$0x20];
	v48 =	vor.u32 $0x80, v40;
	v40 =	vor.u32 $0x200, v40;
	v8 =	vadd.f32 v8, v25  }
0x19c: {  	v21 =	vmul.f32 v17, v17;
	v2 =	vadd.f32 v52, v2;
	v25 =	vshra.s32 v54, $0xE  }
0x19d: {  	v22 =	vmul.f32 v1, v1;
	v54 =	vadd.s32 $0x100, v25;
	v25 =	vadd.s32 $0x280, v25  }
0x19e: {  	s12 =	simm.s32 $0x6870;
	v8 =	vmax.f32 v8, $1.000000020e-24;
	v11 =	vadd.f32 v21, v12;
	v2 =	vmax.f32 v2, $1.000000020e-24  }
0x19f: {  	s7 =	simm.s32 $0x5870;
	v42 =	vld [tilespmem:s12+$0x20];
	v19 =	vadd.f32 v22, v19;
	v21 =	vshra.s32 v8, $0x1;
	v12 =	vmul.f32 $5.000000000e-01, v8  }
0x1a0: {  	v63 =	vld [tilespmem:s7+$0x20];
	v22 =	vshra.s32 v2, $0x1;
	v8 =	vmul.f32 $5.000000000e-01, v2;
	v55 =	vshrl.u32 v20, $0x7  }
0x1a1: {  	v41 =	vld.idx.msk [tilespmem:v41+s4+$0x0], $0xffff;
	v56 =	vand.u32 $0x7F, v20;
	v20 =	vshra.s32 v20, $0xE;
	v11 =	vmax.f32 v11, $1.000000020e-24  }
0x1a2: {  	v39 =	vld.idx.msk [tilespmem:v39+s4+$0x0], $0xffff;
	v2 =	vmax.f32 v19, $1.000000020e-24;
	v21 =	vsub.s32 $0x5F3759DF, v21;
	v22 =	vsub.s32 $0x5F3759DF, v22  }
0x1a3: {  	v51 =	vld.idx.msk [tilespmem:v51+s4+$0x0], $0xffff;
	v26 =	vand.u32 $0x7F, v55;
	v61 =	vadd.s32 $0x100, v20;
	v23 =	vshra.s32 v11, $0x1  }
0x1a4: {  	s13 =	simm.s32 $0x7870;
	v19 =	vld [tilespmem:s31+$0xFFFFFFF0];
	v11 =	vmul.f32 $5.000000000e-01, v11;
	v53 =	vshra.s32 v2, $0x1;
	v2 =	vmul.f32 $5.000000000e-01, v2  }
0x1a5: {  	v52 =	vld [tilespmem:s13+$0x20];
	v55 =	vor.u32 $0x180, v56;
	v57 =	vmul.f32 v21, v12;
	v58 =	vmul.f32 v22, v8  }
0x1a6: {  	v31 =	vld.idx.msk [tilespmem:v31+s4+$0x0], $0xffff;
	v60 =	vor.u32 $0x80, v26;
	v23 =	vsub.s32 $0x5F3759DF, v23;
	v24 =	vsub.s32 $0x5F3759DF, v53  }
0x1a7: {  	v20 =	vadd.s32 $0x280, v20;
	v48 =	vld.idx.msk [tilespmem:v48+s4+$0x0], $0xffff;
	v33 =	vmul.f32 v23, v11;
	v34 =	vmul.f32 v24, v2  }
0x1a8: {  	v26 =	vor.u32 $0x200, v26;
	v29 =	vmul.f32 v21, v57;
	v30 =	vmul.f32 v22, v58;
	v28 =	vld.idx.msk [tilespmem:v56+s4+$0x0], $0xffff  }
0x1a9: {  	v56 =	vld.idx.msk [tilespmem:v45+s4+$0x0], $0xffff;
	v51 =	vadd.f32 v51, v51;
	v62 =	vshrl.u32 v19, $0x7;
	v47 =	vand.u32 $0x7F, v19  }
0x1aa: {  	v38 =	vld.idx.msk [tilespmem:v55+s4+$0x0], $0xffff;
	v19 =	vshra.s32 v19, $0xE;
	v55 =	vadd.s32 $0x100, v27;
	v27 =	vadd.s32 $0x280, v27  }
0x1ab: {  	v33 =	vmul.f32 v23, v33;
	v29 =	vsub.f32 $1.500000000e+00, v29;
	v34 =	vmul.f32 v24, v34;
	v32 =	vld.idx.msk [tilespmem:v60+s4+$0x0], $0xffff  }
0x1ac: {  	v35 =	vld.idx.msk [tilespmem:v61+s4+$0x0], $0xffff;
	v30 =	vsub.f32 $1.500000000e+00, v30;
	v36 =	vand.u32 $0x7F, v62;
	v53 =	vadd.s32 $0x100, v19  }
0x1ad: {  	v45 =	vor.u32 $0x180, v47;
	v62 =	vld [tilespmem:s12+$0xFFFFFFE0];
	v43 =	vor.u32 $0x80, v36;
	v61 =	vsub.f32 $1.500000000e+00, v33  }
0x1ae: {  	v40 =	vld.idx.msk [tilespmem:v40+s4+$0x0], $0xffff;
	v36 =	vor.u32 $0x200, v36;
	v21 =	vmul.f32 v21, v29;
	v34 =	vsub.f32 $1.500000000e+00, v34  }
0x1af: {  	v26 =	vld.idx.msk [tilespmem:v26+s4+$0x0], $0xffff;
	v22 =	vmul.f32 v22, v30;
	v28 =	vadd.f32 v28, v28;
	v23 =	vmul.f32 v23, v61  }
0x1b0: {  	v20 =	vld.idx.msk [tilespmem:v20+s4+$0x0], $0xffff;
	v24 =	vmul.f32 v24, v34;
	v12 =	vmul.f32 v21, v12;
	v32 =	vadd.f32 v32, v32  }
0x1b1: {  	v29 =	vadd.f32 v48, v48;
	v48 =	vld [tilespmem:s7+$0xFFFFFFE0];
	v8 =	vmul.f32 v22, v8;
	v28 =	vmul.f32 v28, v63  }
0x1b2: {  	v30 =	vld [tilespmem:s12+$0xFFFFFFF0];
	v35 =	vadd.f32 v35, v35;
	v33 =	vmul.f32 v44, v62;
	v32 =	vmul.f32 v32, v42  }
0x1b3: {  	v37 =	vadd.f32 v56, v56;
	v56 =	vld [tilespmem:s7+$0xFFFFFFF0];
	v11 =	vmul.f32 v23, v11;
	v2 =	vmul.f32 v24, v2  }
0x1b4: {  	v47 =	vld.idx.msk [tilespmem:v47+s4+$0x0], $0xffff;
	v57 =	vmul.f32 v35, v52;
	v28 =	vadd.f32 v28, v38;
	v26 =	vadd.f32 v32, v26  }
0x1b5: {  	v61 =	vld [tilespmem:s7+$0x0];
	v12 =	vmul.f32 v12, v21;
	v8 =	vmul.f32 v8, v22;
	v42 =	vor.u32 $0x180, v46  }
0x1b6: {  	v62 =	vld [tilespmem:s12+$0x0];
	v20 =	vadd.f32 v57, v20;
	v58 =	vmul.f32 v28, v28;
	v59 =	vmul.f32 v26, v26  }
0x1b7: {  	v35 =	vld.idx.msk [tilespmem:v46+s4+$0x0], $0xffff;
	v38 =	vor.u32 $0x180, v49;
	v46 =	vor.u32 $0x180, v50;
	v11 =	vmul.f32 v11, v23  }
0x1b8: {  	v55 =	vld.idx.msk [tilespmem:v55+s4+$0x0], $0xffff;
	v12 =	vsub.f32 $1.500000000e+00, v12;
	v60 =	vmul.f32 v20, v20;
	v32 =	vadd.f32 v59, v58  }
0x1b9: {  	v53 =	vld.idx.msk [tilespmem:v53+s4+$0x0], $0xffff;
	v8 =	vsub.f32 $1.500000000e+00, v8;
	v2 =	vmul.f32 v2, v24;
	v47 =	vadd.f32 v47, v47  }
0x1ba: {  	v43 =	vld.idx.msk [tilespmem:v43+s4+$0x0], $0xffff;
	v11 =	vsub.f32 $1.500000000e+00, v11;
	v21 =	vmul.f32 v12, v21;
	v32 =	vadd.f32 v60, v32  }
0x1bb: {  	v52 =	vld.idx.msk [tilespmem:v54+s4+$0x0], $0xffff;
	v22 =	vmul.f32 v8, v22;
	v8 =	vsub.f32 $1.500000000e+00, v2;
	v2 =	vadd.f32 v33, v41  }
0x1bc: {  	v49 =	vld.idx.msk [tilespmem:v49+s4+$0x0], $0xffff;
	v37 =	vmul.f32 v37, v62;
	v47 =	vmul.f32 v47, v56;
	v32 =	vmax.f32 v32, $1.000000020e-24  }
0x1bd: {  	v50 =	vld.idx.msk [tilespmem:v50+s4+$0x0], $0xffff;
	v23 =	vmul.f32 v11, v23;
	v63 =	vshra.s32 v32, $0x1;
	v32 =	vmul.f32 $5.000000000e-01, v32  }
0x1be: {  	v57 =	vld [tilespmem:s12+$0x10];
	v62 =	vmul.f32 v21, v3;
	v11 =	vmul.f32 v8, v24;
	v54 =	vsub.s32 $0x5F3759DF, v63  }
0x1bf: {  	v43 =	vadd.f32 v43, v43;
	v33 =	vmul.f32 v2, v2;
	v63 =	vld [tilespmem:s7+$0x10];
	v60 =	vmul.f32 v54, v32  }
0x1c0: {  	v36 =	vld.idx.msk [tilespmem:v36+s4+$0x0], $0xffff;
	v35 =	vadd.f32 v35, v35;
	v8 =	vmul.f32 v21, v4;
	v21 =	vmul.f32 v21, v9  }
0x1c1: {  	v18 =	vmul.f32 v22, v18;
	v49 =	vadd.f32 v49, v49;
	v42 =	vld.idx.msk [tilespmem:v42+s4+$0x0], $0xffff;
	v34 =	vmul.f32 v54, v60  }
0x1c2: {  	s21 =	simm.s32 $0xB820;
	v50 =	vadd.f32 v50, v50;
	v38 =	vld.idx.msk [tilespmem:v38+s4+$0x0], $0xffff;
	v35 =	vmul.f32 v35, v48;
	v30 =	vmul.f32 v43, v30  }
0x1c3: {  	s14 =	simm.s32 $0xC820;
	[tilespmem:s21+$0x20] =	vst v5;
	v29 =	vmul.f32 v29, v57;
	v48 =	vmul.f32 v49, v61;
	v61 =	vld.idx.msk [tilespmem:v46+s4+$0x0], $0xffff;
	v34 =	vsub.f32 $1.500000000e+00, v34  }
0x1c4: {  	[tilespmem:s14+$0x20] =	vst v6;
	v3 =	vadd.f32 v37, v39;
	v16 =	vmul.f32 v23, v16;
	v59 =	vmul.f32 v50, v63;
	v63 =	vld [tilespmem:s13+$0xFFFFFFE0]  }
0x1c5: {  	v19 =	vadd.s32 $0x280, v19;
	[tilespmem:s21+$0xFFFFFFE0] =	vst v62;
	v13 =	vmul.f32 v23, v13;
	v60 =	vld.idx.msk [tilespmem:v45+s4+$0x0], $0xffff;
	v34 =	vmul.f32 v54, v34  }
0x1c6: {  	s15 =	simm.s32 $0xD820;
	v17 =	vmul.f32 v23, v17;
	v46 =	vmul.f32 v3, v3;
	v49 =	vld [tilespmem:s13+$0x10];
	[tilespmem:s14+$0xFFFFFFE0] =	vst v8;
	v5 =	vadd.f32 v30, v36  }
0x1c7: {  	v53 =	vadd.f32 v53, v53;
	[tilespmem:s15+$0xFFFFFFE0] =	vst v21;
	v21 =	vmul.f32 v22, v14;
	v32 =	vmul.f32 v34, v32  }
0x1c8: {  	[tilespmem:s15+$0x20] =	vst v7;
	v41 =	vld [tilespmem:s13+$0xFFFFFFF0];
	v36 =	vmul.f32 v5, v5;
	v7 =	vadd.f32 v35, v42;
	v8 =	vadd.f32 v48, v38  }
0x1c9: {  	v58 =	vadd.f32 v55, v55;
	v45 =	vld [tilespmem:s13+$0x0];
	v24 =	vmul.f32 v51, v63;
	v32 =	vmul.f32 v32, v34  }
0x1ca: {  	v27 =	vld.idx.msk [tilespmem:v27+s4+$0x0], $0xffff;
	v55 =	vmul.f32 v7, v7;
	v57 =	vmul.f32 v8, v8;
	v4 =	vadd.f32 v47, v60  }
0x1cb: {  	v19 =	vld.idx.msk [tilespmem:v19+s4+$0x0], $0xffff;
	v35 =	vmul.f32 v58, v49;
	v9 =	vadd.f32 v24, v31;
	v12 =	vsub.f32 $1.500000000e+00, v32  }
0x1cc: {  	v25 =	vld.idx.msk [tilespmem:v25+s4+$0x0], $0xffff;
	v52 =	vadd.f32 v52, v52;
	v60 =	vmul.f32 v22, v10;
	v56 =	vmul.f32 v4, v4  }
0x1cd: {  	v31 =	vmul.f32 v9, v9;
	v6 =	vmul.f32 v12, v34  }
0x1ce: {  	[tilespmem:s21+$0x0] =	vst v16;
	v12 =	vadd.f32 v29, v40;
	v34 =	vmul.f32 v53, v41;
	v29 =	vmul.f32 v52, v45  }
0x1cf: {  	v14 =	vadd.f32 v35, v27;
	[tilespmem:s21+$0xFFFFFFF0] =	vst v60;
	v28 =	vmul.f32 v6, v28;
	v26 =	vmul.f32 v6, v26  }
0x1d0: {  	s20 =	simm.s32 $0xB870;
	[tilespmem:s14+$0xFFFFFFF0] =	vst v21;
	v20 =	vmul.f32 v6, v20;
	v6 =	vadd.f32 v59, v61;
	v10 =	vadd.f32 v34, v19  }
0x1d1: {  	s19 =	simm.s32 $0xC870;
	v50 =	vmul.f32 v12, v12;
	v19 =	vadd.f32 v29, v25;
	[tilespmem:s20+$0x20] =	vst v28;
	v28 =	vadd.f32 v33, v55  }
0x1d2: {  	s3 =	simm.s32 $0xD870;
	v58 =	vadd.f32 v36, v56;
	v59 =	vmul.f32 v6, v6;
	v22 =	vmul.f32 v10, v10;
	[tilespmem:s19+$0x20] =	vst v26  }
0x1d3: {  	v62 =	vmul.f32 v19, v19;
	[tilespmem:s3+$0x20] =	vst v20;
	v20 =	vadd.f32 v46, v57;
	v21 =	vadd.f32 v31, v28  }
0x1d4: {  	[tilespmem:s15+$0xFFFFFFF0] =	vst v18;
	v61 =	vadd.f32 v50, v59;
	v18 =	vadd.f32 v22, v58;
	v22 =	vmul.f32 v14, v14  }
0x1d5: {  	[tilespmem:s14+$0x0] =	vst v13;
	v63 =	vmul.f32 v11, v15;
	v21 =	vmax.f32 v21, $1.000000020e-24;
	v23 =	vadd.f32 v62, v20  }
0x1d6: {  	[tilespmem:s15+$0x0] =	vst v17;
	v16 =	vmax.f32 v18, $1.000000020e-24;
	v13 =	vadd.f32 v22, v61;
	v20 =	vshra.s32 v21, $0x1  }
0x1d7: {  	s24 =	simm.s32 $0x50;
	s0 =	simm.s32 $0x48C0;
	[tilespmem:s21+$0x10] =	vst v63;
	s21 =	simm.s32 $0xB870;
	v15 =	vmul.f32 $5.000000000e-01, v21;
	v21 =	vshra.s32 v16, $0x1;
	v18 =	vmax.f32 v23, $1.000000020e-24  }
.LBB2_6:
0x1d8: {  	v22 =	vld [tilespmem:s0+$0x20];
	v17 =	vmul.f32 $5.000000000e-01, v16;
	v23 =	vshra.s32 v18, $0x1;
	v16 =	vmax.f32 v13, $1.000000020e-24;
	v13 =	vmovc v19  }
0x1d9: {  	v18 =	vmul.f32 $5.000000000e-01, v18;
	v19 =	vld [tilespmem:s0+$0xFFFFFFF0];
	v24 =	vshra.s32 v16, $0x1;
	v16 =	vmul.f32 $5.000000000e-01, v16  }
0x1da: {  	s24 =	sadd.s32 $0x50, s24;
	v32 =	vsub.s32 $0x5F3759DF, v20;
	v28 =	vsub.s32 $0x5F3759DF, v21;
	v23 =	vsub.s32 $0x5F3759DF, v23;
	v25 =	vld [tilespmem:s0+$0x0]  }
0x1db: {  	p1 =	slt.u32 s24, $0xF50;
	v21 =	vmul.f32 v32, v15;
	v26 =	vmul.f32 v28, v17;
	v24 =	vsub.s32 $0x5F3759DF, v24;
	v20 =	vld [tilespmem:s0+$0x10]  }
0x1dc: {  	v33 =	vmul.f32 v23, v18;
	v34 =	vmul.f32 v24, v16;
	v27 =	vld [tilespmem:s0+$0xFFFFFFE0]  }
0x1dd: {  	v35 =	vmul.f32 v32, v21;
	v36 =	vmul.f32 v28, v26;
	v29 =	vshrl.u32 v22, $0x7  }
0x1de: {  	v26 =	vand.u32 $0x7F, v22;
	v21 =	vshrl.u32 v19, $0x7;
	v29 =	vand.u32 $0x7F, v29  }
0x1df: {  	v21 =	vand.u32 $0x7F, v21;
	v30 =	vshrl.u32 v25, $0x7;
	v31 =	vor.u32 $0x80, v29  }
0x1e0: {  	v22 =	vshra.s32 v22, $0xE;
	v30 =	vand.u32 $0x7F, v30;
	v37 =	vshrl.u32 v20, $0x7  }
0x1e1: {  	s7 =	sadd.s32 $0x50, s7;
	v39 =	vadd.s32 $0x100, v22;
	v38 =	vshrl.u32 v27, $0x7;
	v37 =	vand.u32 $0x7F, v37  }
0x1e2: {  	v42 =	vor.u32 $0x180, v26;
	v40 =	vor.u32 $0x80, v21;
	v38 =	vand.u32 $0x7F, v38;
	v41 =	vld [tilespmem:s7+$0x20]  }
0x1e3: {  	v29 =	vor.u32 $0x200, v29;
	v44 =	vor.u32 $0x80, v30;
	v43 =	vor.u32 $0x80, v38;
	v26 =	vld.idx.msk [tilespmem:v26+s4+$0x0], $0xffff  }
0x1e4: {  	s12 =	sadd.s32 $0x50, s12;
	v46 =	vand.u32 $0x7F, v19;
	v45 =	vand.u32 $0x7F, v27;
	v47 =	vor.u32 $0x80, v37;
	v48 =	vld.idx.msk [tilespmem:v31+s4+$0x0], $0xffff  }
0x1e5: {  	v22 =	vadd.s32 $0x280, v22;
	v49 =	vand.u32 $0x7F, v25;
	v50 =	vand.u32 $0x7F, v20;
	v51 =	vld [tilespmem:s12+$0x20]  }
0x1e6: {  	v19 =	vshra.s32 v19, $0xE;
	v25 =	vshra.s32 v25, $0xE;
	v27 =	vshra.s32 v27, $0xE;
	v39 =	vld.idx.msk [tilespmem:v39+s4+$0x0], $0xffff  }
0x1e7: {  	v53 =	vadd.s32 $0x100, v19;
	v20 =	vshra.s32 v20, $0xE;
	v52 =	vadd.s32 $0x100, v27;
	v42 =	vld.idx.msk [tilespmem:v42+s4+$0x0], $0xffff  }
0x1e8: {  	s13 =	sadd.s32 $0x50, s13;
	v54 =	vadd.s32 $0x100, v25;
	v55 =	vadd.s32 $0x100, v20;
	v38 =	vor.u32 $0x200, v38;
	v56 =	vld.idx.msk [tilespmem:v29+s4+$0x0], $0xffff  }
0x1e9: {  	v57 =	vor.u32 $0x200, v21;
	v58 =	vor.u32 $0x200, v30;
	v37 =	vor.u32 $0x200, v37;
	v59 =	vld [tilespmem:s13+$0x20]  }
0x1ea: {  	v31 =	vor.u32 $0x180, v45;
	v21 =	vadd.f32 v26, v26;
	v26 =	vadd.f32 v48, v48;
	v48 =	vld.idx.msk [tilespmem:v22+s4+$0x0], $0xffff  }
0x1eb: {  	v60 =	vor.u32 $0x180, v46;
	v30 =	vor.u32 $0x180, v49;
	v29 =	vor.u32 $0x180, v50;
	v43 =	vld.idx.msk [tilespmem:v43+s4+$0x0], $0xffff  }
0x1ec: {  	v41 =	vmul.f32 v21, v41;
	v26 =	vmul.f32 v26, v51;
	v39 =	vadd.f32 v39, v39;
	v40 =	vld.idx.msk [tilespmem:v40+s4+$0x0], $0xffff  }
0x1ed: {  	v22 =	vadd.s32 $0x280, v27;
	v21 =	vadd.s32 $0x280, v19;
	v19 =	vadd.s32 $0x280, v25;
	v44 =	vld.idx.msk [tilespmem:v44+s4+$0x0], $0xffff  }
0x1ee: {  	v27 =	vadd.f32 v41, v42;
	v25 =	vadd.f32 v26, v56;
	v47 =	vld.idx.msk [tilespmem:v47+s4+$0x0], $0xffff;
	v26 =	vmul.f32 v39, v59  }
0x1ef: {  	v33 =	vmul.f32 v23, v33;
	v34 =	vmul.f32 v24, v34;
	v20 =	vadd.s32 $0x280, v20;
	v39 =	vld.idx.msk [tilespmem:v45+s4+$0x0], $0xffff  }
0x1f0: {  	v42 =	vmul.f32 v27, v27;
	v45 =	vmul.f32 v25, v25;
	v41 =	vld.idx.msk [tilespmem:v46+s4+$0x0], $0xffff;
	v26 =	vadd.f32 v26, v48  }
0x1f1: {  	v35 =	vsub.f32 $1.500000000e+00, v35;
	v43 =	vadd.f32 v43, v43;
	v48 =	vmul.f32 v11, v0;
	v0 =	vmovc v12;
	v46 =	vld.idx.msk [tilespmem:v49+s4+$0x0], $0xffff  }
0x1f2: {  	v12 =	vadd.f32 v40, v40;
	v42 =	vadd.f32 v45, v42;
	v40 =	vld.idx.msk [tilespmem:v50+s4+$0x0], $0xffff;
	v45 =	vmul.f32 v26, v26  }
0x1f3: {  	v32 =	vmul.f32 v32, v35;
	v35 =	vsub.f32 $1.500000000e+00, v36;
	v44 =	vadd.f32 v44, v44;
	v49 =	vld.idx.msk [tilespmem:v52+s4+$0x0], $0xffff;
	[tilespmem:s14+$0x10] =	vst v48;
	s14 =	smov.u32 s19  }
0x1f4: {  	v11 =	vmul.f32 v11, v1;
	v47 =	vadd.f32 v47, v47;
	v36 =	vld.idx.msk [tilespmem:v53+s4+$0x0], $0xffff;
	v42 =	vadd.f32 v45, v42  }
0x1f5: {  	v33 =	vsub.f32 $1.500000000e+00, v33;
	v28 =	vmul.f32 v28, v35;
	v1 =	vmovc v14;
	v39 =	vadd.f32 v39, v39;
	v45 =	vld.idx.msk [tilespmem:v54+s4+$0x0], $0xffff  }
0x1f6: {  	v34 =	vsub.f32 $1.500000000e+00, v34;
	v14 =	vadd.f32 v41, v41;
	v35 =	vld.idx.msk [tilespmem:v55+s4+$0x0], $0xffff;
	v41 =	vmax.f32 v42, $1.000000020e-24;
	[tilespmem:s15+$0x10] =	vst v11;
	s15 =	smov.u32 s3  }
0x1f7: {  	v42 =	vadd.f32 v46, v46;
	v11 =	vld [tilespmem:s7+$0xFFFFFFE0];
	v46 =	vshra.s32 v41, $0x1;
	v41 =	vmul.f32 $5.000000000e-01, v41  }
0x1f8: {  	v23 =	vmul.f32 v23, v33;
	v40 =	vadd.f32 v40, v40;
	v48 =	vld [tilespmem:s12+$0xFFFFFFE0];
	v46 =	vsub.s32 $0x5F3759DF, v46  }
0x1f9: {  	v24 =	vmul.f32 v24, v34;
	v33 =	vadd.f32 v49, v49;
	v49 =	vld [tilespmem:s7+$0xFFFFFFF0];
	v50 =	vmul.f32 v46, v41  }
0x1fa: {  	v15 =	vmul.f32 v32, v15;
	v17 =	vmul.f32 v28, v17;
	v36 =	vadd.f32 v36, v36;
	v34 =	vld [tilespmem:s12+$0xFFFFFFF0]  }
0x1fb: {  	v18 =	vmul.f32 v23, v18;
	v45 =	vadd.f32 v45, v45;
	v51 =	vld [tilespmem:s7+$0x0];
	v50 =	vmul.f32 v46, v50  }
0x1fc: {  	v16 =	vmul.f32 v24, v16;
	v35 =	vadd.f32 v35, v35;
	v39 =	vmul.f32 v39, v11;
	v11 =	vld [tilespmem:s12+$0x0]  }
0x1fd: {  	v15 =	vmul.f32 v15, v32;
	v43 =	vmul.f32 v43, v48;
	v48 =	vld [tilespmem:s7+$0x10];
	v50 =	vsub.f32 $1.500000000e+00, v50  }
0x1fe: {  	v17 =	vmul.f32 v17, v28;
	v14 =	vmul.f32 v14, v49;
	v49 =	vld [tilespmem:s12+$0x10]  }
0x1ff: {  	v15 =	vsub.f32 $1.500000000e+00, v15;
	v38 =	vld.idx.msk [tilespmem:v38+s4+$0x0], $0xffff;
	v12 =	vmul.f32 v12, v34;
	v34 =	vmul.f32 v46, v50  }
0x200: {  	v18 =	vmul.f32 v18, v23;
	v17 =	vsub.f32 $1.500000000e+00, v17;
	v46 =	vld.idx.msk [tilespmem:v57+s4+$0x0], $0xffff;
	v42 =	vmul.f32 v42, v51  }
0x201: {  	v44 =	vmul.f32 v44, v11;
	v50 =	vld.idx.msk [tilespmem:v58+s4+$0x0], $0xffff;
	v11 =	vmul.f32 v34, v41  }
0x202: {  	v16 =	vmul.f32 v16, v24;
	v18 =	vsub.f32 $1.500000000e+00, v18;
	v40 =	vmul.f32 v40, v48;
	v37 =	vld.idx.msk [tilespmem:v37+s4+$0x0], $0xffff  }
0x203: {  	v31 =	vld.idx.msk [tilespmem:v31+s4+$0x0], $0xffff;
	v41 =	vmul.f32 v47, v49;
	v11 =	vmul.f32 v11, v34  }
0x204: {  	v15 =	vmul.f32 v15, v32;
	v16 =	vsub.f32 $1.500000000e+00, v16;
	v17 =	vmul.f32 v17, v28;
	v47 =	vld.idx.msk [tilespmem:v60+s4+$0x0], $0xffff  }
0x205: {  	v18 =	vmul.f32 v18, v23;
	v28 =	vadd.f32 v43, v38;
	v30 =	vld.idx.msk [tilespmem:v30+s4+$0x0], $0xffff;
	v32 =	vsub.f32 $1.500000000e+00, v11  }
0x206: {  	v7 =	vmul.f32 v15, v7;
	v23 =	vadd.f32 v12, v46;
	v11 =	vmul.f32 v16, v24;
	v29 =	vld.idx.msk [tilespmem:v29+s4+$0x0], $0xffff  }
0x207: {  	v24 =	vmul.f32 v28, v28;
	v38 =	vadd.f32 v44, v50;
	v16 =	vld [tilespmem:s13+$0xFFFFFFE0];
	v32 =	vmul.f32 v32, v34  }
0x208: {  	v43 =	vmul.f32 v23, v23;
	v12 =	vadd.f32 v41, v37;
	v37 =	vmul.f32 v15, v2;
	v34 =	vld [tilespmem:s13+$0xFFFFFFF0];
	[tilespmem:s20+$0xFFFFFFE0] =	vst v7  }
0x209: {  	v2 =	vmovc v28;
	v7 =	vadd.f32 v39, v31;
	v39 =	vmul.f32 v38, v38;
	v31 =	vld [tilespmem:s13+$0x0];
	v27 =	vmul.f32 v32, v27  }
0x20a: {  	s20 =	sadd.s32 $0x50, s20;
	v14 =	vadd.f32 v14, v47;
	v41 =	vmul.f32 v12, v12;
	v25 =	vmul.f32 v32, v25;
	v28 =	vld [tilespmem:s13+$0x10];
	[tilespmem:s19+$0xFFFFFFE0] =	vst v37  }
0x20b: {  	v26 =	vmul.f32 v32, v26;
	v30 =	vadd.f32 v42, v30;
	s19 =	sadd.s32 $0x50, s19;
	v22 =	vld.idx.msk [tilespmem:v22+s4+$0x0], $0xffff;
	[tilespmem:s20+$0x20] =	vst v27  }
0x20c: {  	s3 =	sadd.s32 $0x50, s3;
	v27 =	vadd.f32 v40, v29;
	v16 =	vmul.f32 v33, v16;
	v21 =	vld.idx.msk [tilespmem:v21+s4+$0x0], $0xffff;
	[tilespmem:s19+$0x20] =	vst v25  }
0x20d: {  	v25 =	vmul.f32 v7, v7;
	v29 =	vmul.f32 v36, v34;
	v19 =	vld.idx.msk [tilespmem:v19+s4+$0x0], $0xffff;
	[tilespmem:s3+$0x20] =	vst v26  }
0x20e: {  	v26 =	vmul.f32 v14, v14;
	v31 =	vmul.f32 v45, v31;
	v20 =	vld.idx.msk [tilespmem:v20+s4+$0x0], $0xffff  }
0x20f: {  	v24 =	vadd.f32 v24, v25;
	v25 =	vmul.f32 v30, v30;
	v28 =	vmul.f32 v35, v28  }
0x210: {  	v15 =	vmul.f32 v15, v9;
	v32 =	vmul.f32 v27, v27;
	v26 =	vadd.f32 v43, v26  }
0x211: {  	v9 =	vadd.f32 v16, v22;
	v16 =	vadd.f32 v39, v25;
	v22 =	vmul.f32 v17, v4;
	v4 =	vmovc v14  }
0x212: {  	v5 =	vmul.f32 v17, v5;
	v25 =	vadd.f32 v29, v21;
	v21 =	vadd.f32 v41, v32;
	[tilespmem:s15+$0xFFFFFFE0] =	vst v15  }
0x213: {  	v10 =	vmul.f32 v17, v10;
	v15 =	vmul.f32 v9, v9;
	v19 =	vadd.f32 v31, v19;
	[tilespmem:s21+$0xFFFFFFF0] =	vst v22  }
0x214: {  	v17 =	vmul.f32 v25, v25;
	v14 =	vadd.f32 v28, v20;
	v20 =	vmul.f32 v18, v8;
	[tilespmem:s14+$0xFFFFFFF0] =	vst v5  }
.Ltmp6:
0x215: {  	v28 =	vmul.f32 v18, v3;
	v29 =	vadd.f32 v15, v24;
	v15 =	vmul.f32 v19, v19;
	[tilespmem:s15+$0xFFFFFFF0] =	vst v10;
	(pc) =	sbr.rel @p1 .LBB2_6-.Ltmp6, $4  }
0x216: {  	v18 =	vmul.f32 v18, v13;
	v31 =	vadd.f32 v17, v26;
	v17 =	vmul.f32 v14, v14;
	[tilespmem:s21+$0x0] =	vst v20  }
0x217: {  	v5 =	vmovc v23;
	v26 =	vmul.f32 v11, v6;
	v22 =	vmax.f32 v29, $1.000000020e-24;
	v24 =	vadd.f32 v15, v16;
	[tilespmem:s14+$0x0] =	vst v28  }
0x218: {  	v3 =	vmovc v38;
	v8 =	vmovc v30;
	v20 =	vshra.s32 v22, $0x1;
	v16 =	vmax.f32 v31, $1.000000020e-24;
	v13 =	vadd.f32 v17, v21;
	[tilespmem:s15+$0x0] =	vst v18  }
0x219: {  	s0 =	sadd.s32 $0x50, s0;
	v6 =	vmovc v27;
	v10 =	vmovc v25;
	v15 =	vmul.f32 $5.000000000e-01, v22;
	v21 =	vshra.s32 v16, $0x1;
	v18 =	vmax.f32 v24, $1.000000020e-24;
	[tilespmem:s21+$0x10] =	vst v26;
	s21 =	smov.u32 s20  }
0x21a: {  	v17 =	vsub.s32 $0x5F3759DF, v20  }
0x21b: {  	v16 =	vmul.f32 $5.000000000e-01, v16;
	v20 =	vmul.f32 v17, v15  }
0x21c: {  	v21 =	vsub.s32 $0x5F3759DF, v21;
	v22 =	vshra.s32 v18, $0x1;
	v45 =	vmul.f32 $5.000000000e-01, v18  }
0x21d: {  	v22 =	vsub.s32 $0x5F3759DF, v22;
	v23 =	vmul.f32 v21, v16;
	v20 =	vmul.f32 v17, v20  }
0x21e: {  	v25 =	vmul.f32 v22, v45  }
0x21f: {  	v13 =	vmax.f32 v13, $1.000000020e-24;
	v23 =	vmul.f32 v21, v23;
	v20 =	vsub.f32 $1.500000000e+00, v20  }
0x220: {  	v24 =	vshra.s32 v13, $0x1;
	v13 =	vmul.f32 $5.000000000e-01, v13;
	v25 =	vmul.f32 v22, v25  }
0x221: {  	v24 =	vsub.s32 $0x5F3759DF, v24;
	v23 =	vsub.f32 $1.500000000e+00, v23;
	v17 =	vmul.f32 v17, v20  }
0x222: {  	v46 =	vmul.f32 v24, v13;
	v48 =	vsub.f32 $1.500000000e+00, v25  }
0x223: {  	v21 =	vmul.f32 v21, v23;
	v47 =	vmul.f32 v17, v15  }
0x224: {  	v20 =	vmul.f32 v24, v46;
	v22 =	vmul.f32 v22, v48  }
0x225: {  	v16 =	vmul.f32 v21, v16;
	v15 =	vmul.f32 v47, v17  }
0x226: {  	v20 =	vsub.f32 $1.500000000e+00, v20;
	v18 =	vmul.f32 v22, v45  }
0x227: {  	v0 =	vmul.f32 v11, v0;
	v16 =	vmul.f32 v16, v21;
	v15 =	vsub.f32 $1.500000000e+00, v15  }
0x228: {  	v20 =	vmul.f32 v24, v20;
	v51 =	vmul.f32 v18, v22  }
0x229: {  	v50 =	vsub.f32 $1.500000000e+00, v16;
	v15 =	vmul.f32 v15, v17  }
0x22a: {  	v1 =	vmul.f32 v11, v1;
	[tilespmem:s14+$0x10] =	vst v0;
	v49 =	vmul.f32 v20, v13;
	v0 =	vsub.f32 $1.500000000e+00, v51  }
0x22b: {  	v52 =	vmul.f32 v50, v21;
	v7 =	vmul.f32 v15, v7  }
0x22c: {  	[tilespmem:s15+$0x10] =	vst v1;
	v0 =	vmul.f32 v0, v22;
	v2 =	vmul.f32 v15, v2  }
0x22d: {  	v55 =	vmul.f32 v52, v4;
	[tilespmem:s20+$0xFFFFFFE0] =	vst v7  }
0x22e: {  	v54 =	vmul.f32 v49, v20;
	v58 =	vmul.f32 v0, v8;
	[tilespmem:s19+$0xFFFFFFE0] =	vst v2  }
0x22f: {  	v53 =	vmul.f32 v15, v9;
	[tilespmem:s21+$0xFFFFFFF0] =	vst v55  }
0x230: {  	v57 =	vsub.f32 $1.500000000e+00, v54;
	v56 =	vmul.f32 v52, v5;
	[tilespmem:s21+$0x0] =	vst v58  }
0x231: {  	v60 =	vmul.f32 v0, v3;
	[tilespmem:s3+$0xFFFFFFE0] =	vst v53  }
0x232: {  	v1 =	vmul.f32 v52, v10;
	v59 =	vmul.f32 v57, v20;
	[tilespmem:s19+$0xFFFFFFF0] =	vst v56  }
0x233: {  	v0 =	vmul.f32 v0, v19;
	[tilespmem:s19+$0x0] =	vst v60  }
0x234: {  	v61 =	vmul.f32 v59, v6;
	[tilespmem:s3+$0xFFFFFFF0] =	vst v1  }
0x235: {  	v62 =	vmul.f32 v59, v12;
	[tilespmem:s3+$0x0] =	vst v0  }
0x236: {  	s0 =	smul.u32 $0x1F4, s23;
	v63 =	vmul.f32 v59, v14;
	[tilespmem:s21+$0x10] =	vst v61  }
0x237: {  	[tilespmem:s19+$0x10] =	vst v62  }
0x238: {  	s7 =	simm.s32 $0xB800;
	s23 =	sadd.s32 s9, s0;
	[tilespmem:s3+$0x10] =	vst v63  }
0x239: {  	[hbm4b:s23+s4] =	stream.linear.scatter [tilespmem:s7], [sflag:$0x4], $0xFA0, $0x38;
	[tilespmem:$0xE800] =	vst v63  }
.Ltmp7:
0x23a: {  	_ = 	snop;
	(pc) =	sbr.rel .LBB2_8-.Ltmp7, $4  }
0x23b: {  	s30 =	simm.s32 $0xC800;
	s24 =	sadd.s32 s10, s0  }
0x23c: {  	[hbm4b:s24+s4] =	stream.linear.scatter [tilespmem:s30], [sflag:$0x4], $0xFA0, $0x38;
	[tilespmem:$0xE800] =	vst v63  }
0x23d: {  	s31 =	simm.s32 $0xD800;
	s0 =	sadd.s32 s11, s0  }
0x23e: {  	[hbm4b:s0+s4] =	stream.linear.scatter [tilespmem:s31], [sflag:$0x4], $0xFA0, $0x38;
	[tilespmem:$0xE800] =	vst v63  }
.LBB2_10:
0x23f: {  	_ =	sfence.sel $0x180000  }
0x240: {  	[bflag:$0x0] =	sbarrier.arrive $0xFFFF  }
0x241: {  	_ =	strace $0x90000047  }
0x242: {  	s0 =	stileid.u32;
	[bflag:$0x2] =	sbarrier.arrive $0xFFFF  }
0x243: {  	p0 =	sne.s32 s0, $0x0;
	s0 =	rddreg [dreg:$0x3]  }
0x244: {  	s0 =	sadd.s32 @!p0 $0x100000, s0  }
0x245: {  	[sflag:s0] =	ssyncadd.tile.s32 @!p0 $0x1;
	_ =	shalt  }
.Lfunc_end2:
_tile_overlayer_lowered:
.L_overlay_start_2:
0x246: {  	(tag) =	ssettag $0x2  }
0x247: {  	s0 =	rddreg [dreg:$0x0];
	s2 =	stileid.u32  }
0x248: {  	s1 =	rddreg [dreg:$0x1];
	p0 =	sne.s32 s2, $0x0  }
0x249: {  	s3 =	rddreg [dreg:$0x2];
	[bflag:$0x3] =	sbarrier.arrive $0xFFFF;
	s2 =	simm.s32 @!p0 $0x1C05  }
0x24a: {  	[timem:s3], [sflag:s2] =	dma.local @!p0 [hbm:s0], s1  }
0x24b: {  	s0 =	simm.s32 @!p0 $0x5  }
0x24c: {  	_ =	swait.ge @!p0 [sflag:s0], s1  }
0x24d: {  	s1 =	ssub.s32 @!p0 $0x0, s1;
	[sflag:s0] =	ssyncset.done @!p0 $0x0  }
0x24e: {  	[sflag:s0] =	ssyncadd.s32 @!p0 s1  }
0x24f: {  	[bflag:$0x3] =	sbarrier.arrive $0xFFFF  }
0x250: {  	_ =	shalt  }

// kernel: kernel.8.cloned.1.call-start
scs
__scs_entry_jumppad:
0x0: {  	(pc) =	sbr.rel $0x88, $3  }
0x1: {  	(tag) =	ssettag $0x0;
	lr =	simm.s32 $0x1  }
0x2: {  	[smem:$0x3F99] =	sst lr;
	_ =	strace $0xD0000000  }
0x3: {  	_ = 	snop  }
0x4: {  	_ = 	snop  }
0x5: {  	_ = 	snop  }
0x6: {  	_ = 	snop  }
0x7: {  	_ = 	snop  }
__scs_overlays_trampoline_lowered:
0x8: {  	[smem:$0x3FA8] =	sst s0  }
0x9: {  	[smem:$0x3FA9] =	sst s1  }
0xa: {  	[smem:$0x3FAA] =	sst s2  }
0xb: {  	[smem:$0x3FAB] =	sst s3  }
0xc: {  	[smem:$0x3FAC] =	sst s4  }
0xd: {  	[smem:$0x3FAD] =	sst s5  }
0xe: {  	[smem:$0x3FAE] =	sst s6  }
0xf: {  	[smem:$0x3FAF] =	sst s7  }
0x10: {  	[smem:$0x3FB0] =	sst s8  }
0x11: {  	[smem:$0x3FB1] =	sst s9;
	s0 =	simm.s32 @!p0 $0x0  }
0x12: {  	s1 =	sld [smem:$0x3F97];
	s0 =	simm.s32 @p0 $0x1  }
0x13: {  	[smem:$0x3FB2] =	sst s0;
	s0 =	simm.s32 @!p1 $0x0  }
0x14: {  	s2 =	sld [smem:$0x3F96];
	s0 =	simm.s32 @p1 $0x1  }
0x15: {  	[smem:$0x3FB3] =	sst s0;
	s0 =	simm.s32 @!p2 $0x0  }
0x16: {  	s3 =	sld [smem:$0x3FDB];
	s0 =	simm.s32 @p2 $0x1  }
0x17: {  	s4 =	simm.s32 $0x1BF5;
	[smem:$0x3FB5] =	sst s0  }
0x18: {  	s0 =	sld [smem:$0x3F98];
	_ =	swait.ge [sflag:s4], $0x0  }
0x19: {  	s7 =	sld [smem:$0x3F99]  }
0x1a: {  	s8 =	sadd.s32 $0xFFFFE003, lr  }
0x1b: {  	s9 =	sadd.s32 $0xFFFFFEF7, lr;
	s5 =	simm.s32 $0xFFFFFFFF;
	p2 =	slt.u32 s8, $0xFFFFF086  }
0x1c: {  	p1 =	slt.u32 s9, $0xF7A;
	s5 =	simm.s32 @!p2 $0x0  }
0x1d: {  	s5 =	simm.s32 @p1 $0x1;
	p0 =	seq.s32 s7, s2  }
0x1e: {  	s7 =	smul.u32 @!p0 $0xF7A, s2;
	p2 =	seq.s32 @!p0 s5, $0x0  }
0x1f: {  	s9 =	smul.u32 $0xF7A, s1;
	s8 =	simm.s32 @!p0 $0x1BF5;
	p2 =	por !p2, p0  }
0x20: {  	[sflag:s8] =	ssyncset.s32 @!p0 $0xFFFFF086;
	s6 =	sadd.s32 @!p0 s3, s7;
	s7 =	simm.s32 @!p0 $0x108  }
0x21: {  	s3 =	sadd.s32 s3, s9;
	s6 =	sadd.s32 @!p0 $0x88, s6;
	s7 =	simm.s32 @p2 $0x1082  }
0x22: {  	[simem:s7], [sflag:s8] =	dma.local @!p0 [hbm:s6], $0xF7A  }
0x23: {  	s9 =	sor.u32 $0xD0000000, s2;
	s6 =	simm.s32 $0x108;
	_ =	swait.ge @!p0 [sflag:s8], $0x0  }
0x24: {  	s3 =	sadd.s32 $0x88, s3;
	s6 =	simm.s32 @!p1 $0x1082;
	[sflag:s4] =	ssyncset.s32 $0xFFFFF086  }
0x25: {  	[simem:s6], [sflag:s4] =	dma.local [hbm:s3], $0xF7A  }
0x26: {  	[smem:$0x3F99] =	sst s1;
	(tag) =	ssettag s2;
	_ =	strace s9  }
0x27: {  	s1 =	sld [smem:$0x3FA9]  }
0x28: {  	s2 =	sld [smem:$0x3FAA]  }
0x29: {  	s4 =	sld [smem:$0x3FAC]  }
0x2a: {  	p0 =	seq.s32 s5, $0x0;
	s5 =	sld [smem:$0x3FAD]  }
0x2b: {  	s6 =	sld [smem:$0x3FAE]  }
0x2c: {  	s7 =	sld [smem:$0x3FAF]  }
0x2d: {  	s3 =	simm.s32 $0x108;
	s8 =	sld [smem:$0x3FB0]  }
0x2e: {  	s3 =	simm.s32 @!p0 $0x1082;
	s9 =	sld [smem:$0x3FB1]  }
0x2f: {  	lr =	sadd.s32 s0, s3;
	s0 =	sld [smem:$0x3FA8]  }
0x30: {  	s3 =	sld [smem:$0x3FAB]  }
0x31: {  	[smem:$0x3FB4] =	sst s10  }
0x32: {  	s10 =	sld [smem:$0x3FB2];
	_ =	sdelay $0x3  }
0x33: {  	p0 =	seq.s32 s10, $0x1;
	s10 =	sld [smem:$0x3FB4];
	_ =	sdelay $0x3  }
0x34: {  	[smem:$0x3FB4] =	sst s10  }
0x35: {  	s10 =	sld [smem:$0x3FB3];
	_ =	sdelay $0x3  }
0x36: {  	p1 =	seq.s32 s10, $0x1;
	s10 =	sld [smem:$0x3FB4];
	_ =	sdelay $0x3  }
0x37: {  	[smem:$0x3FB4] =	sst s10  }
0x38: {  	s10 =	sld [smem:$0x3FB5]  }
0x39: {  	_ = 	snop;
	(pc) =	sbr.ind lr, $3  }
0x3a: {  	_ = 	snop  }
0x3b: {  	_ = 	snop  }
0x3c: {  	p2 =	seq.s32 s10, $0x1;
	s10 =	sld [smem:$0x3FB4]  }
0x3d: {  	_ =	shalt  }
0x3e: {  	_ =	shalt  }
0x3f: {  	_ =	shalt  }
0x40: {  	_ =	shalt  }
0x41: {  	_ =	shalt  }
0x42: {  	_ =	shalt  }
0x43: {  	_ =	shalt  }
0x44: {  	_ =	shalt  }
0x45: {  	_ =	shalt  }
0x46: {  	_ =	shalt  }
0x47: {  	_ =	shalt  }
0x48: {  	_ =	shalt  }
0x49: {  	_ =	shalt  }
0x4a: {  	_ =	shalt  }
0x4b: {  	_ =	shalt  }
0x4c: {  	_ =	shalt  }
0x4d: {  	_ =	shalt  }
0x4e: {  	_ =	shalt  }
0x4f: {  	_ =	shalt  }
0x50: {  	_ =	shalt  }
0x51: {  	_ =	shalt  }
0x52: {  	_ =	shalt  }
0x53: {  	_ =	shalt  }
0x54: {  	_ =	shalt  }
0x55: {  	_ =	shalt  }
0x56: {  	_ =	shalt  }
0x57: {  	_ =	shalt  }
0x58: {  	_ =	shalt  }
0x59: {  	_ =	shalt  }
0x5a: {  	_ =	shalt  }
0x5b: {  	_ =	shalt  }
0x5c: {  	_ =	shalt  }
0x5d: {  	_ =	shalt  }
0x5e: {  	_ =	shalt  }
0x5f: {  	_ =	shalt  }
0x60: {  	_ =	shalt  }
0x61: {  	_ =	shalt  }
0x62: {  	_ =	shalt  }
0x63: {  	_ =	shalt  }
0x64: {  	_ =	shalt  }
0x65: {  	_ =	shalt  }
0x66: {  	_ =	shalt  }
0x67: {  	_ =	shalt  }
0x68: {  	_ =	shalt  }
0x69: {  	_ =	shalt  }
0x6a: {  	_ =	shalt  }
0x6b: {  	_ =	shalt  }
0x6c: {  	_ =	shalt  }
0x6d: {  	_ =	shalt  }
0x6e: {  	_ =	shalt  }
0x6f: {  	_ =	shalt  }
0x70: {  	_ =	shalt  }
0x71: {  	_ =	shalt  }
0x72: {  	_ =	shalt  }
0x73: {  	_ =	shalt  }
0x74: {  	_ =	shalt  }
0x75: {  	_ =	shalt  }
0x76: {  	_ =	shalt  }
0x77: {  	_ =	shalt  }
0x78: {  	_ =	shalt  }
0x79: {  	_ =	shalt  }
0x7a: {  	_ =	shalt  }
0x7b: {  	_ =	shalt  }
0x7c: {  	_ =	shalt  }
0x7d: {  	_ =	shalt  }
0x7e: {  	_ =	shalt  }
0x7f: {  	_ =	shalt  }
0x80: {  	_ =	shalt  }
0x81: {  	_ =	shalt  }
0x82: {  	_ =	shalt  }
0x83: {  	_ =	shalt  }
0x84: {  	_ =	shalt  }
0x85: {  	_ =	shalt  }
0x86: {  	_ =	shalt  }
0x87: {  	_ =	shalt  }
.Lfunc_end0:
.L_simem_size_0:
called_computation.1_lowered:
.L_overlay_start_0:
0x88: {  	s2 =	sld [smem:$0x3FD9]  }
0x89: {  	s3 =	sld [smem:$0x3FFE];
	_ =	sdelay $0x1  }
0x8a: {  	s1 =	srdreg.scid  }
0x8b: {  	s0 =	sand.u32 $0x1, s1  }
0x8c: {  	s15 =	sshll.u32 s0, $0xA;
	s2 =	sadd.s32 s3, s2  }
0x8d: {  	s2 =	sadd.s32 s2, s15  }
0x8e: {  	[smem:$0x3FC0] =	sst s2  }
0x8f: {  	_ = 	snop  }
0x90: {  	s16 =	sld [smem:$0x3FD0];
	_ =	sdelay $0x2  }
0x91: {  	s4 =	simm.s32 $0xB;
	s5 =	simm.s32 $0x10;
	s2 =	sld [smem:$0x3FC6]  }
0x92: {  	[smem:s5], [sflag:s4] =	dma.local [hbm:s16], $0x1  }
0x93: {  	_ =	swait.eq [sflag:s4], $0x1  }
0x94: {  	[sflag:s4] =	ssyncset.done $0x0  }
0x95: {  	[sflag:s4] =	ssyncadd.s32 $0xFFFFFFFF  }
0x96: {  	s17 =	sld [smem:$0x10];
	(tm) =	ssettm $0x1  }
0x97: {  	s18 =	sld [smem:$0x3FFB];
	_ =	sdelay $0x3  }
0x98: {  	_ =	strace s18  }
0x99: {  	s3 =	sld [smem:$0x3FFC];
	_ =	sdelay $0x3  }
0x9a: {  	_ =	strace s3  }
0x9b: {  	s3 =	sld [smem:$0x3FFD];
	_ =	sdelay $0x3  }
0x9c: {  	_ =	strace s3  }
0x9d: {  	_ =	strace $0x8FFFFFFF  }
0x9e: {  	s19 =	sld [smem:$0x3FDB];
	_ =	sdelay $0x1  }
0x9f: {  	s20 =	simm.s32 $_scs_section_size  }
0xa0: {  	s6 =	simm.s32 $_size__tile_overlayer_lowered;
	s7 =	simm.s32 $_tile_overlayer_lowered  }
0xa1: {  	s8 =	simm.s32 $0x1BFF;
	s21 =	sshll.u32 s7, $0x1;
	s5 =	sadd.s32 s20, s19  }
0xa2: {  	s22 =	simm.s32 $0x0;
	s6 =	sshll.u32 s6, $0x1;
	s7 =	sadd.s32 s21, s5  }
0xa3: {  	[timem:s22], [sflag:s8] =	dma.local [hbm:s7], s6  }
0xa4: {  	_ =	swait.ge [sflag:s8], s6  }
0xa5: {  	s6 =	ssub.s32 $0x0, s6;
	[sflag:s8] =	ssyncset.done $0x0  }
0xa6: {  	[sflag:s8] =	ssyncadd.s32 s6;
	_ =	sdelay $0x1  }
0xa7: {  	s23 =	simm.s32 $0x1B8B  }
0xa8: {  	_ =	swait.ge [sflag:s23], $0x1  }
0xa9: {  	[sflag:s23] =	ssyncset.done $0x0  }
0xaa: {  	[sflag:s23] =	ssyncadd.s32 $0xFFFFFFFF  }
0xab: {  	s6 =	sld [smem:$0x0]  }
0xac: {  	s7 =	sand.u32 $0xFFFFFFFE, s1  }
0xad: {  	p0 =	sne.s32 s1, s7  }
0xae: {  	s7 =	sshll.u32 @p0 s7, $0xE  }
0xaf: {  	s7 =	sadd.s32 @p0 $0x11B8D, s7;
	s8 =	sshll.u32 @p0 s6, $0x11  }
0xb0: {  	s7 =	sor.u32 @p0 s8, s7  }
0xb1: {  	[sflag:s7] =	ssyncadd.remote.s32 @p0 $0x1;
	_ =	sdelay $0x1  }
0xb2: {  	s7 =	simm.s32 @p0 $0x1B8D  }
0xb3: {  	_ =	swait.eq @p0 [sflag:s7], $0x1  }
0xb4: {  	[sflag:s7] =	ssyncadd.s32 @p0 $0xFFFFFFFF  }
0xb5: {  	s8 =	sshll.u32 @!p0 s1, $0xE  }
0xb6: {  	s8 =	sor.u32 @!p0 $0x4000, s8;
	s7 =	simm.s32 @!p0 $0x1B8D  }
0xb7: {  	s6 =	sshll.u32 @!p0 s6, $0x11;
	s8 =	sadd.s32 @!p0 $0x11B8D, s8;
	_ =	swait.eq @!p0 [sflag:s7], $0x1  }
0xb8: {  	s6 =	sor.u32 @!p0 s6, s8;
	[sflag:s7] =	ssyncadd.s32 @!p0 $0xFFFFFFFF  }
0xb9: {  	s25 =	simm.s32 $0x1B8E;
	s24 =	sld [smem:$0x3FFE];
	[sflag:s6] =	ssyncadd.remote.s32 @!p0 $0x1  }
0xba: {  	s26 =	simm.s32 $execute0_lowered;
	[smem:$0x3FD2] =	sst s25  }
0xbb: {  	s7 =	sshll.u32 s26, $0x1;
	_ =	strace $0x80000049;
	[dreg:$0x1] =	wrdreg $0xFFFFFFFF  }
0xbc: {  	s28 =	simm.s32 $_size_execute0_lowered;
	s5 =	sadd.s32 s5, s7;
	[dreg:$0x0] =	wrdreg $0x0  }
0xbd: {  	s7 =	sshll.u32 s28, $0x1;
	[dreg:$0x2] =	wrdreg s5  }
0xbe: {  	[dreg:$0x3] =	wrdreg s7  }
0xbf: {  	[dreg:$0x4] =	wrdreg $0xC0  }
0xc0: {  	_ =	task [dreg:s22], $0x5FFFF  }
0xc1: {  	[dreg:$0x1] =	wrdreg $0xFFFFFFFF  }
0xc2: {  	[dreg:$0x0] =	wrdreg $0x60  }
0xc3: {  	[dreg:$0x2] =	wrdreg s24  }
0xc4: {  	[dreg:$0x3] =	wrdreg s2  }
0xc5: {  	[dreg:$0x4] =	wrdreg s17  }
0xc6: {  	[dreg:$0x5] =	wrdreg $0xA  }
0xc7: {  	_ =	task.clear_ibuf [dreg:s22], $0x6FFFF;
	_ =	strace $0x90000049  }
0xc8: {  	s29 =	simm.s32 $0xA;
	_ =	strace $0x8000004B  }
0xc9: {  	_ =	swait.ge [sflag:s29], $0x1  }
0xca: {  	[sflag:s29] =	ssyncadd.s32 $0xFFFFFFFF  }
0xcb: {  	_ =	strace $0x9000004B  }
0xcc: {  	_ =	sfence  }
0xcd: {  	s30 =	sld [smem:$0x0];
	_ =	sdelay $0x2  }
0xce: {  	s31 =	sshll.u32 s1, $0xD;
	s1 =	sshrl.u32 s1, $0x2  }
0xcf: {  	s4 =	sand.u32 $0x4000, s31;
	s1 =	sadd.s32 s1, s30  }
0xd0: {  	s0 =	sor.u32 s4, s0;
	s1 =	sshll.u32 s1, $0x11  }
0xd1: {  	s0 =	sor.u32 s1, s0  }
0xd2: {  	s0 =	sadd.s32 $0x8F2B, s0  }
0xd3: {  	[sflag:s0] =	ssyncadd.remote.s32 $0x1  }
0xd4: {  	_ =	sfence.sel $0xFFFF  }
0xd5: {  	[dreg:$0x0] =	wrdreg $0xFFFFFFFF;
	(pc) =	sbr.abs _section_cstart, $3  }
0xd6: {  	[dreg:$0x1] =	wrdreg $0xFFFFFFFF  }
0xd7: {  	_ =	task.clear_ibuf [dreg:s22], $0x2FFFF;
	_ =	strace $0x9FFFFFFF  }
0xd8: {  	(tm) =	ssettm $0x7FFFFFFF  }
0xd9: {  	_ =	shalt  }
tec
execute0_lowered:
.L_overlay_start_1:
0x0: {  	(tag) =	ssettag $0x1  }
0x1: {  	s0 =	rddreg [dreg:$0x0]  }
0x2: {  	s1 =	rddreg [dreg:$0x1]  }
0x3: {  	s3 =	rddreg [dreg:$0x2];
	s4 =	simm.s32 $0x0  }
0x4: {  	s2 =	srdreg.scid;
	s19 =	stileid.u32;
	s18 =	simm.s32 $0x5  }
0x5: {  	s23 =	simm.s32 $0x1;
	s24 =	simm.s32 $0x8800;
	s25 =	simm.s32 $0x9800  }
0x6: {  	s26 =	simm.s32 $0x3;
	s28 =	simm.s32 $0x0;
	[smem:$0x7FF] =	sst s4  }
0x7: {  	s2 =	sand.u32 $0x1, s2;
	s6 =	sadd.s32 $0x1AE800, s0;
	s7 =	sadd.s32 $0x171600, s0  }
0x8: {  	s9 =	sshll.u32 s19, $0x1;
	s8 =	sadd.s32 $0x134400, s0;
	s0 =	sadd.s32 $0x7CC00, s0  }
0x9: {  	p0 =	sgt.u32 s19, $0x9;
	_ =	strace $0x8000004A;
	s5 =	sor.u32 s2, s9  }
.Ltmp0:
0xa: {  	s2 =	ssub.s32 $0x2, s2;
	[dreg:$0x4] =	wrdreg s0;
	(pc) =	sbr.rel .LBB2_1-.Ltmp0, $4  }
0xb: {  	s14 =	sor.u32 $0xFFFFFFC0, s9;
	s10 =	smul.u32 $0x1F4, s5;
	s11 =	sshrl.u32 s2, $0x1  }
0xc: {  	s16 =	sor.u32 $0xFFFFFFE0, s9;
	s15 =	sor.u32 $0x40, s5;
	s30 =	ssub.s32 s2, s11  }
0xd: {  	s31 =	sadd.s32 s1, s10;
	s11 =	sadd.s32 s6, s10;
	s12 =	sadd.s32 s7, s10  }
0xe: {  	s13 =	sadd.s32 s8, s10;
	s17 =	smax.u32 s30, $0x1;
	[dreg:$0x5] =	wrdreg s31  }
.LBB2_9:
0xf: {  	s28 =	sadd.s32 $0x1, s28  }
0x10: {  	_ =	swait.ge [sflag:s26], $0xFA0;
	p1 =	sne.s32 s28, s17  }
.Ltmp1:
0x11: {  	[sflag:s26] =	ssyncset.done $0x0;
	(pc) =	sbr.rel @!p1 .LBB2_10-.Ltmp1, $4  }
0x12: {  	s0 =	simm.s32 @!p0 $0x4;
	[sflag:s26] =	ssyncadd.s32 $0xFFFFF060  }
0x13: {  	_ =	swait.ge @!p0 [sflag:s0], $0xFA0  }
0x14: {  	[sflag:s0] =	ssyncset.done @!p0 $0x0  }
0x15: {  	[sflag:s0] =	ssyncadd.s32 @!p0 $0xFFFFF060  }
.LBB2_1:
0x16: {  	s0 =	rddreg [dreg:$0x4]  }
0x17: {  	[tilespmem:s4], [sflag:$0x5] =	stream.linear.gather [hbm4b:s0+s4], $0x800, $0x38;
	[tilespmem:$0xA800] =	vst v63  }
0x18: {  	_ =	swait.ge [sflag:s18], $0x800  }
0x19: {  	[sflag:s18] =	ssyncset.done $0x0  }
0x1a: {  	s2 =	simm.s32 $0x800;
	s21 =	rddreg [dreg:$0x5];
	[sflag:s18] =	ssyncadd.s32 $0xFFFFF800  }
0x1b: {  	[tilespmem:s2], [sflag:$0x1] =	stream.linear.gather [hbm4b:s21+s4], $0xFA0, $0x38;
	[tilespmem:$0xA800] =	vst v63  }
0x1c: {  	s22 =	simm.s32 $0x1800  }
0x1d: {  	[tilespmem:s22], [sflag:$0x1] =	stream.linear.gather [hbm4b:s11+s4], $0xFA0, $0x38;
	[tilespmem:$0xA800] =	vst v63  }
.Ltmp2:
0x1e: {  	_ = 	snop;
	(pc) =	sbr.rel .LBB2_2-.Ltmp2, $4  }
0x1f: {  	s30 =	simm.s32 $0x2800  }
0x20: {  	[tilespmem:s30], [sflag:$0x1] =	stream.linear.gather [hbm4b:s12+s4], $0xFA0, $0x38;
	[tilespmem:$0xA800] =	vst v63  }
0x21: {  	s31 =	simm.s32 $0x3800;
	s29 =	simm.s32 $0x0  }
0x22: {  	[tilespmem:s31], [sflag:$0x1] =	stream.linear.gather [hbm4b:s13+s4], $0xFA0, $0x38;
	[tilespmem:$0xA800] =	vst v63  }
.LBB2_8:
0x23: {  	s29 =	sadd.s32 $0x1, s29  }
0x24: {  	p1 =	sne.s32 s29, $0x8  }
.Ltmp3:
0x25: {  	_ = 	snop;
	(pc) =	sbr.rel @!p1 .LBB2_9-.Ltmp3, $1  }
0x26: {  	_ =	sdelay $0x3  }
.LBB2_2:
0x27: {  	s31 =	sshll.u32 s29, $0x6  }
0x28: {  	s0 =	sor.u32 s31, s5  }
0x29: {  	s30 =	sor.u32 $0x20, s0  }
0x2a: {  	p1 =	sgt.u32 s30, $0x1F3  }
0x2b: {  	s2 =	smul.u32 @!p1 $0x1F4, s30;
	_ =	sdelay $0x1  }
0x2c: {  	s10 =	simm.s32 @!p1 $0x0;
	s19 =	simm.s32 @!p1 $0x4800;
	s9 =	sadd.s32 @!p1 s1, s2  }
0x2d: {  	[tilespmem:s19], [sflag:$0x2] =	stream.linear.gather @!p1 [hbm4b:s9+s10], $0xFA0, $0x38;
	[tilespmem:$0xA800] =	vst v63  }
0x2e: {  	s9 =	sadd.s32 @!p1 s6, s2;
	s19 =	simm.s32 @!p1 $0x5800  }
0x2f: {  	[tilespmem:s19], [sflag:$0x2] =	stream.linear.gather @!p1 [hbm4b:s9+s10], $0xFA0, $0x38;
	[tilespmem:$0xA800] =	vst v63  }
0x30: {  	s9 =	sadd.s32 @!p1 s7, s2;
	s19 =	simm.s32 @!p1 $0x6800  }
0x31: {  	[tilespmem:s19], [sflag:$0x2] =	stream.linear.gather @!p1 [hbm4b:s9+s10], $0xFA0, $0x38;
	[tilespmem:$0xA800] =	vst v63  }
0x32: {  	s2 =	sadd.s32 @!p1 s8, s2;
	s9 =	simm.s32 @!p1 $0x7800  }
0x33: {  	[tilespmem:s9], [sflag:$0x2] =	stream.linear.gather @!p1 [hbm4b:s2+s10], $0xFA0, $0x38;
	[tilespmem:$0xA800] =	vst v63  }
0x34: {  	_ =	swait.ge [sflag:s23], $0xFA0  }
0x35: {  	[sflag:s23] =	ssyncset.done $0x0  }
0x36: {  	[sflag:s23] =	ssyncadd.s32 $0xFFFFF060  }
0x37: {  	_ =	swait.ge [sflag:s23], $0xFA0  }
0x38: {  	[sflag:s23] =	ssyncset.done $0x0  }
0x39: {  	[sflag:s23] =	ssyncadd.s32 $0xFFFFF060  }
0x3a: {  	_ =	swait.ge [sflag:s23], $0xFA0  }
0x3b: {  	[sflag:s23] =	ssyncset.done $0x0  }
0x3c: {  	[sflag:s23] =	ssyncadd.s32 $0xFFFFF060  }
0x3d: {  	s21 =	sadd.s32 s14, s31;
	_ =	swait.ge [sflag:s23], $0xFA0  }
0x3e: {  	p2 =	sgt.u32 s21, $0x1F3;
	[sflag:s23] =	ssyncset.done $0x0  }
0x3f: {  	s2 =	simm.s32 @!p2 $0x3;
	[sflag:s23] =	ssyncadd.s32 $0xFFFFF060  }
0x40: {  	_ =	swait.ge @!p2 [sflag:s2], $0xFA0  }
0x41: {  	[sflag:s2] =	ssyncset.done @!p2 $0x0  }
0x42: {  	s22 =	simm.s32 $0x820;
	[sflag:s2] =	ssyncadd.s32 @!p2 $0xFFFFF060  }
0x43: {  	v0 =	vld [tilespmem:s22+$0x20];
	_ =	sdelay $0x2  }
0x44: {  	v1 =	vld [tilespmem:s22+$0xFFFFFFE0];
	_ =	sdelay $0x1  }
0x45: {  	v3 =	vld [tilespmem:s22+$0xFFFFFFF0];
	v2 =	vshrl.u32 v0, $0x7;
	v6 =	vand.u32 $0x7F, v0;
	v0 =	vshra.s32 v0, $0xE  }
0x46: {  	v4 =	vld [tilespmem:s22+$0x0];
	v8 =	vadd.s32 $0x100, v0  }
0x47: {  	s2 =	simm.s32 $0x1820;
	v7 =	vld [tilespmem:s22+$0x10]  }
0x48: {  	s19 =	simm.s32 $0x2820;
	v23 =	vld [tilespmem:s2+$0x20];
	v22 =	vand.u32 $0x7F, v1  }
0x49: {  	s20 =	simm.s32 $0x3820;
	v24 =	vld [tilespmem:s19+$0x20];
	v10 =	vor.u32 $0x180, v6  }
0x4a: {  	v25 =	vld [tilespmem:s20+$0x20];
	v16 =	vadd.s32 $0x280, v0  }
0x4b: {  	v29 =	vand.u32 $0x7F, v3;
	v2 =	vand.u32 $0x7F, v2;
	v8 =	vld.idx.msk [tilespmem:v8+s4+$0x0], $0xffff  }
0x4c: {  	v17 =	vshrl.u32 v7, $0x7;
	v5 =	vor.u32 $0x80, v2;
	v11 =	vld.idx.msk [tilespmem:v6+s4+$0x0], $0xffff  }
0x4d: {  	v17 =	vand.u32 $0x7F, v17;
	v12 =	vor.u32 $0x200, v2;
	v39 =	vld.idx.msk [tilespmem:v22+s4+$0x0], $0xffff  }
0x4e: {  	v9 =	vshrl.u32 v1, $0x7;
	v26 =	vld.idx.msk [tilespmem:v10+s4+$0x0], $0xffff;
	v10 =	vor.u32 $0x80, v17  }
0x4f: {  	v13 =	vshrl.u32 v3, $0x7;
	v15 =	vshrl.u32 v4, $0x7;
	v9 =	vand.u32 $0x7F, v9;
	v30 =	vld.idx.msk [tilespmem:v16+s4+$0x0], $0xffff  }
0x50: {  	v13 =	vand.u32 $0x7F, v13;
	v14 =	vor.u32 $0x80, v9;
	v41 =	vld.idx.msk [tilespmem:v29+s4+$0x0], $0xffff;
	v34 =	vmul.f32 v8, v25  }
0x51: {  	v37 =	vshra.s32 v4, $0xE;
	v15 =	vand.u32 $0x7F, v15;
	v18 =	vor.u32 $0x80, v13;
	v5 =	vld.idx.msk [tilespmem:v5+s4+$0x0], $0xffff  }
0x52: {  	v19 =	vor.u32 $0x80, v15;
	v16 =	vand.u32 $0x7F, v4;
	v27 =	vld.idx.msk [tilespmem:v12+s4+$0x0], $0xffff;
	v4 =	vadd.f32 v34, v34  }
0x53: {  	v31 =	vmul.f32 v11, v23;
	v36 =	vld.idx.msk [tilespmem:v10+s4+$0x0], $0xffff  }
0x54: {  	v11 =	vand.u32 $0x7F, v7;
	v10 =	vshra.s32 v7, $0xE;
	v7 =	vadd.f32 v30, v4;
	v4 =	vld [tilespmem:s2+$0xFFFFFFE0]  }
0x55: {  	v28 =	vld.idx.msk [tilespmem:v14+s4+$0x0], $0xffff  }
0x56: {  	v33 =	vld.idx.msk [tilespmem:v18+s4+$0x0], $0xffff;
	v32 =	vmul.f32 v5, v24  }
0x57: {  	v35 =	vld.idx.msk [tilespmem:v19+s4+$0x0], $0xffff  }
0x58: {  	v45 =	vld.idx.msk [tilespmem:v16+s4+$0x0], $0xffff;
	v5 =	vadd.f32 v31, v31;
	v8 =	vadd.f32 v32, v32  }
0x59: {  	v46 =	vld.idx.msk [tilespmem:v11+s4+$0x0], $0xffff;
	[tilespmem:$0x1FFC0] =	vst v4  }
0x5a: {  	v5 =	vadd.f32 v26, v5;
	v8 =	vadd.f32 v27, v8;
	v42 =	vld [tilespmem:s2+$0xFFFFFFF0];
	_ =	sdelay $0x1  }
0x5b: {  	v1 =	vshra.s32 v1, $0xE;
	v5 =	vmul.f32 v5, v5;
	v8 =	vmul.f32 v8, v8  }
0x5c: {  	v3 =	vshra.s32 v3, $0xE;
	v38 =	vadd.s32 $0x100, v1  }
0x5d: {  	v40 =	vadd.s32 $0x100, v3;
	v7 =	vmul.f32 v7, v7;
	v8 =	vadd.f32 v8, v5  }
0x5e: {  	v44 =	vadd.s32 $0x100, v37;
	v51 =	vor.u32 $0x180, v22;
	v52 =	vor.u32 $0x180, v29;
	v18 =	vld [tilespmem:s19+$0xFFFFFFE0];
	[tilespmem:$0x1FFE0] =	vst v42  }
0x5f: {  	v55 =	vor.u32 $0x300, v6;
	v56 =	vadd.s32 $0x280, v1;
	v7 =	vadd.f32 v7, v8;
	v8 =	vld [tilespmem:s19+$0xFFFFFFF0]  }
0x60: {  	v57 =	vadd.s32 $0x280, v3;
	v58 =	vadd.s32 $0x280, v37;
	v2 =	vor.u32 $0x380, v2;
	v61 =	vld [tilespmem:s2+$0x0]  }
0x61: {  	v0 =	vadd.s32 $0x400, v0;
	v1 =	vadd.s32 $0x400, v1;
	v43 =	vor.u32 $0x200, v9;
	v14 =	vld [tilespmem:s19+$0x0]  }
0x62: {  	v48 =	vor.u32 $0x200, v13;
	v49 =	vor.u32 $0x200, v15;
	v12 =	vshra.s32 v7, $0x1;
	v5 =	vld [tilespmem:s2+$0x10]  }
0x63: {  	v50 =	vor.u32 $0x200, v17;
	v59 =	vmul.f32 $5.000000000e-01, v7;
	v60 =	vsub.s32 $0x5F3759DF, v12;
	v12 =	vld [tilespmem:s19+$0x10]  }
0x64: {  	v20 =	vor.u32 $0x380, v9;
	v21 =	vor.u32 $0x380, v13;
	v9 =	vor.u32 $0x300, v22;
	v55 =	vld.idx.msk [tilespmem:v55+s4+$0x0], $0xffff;
	[tilespmem:$0x1FFD0] =	vst v1  }
0x65: {  	v22 =	vor.u32 $0x380, v15;
	v15 =	vor.u32 $0x300, v29;
	v13 =	vmul.f32 v60, v59;
	v29 =	vld.idx.msk [tilespmem:v2+s4+$0x0], $0xffff  }
0x66: {  	v53 =	vor.u32 $0x180, v16;
	v39 =	vmul.f32 v39, v4;
	v62 =	vld.idx.msk [tilespmem:v0+s4+$0x0], $0xffff;
	v0 =	vadd.s32 $0x400, v3  }
0x67: {  	v54 =	vor.u32 $0x180, v11;
	v30 =	vadd.f32 v30, v34;
	v1 =	vmul.f32 v60, v13;
	v38 =	vld.idx.msk [tilespmem:v38+s4+$0x0], $0xffff;
	[tilespmem:$0x1FFF0] =	vst v0  }
0x68: {  	v47 =	vadd.s32 $0x100, v10;
	v63 =	vadd.f32 v39, v39;
	v2 =	vadd.f32 v27, v32;
	v40 =	vld.idx.msk [tilespmem:v40+s4+$0x0], $0xffff  }
0x69: {  	v7 =	vadd.s32 $0x280, v10;
	v28 =	vmul.f32 v28, v18;
	v1 =	vsub.f32 $1.500000000e+00, v1;
	v44 =	vld.idx.msk [tilespmem:v44+s4+$0x0], $0xffff  }
0x6a: {  	v6 =	vmul.f32 v41, v42;
	v41 =	vadd.s32 $0x400, v37;
	v0 =	vld [tilespmem:s20+$0xFFFFFFE0];
	v24 =	vmul.f32 v2, v24  }
0x6b: {  	v42 =	vld [tilespmem:s20+$0xFFFFFFF0];
	v33 =	vmul.f32 v33, v8;
	v60 =	vmul.f32 v60, v1;
	v1 =	vadd.f32 v26, v31  }
0x6c: {  	v13 =	vadd.f32 v28, v28;
	v27 =	vmul.f32 v45, v61;
	v37 =	vmovc v61;
	v32 =	vmul.f32 v35, v14;
	v61 =	vld [tilespmem:s20+$0x0]  }
0x6d: {  	v4 =	vadd.f32 v6, v6;
	v36 =	vmul.f32 v36, v12;
	v45 =	vld.idx.msk [tilespmem:v48+s4+$0x0], $0xffff;
	v23 =	vmul.f32 v1, v23  }
0x6e: {  	v48 =	vld.idx.msk [tilespmem:v50+s4+$0x0], $0xffff;
	v29 =	vadd.f32 v29, v55;
	v31 =	vadd.f32 v33, v33;
	v3 =	vmul.f32 v60, v59  }
0x6f: {  	v26 =	vld.idx.msk [tilespmem:v47+s4+$0x0], $0xffff;
	v34 =	vadd.f32 v27, v27;
	v23 =	vadd.f32 v24, v23;
	v24 =	vmul.f32 v30, v25  }
0x70: {  	v59 =	vld [tilespmem:s20+$0x10];
	v29 =	vadd.f32 v62, v29;
	v62 =	vadd.f32 v36, v36;
	v47 =	vmul.f32 v3, v60  }
0x71: {  	v38 =	vmul.f32 v38, v0;
	v30 =	vadd.f32 v32, v32;
	v23 =	vadd.f32 v24, v23;
	v24 =	vld.idx.msk [tilespmem:v43+s4+$0x0], $0xffff  }
0x72: {  	v25 =	vmul.f32 v46, v5;
	v46 =	vld.idx.msk [tilespmem:v57+s4+$0x0], $0xffff;
	v33 =	vadd.f32 v45, v33;
	v35 =	vsub.f32 $1.500000000e+00, v47  }
0x73: {  	v44 =	vmul.f32 v44, v61;
	v62 =	vadd.f32 v48, v62;
	v36 =	vadd.f32 v48, v36;
	v48 =	vld.idx.msk [tilespmem:v58+s4+$0x0], $0xffff  }
0x74: {  	v35 =	vmul.f32 v35, v60;
	v23 =	vadd.f32 v29, v23;
	v29 =	vmul.f32 v40, v42;
	v40 =	vld.idx.msk [tilespmem:v49+s4+$0x0], $0xffff  }
0x75: {  	v43 =	vadd.f32 v25, v25;
	v47 =	vadd.f32 v38, v38;
	v26 =	vmul.f32 v26, v59;
	v60 =	vld.idx.msk [tilespmem:v52+s4+$0x0], $0xffff  }
0x76: {  	v23 =	vmul.f32 v35, v23;
	v35 =	vld.idx.msk [tilespmem:v51+s4+$0x0], $0xffff;
	v49 =	vadd.f32 v29, v29;
	v13 =	vadd.f32 v24, v13  }
0x77: {  	v19 =	vor.u32 $0x380, v17;
	v24 =	vadd.f32 v24, v28;
	v28 =	vadd.f32 v45, v31;
	v45 =	vld.idx.msk [tilespmem:v56+s4+$0x0], $0xffff  }
0x78: {  	v50 =	vadd.f32 v44, v44;
	v52 =	vadd.f32 v26, v26;
	v55 =	vmul.f32 $7.812500000e-03, v23;
	v23 =	vld.idx.msk [tilespmem:v53+s4+$0x0], $0xffff  }
0x79: {  	v31 =	vld.idx.msk [tilespmem:v54+s4+$0x0], $0xffff;
	v56 =	vmul.f32 v62, v62;
	v58 =	vadd.f32 v46, v49;
	v30 =	vadd.f32 v40, v30  }
0x7a: {  	v13 =	vmul.f32 v13, v13;
	v32 =	vadd.f32 v40, v32;
	v4 =	vadd.f32 v60, v4  }
0x7b: {  	v28 =	vmul.f32 v28, v28;
	v40 =	vld.idx.msk [tilespmem:v7+s4+$0x0], $0xffff;
	v2 =	vadd.f32 v60, v6;
	v63 =	vadd.f32 v35, v63  }
0x7c: {  	v60 =	vadd.f32 v48, v50;
	v4 =	vmul.f32 v4, v4;
	v57 =	vadd.f32 v45, v47  }
0x7d: {  	v53 =	vmul.f32 v63, v63;
	v34 =	vadd.f32 v23, v34;
	v27 =	vadd.f32 v23, v27  }
0x7e: {  	v30 =	vmul.f32 v30, v30;
	v23 =	vadd.f32 v31, v43;
	v4 =	vadd.f32 v28, v4  }
0x7f: {  	v28 =	vmul.f32 v57, v57;
	v13 =	vadd.f32 v13, v53;
	v34 =	vmul.f32 v34, v34  }
0x80: {  	v49 =	vmul.f32 v24, v18;
	v63 =	vadd.f32 v40, v52;
	v23 =	vmul.f32 v23, v23  }
0x81: {  	v30 =	vadd.f32 v30, v34;
	v13 =	vadd.f32 v28, v13;
	v28 =	vmul.f32 v60, v60  }
0x82: {  	v62 =	vmul.f32 v58, v58;
	v18 =	vmul.f32 v63, v63;
	v23 =	vadd.f32 v56, v23  }
0x83: {  	s21 =	simm.s32 $0x8820;
	v17 =	vor.u32 $0x300, v11;
	v31 =	vadd.f32 v31, v25;
	v25 =	vadd.f32 v28, v30  }
0x84: {  	[tilespmem:s21+$0x20] =	vst v55;
	v4 =	vadd.f32 v62, v4;
	v24 =	vshra.s32 v13, $0x1;
	v18 =	vadd.f32 v18, v23  }
0x85: {  	v11 =	vmovc v5;
	v5 =	vld [tilespmem:$0x1FFD0];
	v23 =	vsub.s32 $0x5F3759DF, v24;
	v24 =	vshra.s32 v25, $0x1;
	v30 =	vmul.f32 $5.000000000e-01, v25  }
0x86: {  	v24 =	vsub.s32 $0x5F3759DF, v24  }
0x87: {  	v21 =	vld.idx.msk [tilespmem:v21+s4+$0x0], $0xffff;
	v28 =	vshra.s32 v4, $0x1;
	v53 =	vmul.f32 v24, v30  }
0x88: {  	v57 =	vld.idx.msk [tilespmem:v15+s4+$0x0], $0xffff;
	v25 =	vsub.s32 $0x5F3759DF, v28;
	v28 =	vshra.s32 v18, $0x1  }
0x89: {  	v50 =	vmul.f32 $5.000000000e-01, v18;
	v18 =	vadd.f32 v45, v38;
	v38 =	vmul.f32 v24, v53  }
0x8a: {  	v20 =	vld.idx.msk [tilespmem:v20+s4+$0x0], $0xffff  }
0x8b: {  	v9 =	vld.idx.msk [tilespmem:v9+s4+$0x0], $0xffff;
	v60 =	vsub.f32 $1.500000000e+00, v38  }
0x8c: {  	v16 =	vor.u32 $0x300, v16;
	v62 =	vld.idx.msk [tilespmem:v17+s4+$0x0], $0xffff;
	v13 =	vmul.f32 $5.000000000e-01, v13  }
0x8d: {  	v4 =	vmul.f32 $5.000000000e-01, v4;
	v17 =	vmul.f32 v24, v60;
	v24 =	vadd.f32 v21, v57;
	v21 =	vld.idx.msk [tilespmem:v5+s4+$0x0], $0xffff  }
0x8e: {  	v51 =	vmul.f32 v23, v13;
	v5 =	vld [tilespmem:$0x1FFE0]  }
0x8f: {  	v3 =	vadd.s32 $0x400, v10;
	v52 =	vld.idx.msk [tilespmem:v22+s4+$0x0], $0xffff;
	v28 =	vsub.s32 $0x5F3759DF, v28;
	v22 =	vmul.f32 v25, v4  }
0x90: {  	v54 =	vld.idx.msk [tilespmem:v19+s4+$0x0], $0xffff;
	v19 =	vadd.f32 v46, v29;
	v43 =	vmul.f32 v23, v51;
	v29 =	vmul.f32 v28, v50  }
0x91: {  	v33 =	vmul.f32 v33, v8;
	v35 =	vadd.f32 v35, v39;
	v1 =	vld [tilespmem:$0x1FFC0];
	v56 =	vmul.f32 v25, v22  }
0x92: {  	v10 =	vmul.f32 v32, v14;
	v15 =	vsub.f32 $1.500000000e+00, v43;
	v8 =	vmul.f32 v28, v29;
	v29 =	vld.idx.msk [tilespmem:v16+s4+$0x0], $0xffff  }
0x93: {  	v27 =	vmul.f32 v27, v37;
	v58 =	vsub.f32 $1.500000000e+00, v56;
	v5 =	vmul.f32 v2, v5;
	v2 =	vld [tilespmem:$0x1FFF0]  }
0x94: {  	v63 =	vmul.f32 v36, v12;
	v16 =	vmul.f32 v23, v15;
	v8 =	vsub.f32 $1.500000000e+00, v8  }
0x95: {  	v10 =	vadd.f32 v10, v27;
	v14 =	vadd.f32 v54, v62;
	v15 =	vmul.f32 v25, v58  }
0x96: {  	v23 =	vadd.f32 v20, v9;
	v9 =	vmul.f32 v16, v13;
	v8 =	vmul.f32 v28, v8  }
0x97: {  	v22 =	vadd.f32 v48, v44;
	v13 =	vmul.f32 v15, v4;
	v4 =	vmul.f32 v35, v1  }
0x98: {  	v1 =	vadd.f32 v52, v29;
	v28 =	vmul.f32 v17, v30;
	v29 =	vmul.f32 v8, v50  }
0x99: {  	v7 =	vld.idx.msk [tilespmem:v41+s4+$0x0], $0xffff;
	v25 =	vadd.f32 v40, v26;
	v26 =	vmul.f32 v9, v16;
	v9 =	vmul.f32 v31, v11  }
0x9a: {  	v36 =	vld.idx.msk [tilespmem:v3+s4+$0x0], $0xffff;
	v4 =	vadd.f32 v49, v4;
	v13 =	vmul.f32 v13, v15;
	v11 =	vmul.f32 v28, v17  }
0x9b: {  	s9 =	simm.s32 $0x0;
	s10 =	simm.s32 $0x870;
	s22 =	simm.s32 $0x8820;
	v9 =	vadd.f32 v63, v9;
	v27 =	vmul.f32 v29, v8;
	v5 =	vadd.f32 v33, v5;
	v20 =	vld.idx.msk [tilespmem:v2+s4+$0x0], $0xffff  }
.LBB2_3:
0x9c: {  	v29 =	vld [tilespmem:s10+$0x0]  }
0x9d: {  	v0 =	vmul.f32 v18, v0;
	v18 =	vsub.f32 $1.500000000e+00, v26;
	v26 =	vld [tilespmem:s10+$0xFFFFFFF0]  }
0x9e: {  	v28 =	vld [tilespmem:s10+$0x20];
	s2 =	sadd.s32 $0x50, s2  }
0x9f: {  	s19 =	sadd.s32 $0x50, s19;
	v41 =	vld [tilespmem:s2+$0x20]  }
0xa0: {  	v19 =	vmul.f32 v19, v42;
	v43 =	vld [tilespmem:s19+$0x20];
	v0 =	vadd.f32 v0, v4  }
0xa1: {  	s20 =	sadd.s32 $0x50, s20;
	v13 =	vsub.f32 $1.500000000e+00, v13;
	v4 =	vld [tilespmem:s10+$0xFFFFFFE0];
	v2 =	vmul.f32 v18, v16  }
0xa2: {  	v47 =	vld [tilespmem:s20+$0x20];
	[tilespmem:$0x1FF00] =	vst v0;
	v0 =	vadd.f32 v19, v5;
	v56 =	vshra.s32 v29, $0xE;
	v51 =	vand.u32 $0x7F, v26  }
0xa3: {  	v18 =	vld [tilespmem:s10+$0x10];
	v5 =	vshrl.u32 v28, $0x7;
	v52 =	vand.u32 $0x7F, v29;
	v60 =	vadd.s32 $0x100, v56  }
0xa4: {  	v48 =	vand.u32 $0x7F, v5;
	v5 =	vshrl.u32 v29, $0x7;
	v37 =	vor.u32 $0x180, v52;
	v29 =	vld [tilespmem:s2+$0xFFFFFFE0]  }
0xa5: {  	[tilespmem:$0x1FF20] =	vst v0;
	v0 =	vmul.f32 v13, v15;
	v15 =	vld [tilespmem:s19+$0xFFFFFFF0];
	v30 =	vor.u32 $0x200, v48  }
0xa6: {  	v22 =	vmul.f32 v22, v61;
	v55 =	vshra.s32 v26, $0xE;
	v13 =	vld [tilespmem:s19+$0x0];
	v50 =	vand.u32 $0x7F, v4  }
0xa7: {  	v58 =	vadd.s32 $0x100, v55;
	v33 =	vld.idx.msk [tilespmem:v51+s4+$0x0], $0xffff  }
0xa8: {  	v5 =	vand.u32 $0x7F, v5;
	[tilespmem:$0x1FF40] =	vst v0;
	v0 =	vadd.f32 v22, v10;
	v10 =	vand.u32 $0x7F, v28;
	v60 =	vld.idx.msk [tilespmem:v60+s4+$0x0], $0xffff  }
0xa9: {  	v11 =	vsub.f32 $1.500000000e+00, v11;
	v16 =	vsub.f32 $1.500000000e+00, v27;
	v27 =	vor.u32 $0x80, v5;
	v37 =	vld.idx.msk [tilespmem:v37+s4+$0x0], $0xffff  }
0xaa: {  	v54 =	vshra.s32 v4, $0xE;
	v53 =	vand.u32 $0x7F, v18;
	v62 =	vld.idx.msk [tilespmem:v30+s4+$0x0], $0xffff  }
0xab: {  	v25 =	vmul.f32 v25, v59;
	v57 =	vadd.s32 $0x100, v54;
	[tilespmem:$0x1FF50] =	vst v0;
	v0 =	vmul.f32 v11, v17;
	v6 =	vld.idx.msk [tilespmem:v50+s4+$0x0], $0xffff  }
0xac: {  	v42 =	vadd.f32 v21, v23;
	v49 =	vshra.s32 v28, $0xE;
	v19 =	vshrl.u32 v18, $0x7;
	v58 =	vld.idx.msk [tilespmem:v58+s4+$0x0], $0xffff  }
0xad: {  	v19 =	vand.u32 $0x7F, v19;
	v11 =	vor.u32 $0x80, v48;
	[tilespmem:$0x1FF70] =	vst v0;
	v0 =	vadd.f32 v25, v9;
	v28 =	vld.idx.msk [tilespmem:v10+s4+$0x0], $0xffff  }
0xae: {  	v32 =	vadd.s32 $0x280, v49;
	v21 =	vshrl.u32 v4, $0x7;
	v31 =	vor.u32 $0x80, v19;
	v27 =	vld.idx.msk [tilespmem:v27+s4+$0x0], $0xffff  }
0xaf: {  	v9 =	vshrl.u32 v26, $0x7;
	v34 =	vld.idx.msk [tilespmem:v53+s4+$0x0], $0xffff;
	[tilespmem:$0x1FF60] =	vst v0;
	v0 =	vadd.f32 v20, v24;
	v20 =	vadd.s32 $0x100, v49  }
0xb0: {  	v21 =	vand.u32 $0x7F, v21;
	v9 =	vand.u32 $0x7F, v9;
	v57 =	vld.idx.msk [tilespmem:v57+s4+$0x0], $0xffff;
	v24 =	vor.u32 $0x180, v10  }
0xb1: {  	v23 =	vor.u32 $0x80, v9;
	v46 =	vor.u32 $0x200, v9;
	v3 =	vor.u32 $0x380, v9;
	v9 =	vld.idx.msk [tilespmem:v52+s4+$0x0], $0xffff  }
0xb2: {  	v25 =	vor.u32 $0x80, v21;
	v11 =	vld.idx.msk [tilespmem:v11+s4+$0x0], $0xffff  }
0xb3: {  	v36 =	vadd.f32 v36, v14;
	v48 =	vor.u32 $0x380, v48;
	v12 =	vld.idx.msk [tilespmem:v31+s4+$0x0], $0xffff  }
0xb4: {  	v7 =	vadd.f32 v7, v1;
	v16 =	vmul.f32 v16, v8;
	v40 =	vor.u32 $0x200, v19;
	v20 =	vld.idx.msk [tilespmem:v20+s4+$0x0], $0xffff  }
0xb5: {  	v39 =	vor.u32 $0x180, v51;
	v17 =	vadd.s32 $0x280, v54;
	v49 =	vadd.s32 $0x400, v49;
	[tilespmem:$0x1FF80] =	vst v3;
	v59 =	vld.idx.msk [tilespmem:v24+s4+$0x0], $0xffff  }
0xb6: {  	v3 =	vor.u32 $0x300, v50;
	[tilespmem:$0x1FF30] =	vst v0;
	v0 =	vld.idx.msk [tilespmem:v32+s4+$0x0], $0xffff;
	v32 =	vadd.s32 $0x280, v56;
	v24 =	vmul.f32 v28, v41  }
0xb7: {  	[tilespmem:$0x1FFA0] =	vst v3;
	v3 =	vor.u32 $0x380, v19;
	v63 =	vld.idx.msk [tilespmem:v25+s4+$0x0], $0xffff;
	v25 =	vadd.s32 $0x280, v55;
	v26 =	vmul.f32 v11, v43  }
0xb8: {  	v48 =	vld.idx.msk [tilespmem:v48+s4+$0x0], $0xffff;
	[tilespmem:$0x1FF90] =	vst v3;
	v3 =	vadd.s32 $0x400, v54;
	v54 =	vor.u32 $0x300, v52;
	v4 =	vadd.f32 v24, v24  }
0xb9: {  	v40 =	vld.idx.msk [tilespmem:v40+s4+$0x0], $0xffff;
	v52 =	vadd.s32 $0x400, v55;
	v11 =	vadd.f32 v26, v26;
	v20 =	vmul.f32 v20, v47  }
0xba: {  	[tilespmem:$0x1FF10] =	vst v2;
	v55 =	vadd.s32 $0x400, v56;
	v56 =	vor.u32 $0x300, v10;
	v2 =	vld.idx.msk [tilespmem:v23+s4+$0x0], $0xffff;
	v4 =	vadd.f32 v59, v4  }
0xbb: {  	v18 =	vshra.s32 v18, $0xE;
	v28 =	vld [tilespmem:s2+$0xFFFFFFF0];
	v11 =	vadd.f32 v62, v11;
	v23 =	vadd.f32 v20, v20  }
0xbc: {  	v45 =	vor.u32 $0x200, v21;
	v61 =	vadd.s32 $0x100, v18;
	v31 =	vor.u32 $0x380, v21;
	[tilespmem:$0x1FFB0] =	vst v3;
	v3 =	vld [tilespmem:$0x1FF00]  }
0xbd: {  	v49 =	vld.idx.msk [tilespmem:v49+s4+$0x0], $0xffff;
	v11 =	vmul.f32 v11, v11;
	v21 =	vadd.f32 v0, v23;
	v23 =	vmul.f32 v4, v4  }
0xbe: {  	v44 =	vor.u32 $0x200, v5;
	v38 =	vor.u32 $0x180, v50;
	v22 =	vor.u32 $0x180, v53;
	v46 =	vld.idx.msk [tilespmem:v46+s4+$0x0], $0xffff  }
0xbf: {  	v51 =	vor.u32 $0x300, v51;
	v8 =	vld.idx.msk [tilespmem:v56+s4+$0x0], $0xffff;
	v11 =	vadd.f32 v11, v23;
	v19 =	vmul.f32 v21, v21  }
0xc0: {  	v30 =	vadd.s32 $0x280, v18;
	v1 =	vmul.f32 v33, v28;
	v33 =	vld [tilespmem:s19+$0x10];
	v24 =	vadd.f32 v59, v24  }
0xc1: {  	v35 =	vmul.f32 v6, v29;
	v27 =	vmul.f32 v27, v13;
	v59 =	vld [tilespmem:$0x1FF30];
	v19 =	vadd.f32 v19, v11  }
0xc2: {  	v26 =	vadd.f32 v62, v26;
	v2 =	vmul.f32 v2, v15;
	v24 =	vmul.f32 v24, v41;
	v41 =	vld.idx.msk [tilespmem:v61+s4+$0x0], $0xffff  }
0xc3: {  	v20 =	vadd.f32 v0, v20;
	v61 =	vld [tilespmem:$0x1FF10];
	v10 =	vshra.s32 v19, $0x1;
	v19 =	vmul.f32 $5.000000000e-01, v19  }
0xc4: {  	v26 =	vmul.f32 v26, v43;
	v8 =	vadd.f32 v48, v8;
	v0 =	vld [tilespmem:s20+$0xFFFFFFE0];
	v10 =	vsub.s32 $0x5F3759DF, v10  }
0xc5: {  	v42 =	vadd.f32 v42, v3;
	v20 =	vmul.f32 v20, v47;
	v47 =	vld [tilespmem:$0x1FF20];
	v6 =	vmul.f32 v10, v19  }
0xc6: {  	v18 =	vadd.s32 $0x400, v18;
	v62 =	vadd.f32 v27, v27;
	v8 =	vadd.f32 v49, v8;
	v49 =	vld [tilespmem:$0x1FF50]  }
0xc7: {  	v3 =	vadd.f32 v2, v2;
	v24 =	vadd.f32 v26, v24;
	v23 =	vld [tilespmem:s19+$0xFFFFFFE0];
	v6 =	vmul.f32 v10, v6  }
0xc8: {  	v2 =	vadd.f32 v46, v2;
	v21 =	vor.u32 $0x300, v53;
	v53 =	vld [tilespmem:s2+$0x0];
	v48 =	vmul.f32 v61, v42  }
0xc9: {  	v50 =	vor.u32 $0x380, v5;
	v20 =	vadd.f32 v20, v24;
	v24 =	vld.idx.msk [tilespmem:v45+s4+$0x0], $0xffff;
	v6 =	vsub.f32 $1.500000000e+00, v6  }
0xca: {  	v3 =	vadd.f32 v46, v3;
	v12 =	vmul.f32 v12, v33;
	v26 =	vmul.f32 $7.812500000e-03, v48;
	v48 =	vld [tilespmem:$0x1FF40]  }
0xcb: {  	v56 =	vadd.f32 v1, v1;
	v2 =	vmul.f32 v2, v15;
	v61 =	vld [tilespmem:s20+$0x0];
	v10 =	vmul.f32 v10, v6  }
0xcc: {  	v3 =	vmul.f32 v3, v3;
	v43 =	vadd.f32 v12, v12;
	v42 =	vld [tilespmem:s20+$0xFFFFFFF0];
	v12 =	vadd.f32 v40, v12  }
0xcd: {  	v8 =	vadd.f32 v8, v20;
	v20 =	vld.idx.msk [tilespmem:v44+s4+$0x0], $0xffff;
	v47 =	vadd.f32 v59, v47;
	v19 =	vmul.f32 v10, v19  }
0xce: {  	v11 =	vadd.f32 v35, v35;
	v14 =	vmul.f32 v63, v23;
	v63 =	vld [tilespmem:s2+$0x10];
	v9 =	vmul.f32 v9, v53  }
0xcf: {  	v7 =	vadd.f32 v7, v49;
	v45 =	vmul.f32 v48, v47;
	v48 =	vld [tilespmem:$0x1FF60];
	v19 =	vmul.f32 v19, v10  }
0xd0: {  	[tilespmem:s21+$0xFFFFFFE0] =	vst v26;
	v26 =	vld [tilespmem:$0x1FF70];
	v44 =	vmul.f32 v60, v61;
	v4 =	vadd.f32 v14, v14;
	v5 =	vadd.f32 v9, v9  }
0xd1: {  	v12 =	vmul.f32 v12, v33;
	v38 =	vld.idx.msk [tilespmem:v38+s4+$0x0], $0xffff;
	v14 =	vadd.f32 v24, v14;
	v19 =	vsub.f32 $1.500000000e+00, v19  }
0xd2: {  	v49 =	vld.idx.msk [tilespmem:v39+s4+$0x0], $0xffff;
	v9 =	vadd.f32 v37, v9;
	v47 =	vmul.f32 v57, v0;
	v57 =	vadd.f32 v44, v44  }
0xd3: {  	v4 =	vadd.f32 v24, v4;
	v24 =	vld.idx.msk [tilespmem:v25+s4+$0x0], $0xffff;
	v25 =	vadd.f32 v20, v27;
	v10 =	vmul.f32 v19, v10  }
0xd4: {  	v22 =	vld.idx.msk [tilespmem:v22+s4+$0x0], $0xffff;
	v9 =	vmul.f32 v9, v53;
	v34 =	vmul.f32 v34, v63;
	v36 =	vadd.f32 v36, v48  }
0xd5: {  	v59 =	vld [tilespmem:s20+$0x10];
	v7 =	vmul.f32 v26, v7;
	v26 =	vadd.f32 v47, v47;
	v10 =	vmul.f32 v10, v8  }
0xd6: {  	v27 =	vld.idx.msk [tilespmem:v32+s4+$0x0], $0xffff;
	v11 =	vadd.f32 v38, v11;
	v32 =	vadd.f32 v38, v35;
	v16 =	vmul.f32 v16, v36  }
0xd7: {  	v38 =	vadd.f32 v49, v1;
	v19 =	vmul.f32 v58, v42;
	v10 =	vmul.f32 $7.812500000e-03, v10  }
0xd8: {  	v30 =	vld.idx.msk [tilespmem:v30+s4+$0x0], $0xffff;
	s21 =	sadd.s32 $0x50, s21;
	v4 =	vmul.f32 v4, v4;
	v1 =	vadd.f32 v37, v5;
	v6 =	vadd.f32 v34, v34  }
0xd9: {  	v48 =	vadd.f32 v19, v19;
	[tilespmem:s21+$0x20] =	vst v10;
	v10 =	vmul.f32 $7.812500000e-03, v16;
	v16 =	vld.idx.msk [tilespmem:v17+s4+$0x0], $0xffff;
	v17 =	vadd.f32 v20, v62  }
0xda: {  	v8 =	vmul.f32 v41, v59;
	v20 =	vadd.f32 v40, v43;
	v43 =	vadd.f32 v49, v56  }
0xdb: {  	v5 =	vld [tilespmem:$0x1FF80];
	v11 =	vmul.f32 v11, v11;
	v1 =	vmul.f32 v1, v1;
	v6 =	vadd.f32 v22, v6  }
0xdc: {  	v60 =	vadd.f32 v8, v8;
	v46 =	vadd.f32 v24, v48;
	v48 =	vld [tilespmem:$0x1FF90];
	v35 =	vmul.f32 v43, v43  }
0xdd: {  	v4 =	vadd.f32 v4, v11;
	v11 =	vld.idx.msk [tilespmem:v50+s4+$0x0], $0xffff;
	v6 =	vmul.f32 v6, v6;
	v17 =	vmul.f32 v17, v17  }
0xde: {  	v50 =	vld.idx.msk [tilespmem:v51+s4+$0x0], $0xffff;
	v51 =	vadd.f32 v30, v60;
	v20 =	vmul.f32 v20, v20;
	v3 =	vadd.f32 v3, v35  }
0xdf: {  	v1 =	vadd.f32 v17, v1;
	v17 =	vmul.f32 v46, v46;
	v26 =	vadd.f32 v16, v26  }
0xe0: {  	v39 =	vadd.f32 v27, v57;
	v58 =	vmul.f32 $7.812500000e-03, v45;
	v6 =	vadd.f32 v20, v6  }
0xe1: {  	v3 =	vadd.f32 v17, v3;
	v17 =	vmul.f32 v51, v51;
	v26 =	vmul.f32 v26, v26  }
0xe2: {  	v34 =	vadd.f32 v22, v34;
	v49 =	vld [tilespmem:$0x1FFA0];
	v56 =	vmul.f32 v14, v23;
	v20 =	vmul.f32 v39, v39  }
0xe3: {  	v14 =	vld.idx.msk [tilespmem:v21+s4+$0x0], $0xffff;
	v23 =	vshra.s32 v3, $0x1;
	v6 =	vadd.f32 v17, v6;
	v4 =	vadd.f32 v26, v4  }
0xe4: {  	v35 =	vld.idx.msk [tilespmem:v48+s4+$0x0], $0xffff;
	v1 =	vadd.f32 v20, v1;
	[tilespmem:s22+$0x10] =	vst v10;
	v3 =	vmul.f32 $5.000000000e-01, v3;
	v10 =	vsub.s32 $0x5F3759DF, v23  }
0xe5: {  	v36 =	vld.idx.msk [tilespmem:v18+s4+$0x0], $0xffff;
	v18 =	vshra.s32 v6, $0x1;
	v6 =	vmul.f32 $5.000000000e-01, v6;
	v22 =	vshra.s32 v4, $0x1  }
0xe6: {  	v5 =	vld.idx.msk [tilespmem:v5+s4+$0x0], $0xffff;
	[tilespmem:s22+$0xFFFFFFF0] =	vst v58;
	v4 =	vmul.f32 $5.000000000e-01, v4;
	v58 =	vsub.s32 $0x5F3759DF, v18;
	v18 =	vadd.f32 v16, v47  }
0xe7: {  	v17 =	vsub.s32 $0x5F3759DF, v22;
	v22 =	vshra.s32 v1, $0x1;
	v1 =	vmul.f32 $5.000000000e-01, v1  }
0xe8: {  	v16 =	vmul.f32 v10, v3;
	v23 =	vmul.f32 v17, v4;
	v57 =	vsub.s32 $0x5F3759DF, v22  }
0xe9: {  	v19 =	vadd.f32 v24, v19;
	v24 =	vmul.f32 v58, v6;
	v60 =	vmul.f32 v57, v1  }
0xea: {  	v31 =	vld.idx.msk [tilespmem:v31+s4+$0x0], $0xffff;
	v16 =	vmul.f32 v10, v16;
	v23 =	vmul.f32 v17, v23  }
0xeb: {  	v21 =	vld [tilespmem:$0x1FFB0];
	v22 =	vadd.f32 v27, v44;
	v15 =	vmul.f32 v58, v24;
	v27 =	vmul.f32 v57, v60  }
0xec: {  	v7 =	vmul.f32 $7.812500000e-03, v7;
	v37 =	vld.idx.msk [tilespmem:v49+s4+$0x0], $0xffff;
	v24 =	vsub.f32 $1.500000000e+00, v16;
	v23 =	vsub.f32 $1.500000000e+00, v23  }
0xed: {  	v62 =	vmul.f32 v25, v13;
	v13 =	vsub.f32 $1.500000000e+00, v27;
	v27 =	vsub.f32 $1.500000000e+00, v15  }
0xee: {  	v26 =	vld.idx.msk [tilespmem:v54+s4+$0x0], $0xffff;
	v15 =	vmul.f32 v10, v24;
	v24 =	vadd.f32 v5, v50;
	v5 =	vmul.f32 v38, v28  }
0xef: {  	s9 =	sadd.s32 $0x50, s9;
	v25 =	vadd.f32 v30, v8;
	v28 =	vmul.f32 v34, v63;
	v16 =	vmul.f32 v17, v23  }
0xf0: {  	p2 =	slt.u32 s9, $0xF50;
	v14 =	vadd.f32 v35, v14;
	v17 =	vmul.f32 v57, v13;
	v8 =	vmul.f32 v58, v27  }
.Ltmp4:
0xf1: {  	v23 =	vadd.f32 v31, v37;
	v3 =	vmul.f32 v15, v3;
	v10 =	vmul.f32 v16, v4;
	(pc) =	sbr.rel @p2 .LBB2_3-.Ltmp4, $4  }
0xf2: {  	v20 =	vld.idx.msk [tilespmem:v52+s4+$0x0], $0xffff;
	v5 =	vadd.f32 v2, v5;
	v4 =	vmul.f32 v32, v29;
	v27 =	vmul.f32 v17, v1  }
0xf3: {  	v21 =	vld.idx.msk [tilespmem:v21+s4+$0x0], $0xffff;
	v1 =	vadd.f32 v11, v26;
	v6 =	vmul.f32 v8, v6;
	v13 =	vmul.f32 v3, v15  }
0xf4: {  	[tilespmem:s22+$0x0] =	vst v7;
	v4 =	vadd.f32 v56, v4;
	v26 =	vmul.f32 v10, v16;
	v10 =	vadd.f32 v62, v9  }
0xf5: {  	s10 =	sadd.s32 $0x50, s10;
	s22 =	smov.u32 s21;
	v7 =	vld.idx.msk [tilespmem:v55+s4+$0x0], $0xffff;
	v9 =	vadd.f32 v12, v28;
	v11 =	vmul.f32 v27, v17;
	v27 =	vmul.f32 v6, v8  }
0xf6: {  	v0 =	vmul.f32 v18, v0;
	v2 =	vsub.f32 $1.500000000e+00, v26;
	v6 =	vsub.f32 $1.500000000e+00, v13  }
0xf7: {  	v3 =	vmul.f32 v19, v42;
	v58 =	vadd.f32 v36, v14;
	v11 =	vsub.f32 $1.500000000e+00, v11  }
0xf8: {  	v12 =	vmul.f32 v22, v61;
	v52 =	vsub.f32 $1.500000000e+00, v27;
	v56 =	vadd.f32 v20, v24  }
0xf9: {  	v53 =	vmul.f32 v25, v59;
	v0 =	vadd.f32 v0, v4;
	v55 =	vadd.f32 v21, v23  }
0xfa: {  	v3 =	vadd.f32 v3, v5;
	v54 =	vadd.f32 v12, v10  }
0xfb: {  	v9 =	vadd.f32 v53, v9;
	v2 =	vmul.f32 v2, v16;
	v0 =	vadd.f32 v55, v0  }
0xfc: {  	v57 =	vmul.f32 v6, v15;
	v1 =	vadd.f32 v7, v1;
	v3 =	vadd.f32 v56, v3  }
0xfd: {  	v60 =	vmul.f32 v52, v8;
	v61 =	vadd.f32 v58, v9;
	v0 =	vmul.f32 v2, v0  }
0xfe: {  	v59 =	vmul.f32 v11, v17;
	v1 =	vadd.f32 v1, v54;
	v3 =	vmul.f32 v57, v3  }
0xff: {  	v2 =	vmul.f32 v60, v61;
	v0 =	vmul.f32 $7.812500000e-03, v0  }
0x100: {  	v1 =	vmul.f32 v59, v1;
	v3 =	vmul.f32 $7.812500000e-03, v3  }
0x101: {  	v63 =	vmul.f32 $7.812500000e-03, v2;
	[tilespmem:s21+$0xFFFFFFE0] =	vst v0  }
0x102: {  	s0 =	smul.u32 $0x1F4, s0;
	s2 =	sadd.s32 s15, s31;
	v62 =	vmul.f32 $7.812500000e-03, v1;
	[tilespmem:s22+$0xFFFFFFF0] =	vst v3  }
0x103: {  	p2 =	sgt.u32 s2, $0x1F3;
	[tilespmem:s22+$0x10] =	vst v63  }
0x104: {  	s0 =	sadd.s32 s3, s0;
	s2 =	smul.u32 @!p2 $0x1F4, s2;
	[tilespmem:s22+$0x0] =	vst v62  }
0x105: {  	[hbm4b:s0+s4] =	stream.linear.scatter [tilespmem:s24], [sflag:$0x3], $0xFA0, $0x38;
	[tilespmem:$0xA800] =	vst v63  }
0x106: {  	s9 =	simm.s32 @!p2 $0x0;
	s10 =	simm.s32 @!p2 $0x800;
	s0 =	sadd.s32 @!p2 s1, s2  }
0x107: {  	[tilespmem:s10], [sflag:$0x1] =	stream.linear.gather @!p2 [hbm4b:s0+s9], $0xFA0, $0x38;
	[tilespmem:$0xA800] =	vst v63  }
0x108: {  	s0 =	sadd.s32 @!p2 s6, s2;
	s10 =	simm.s32 @!p2 $0x1800  }
0x109: {  	[tilespmem:s10], [sflag:$0x1] =	stream.linear.gather @!p2 [hbm4b:s0+s9], $0xFA0, $0x38;
	[tilespmem:$0xA800] =	vst v63  }
0x10a: {  	s0 =	sadd.s32 @!p2 s7, s2;
	s10 =	simm.s32 @!p2 $0x2800  }
0x10b: {  	[tilespmem:s10], [sflag:$0x1] =	stream.linear.gather @!p2 [hbm4b:s0+s9], $0xFA0, $0x38;
	[tilespmem:$0xA800] =	vst v63  }
0x10c: {  	s0 =	sadd.s32 @!p2 s8, s2;
	s2 =	simm.s32 @!p2 $0x3800  }
0x10d: {  	[tilespmem:s2], [sflag:$0x1] =	stream.linear.gather @!p2 [hbm4b:s0+s9], $0xFA0, $0x38;
	[tilespmem:$0xA800] =	vst v63  }
0x10e: {  	s0 =	simm.s32 @!p1 $0x2  }
0x10f: {  	_ =	swait.ge @!p1 [sflag:s0], $0xFA0  }
0x110: {  	[sflag:s0] =	ssyncset.done @!p1 $0x0  }
0x111: {  	[sflag:s0] =	ssyncadd.s32 @!p1 $0xFFFFF060  }
0x112: {  	_ =	swait.ge @!p1 [sflag:s0], $0xFA0  }
0x113: {  	[sflag:s0] =	ssyncset.done @!p1 $0x0  }
0x114: {  	[sflag:s0] =	ssyncadd.s32 @!p1 $0xFFFFF060  }
0x115: {  	_ =	swait.ge @!p1 [sflag:s0], $0xFA0  }
0x116: {  	[sflag:s0] =	ssyncset.done @!p1 $0x0  }
0x117: {  	[sflag:s0] =	ssyncadd.s32 @!p1 $0xFFFFF060  }
0x118: {  	s31 =	sadd.s32 s16, s31;
	_ =	swait.ge @!p1 [sflag:s0], $0xFA0  }
.Ltmp5:
0x119: {  	p2 =	sgt.u32 s31, $0x1F3;
	[sflag:s0] =	ssyncset.done @!p1 $0x0;
	(pc) =	sbr.rel @p1 .LBB2_8-.Ltmp5, $4  }
0x11a: {  	[sflag:s0] =	ssyncadd.s32 @!p1 $0xFFFFF060;
	s0 =	simm.s32 @!p2 $0x4  }
0x11b: {  	_ =	swait.ge @!p2 [sflag:s0], $0xFA0  }
0x11c: {  	[sflag:s0] =	ssyncset.done @!p2 $0x0  }
0x11d: {  	[sflag:s0] =	ssyncadd.s32 @!p2 $0xFFFFF060  }
0x11e: {  	s2 =	simm.s32 $0x4820  }
0x11f: {  	v0 =	vld [tilespmem:s2+$0x20];
	_ =	sdelay $0x2  }
0x120: {  	v1 =	vld [tilespmem:s2+$0xFFFFFFE0];
	_ =	sdelay $0x1  }
0x121: {  	v3 =	vld [tilespmem:s2+$0xFFFFFFF0];
	v2 =	vshrl.u32 v0, $0x7;
	v6 =	vand.u32 $0x7F, v0;
	v0 =	vshra.s32 v0, $0xE  }
0x122: {  	v4 =	vld [tilespmem:s2+$0x0];
	v8 =	vadd.s32 $0x100, v0  }
0x123: {  	s0 =	simm.s32 $0x5820;
	v7 =	vld [tilespmem:s2+$0x10]  }
0x124: {  	s19 =	simm.s32 $0x7820;
	v23 =	vld [tilespmem:s0+$0x20];
	v22 =	vand.u32 $0x7F, v1  }
0x125: {  	s2 =	simm.s32 $0x6820;
	v25 =	vld [tilespmem:s19+$0x20];
	v10 =	vor.u32 $0x180, v6  }
0x126: {  	v24 =	vld [tilespmem:s2+$0x20];
	v16 =	vadd.s32 $0x280, v0  }
0x127: {  	v29 =	vand.u32 $0x7F, v3;
	v2 =	vand.u32 $0x7F, v2;
	v8 =	vld.idx.msk [tilespmem:v8+s4+$0x0], $0xffff  }
0x128: {  	v17 =	vshrl.u32 v7, $0x7;
	v5 =	vor.u32 $0x80, v2;
	v11 =	vld.idx.msk [tilespmem:v6+s4+$0x0], $0xffff  }
0x129: {  	v17 =	vand.u32 $0x7F, v17;
	v12 =	vor.u32 $0x200, v2;
	v39 =	vld.idx.msk [tilespmem:v22+s4+$0x0], $0xffff  }
0x12a: {  	v9 =	vshrl.u32 v1, $0x7;
	v26 =	vld.idx.msk [tilespmem:v10+s4+$0x0], $0xffff;
	v10 =	vor.u32 $0x80, v17  }
0x12b: {  	v13 =	vshrl.u32 v3, $0x7;
	v15 =	vshrl.u32 v4, $0x7;
	v9 =	vand.u32 $0x7F, v9;
	v30 =	vld.idx.msk [tilespmem:v16+s4+$0x0], $0xffff  }
0x12c: {  	v13 =	vand.u32 $0x7F, v13;
	v14 =	vor.u32 $0x80, v9;
	v41 =	vld.idx.msk [tilespmem:v29+s4+$0x0], $0xffff;
	v34 =	vmul.f32 v8, v25  }
0x12d: {  	v37 =	vshra.s32 v4, $0xE;
	v15 =	vand.u32 $0x7F, v15;
	v18 =	vor.u32 $0x80, v13;
	v5 =	vld.idx.msk [tilespmem:v5+s4+$0x0], $0xffff  }
0x12e: {  	v19 =	vor.u32 $0x80, v15;
	v16 =	vand.u32 $0x7F, v4;
	v27 =	vld.idx.msk [tilespmem:v12+s4+$0x0], $0xffff;
	v4 =	vadd.f32 v34, v34  }
0x12f: {  	v31 =	vmul.f32 v11, v23;
	v36 =	vld.idx.msk [tilespmem:v10+s4+$0x0], $0xffff  }
0x130: {  	v11 =	vand.u32 $0x7F, v7;
	v10 =	vshra.s32 v7, $0xE;
	v7 =	vadd.f32 v30, v4;
	v4 =	vld [tilespmem:s0+$0xFFFFFFE0]  }
0x131: {  	v28 =	vld.idx.msk [tilespmem:v14+s4+$0x0], $0xffff  }
0x132: {  	v33 =	vld.idx.msk [tilespmem:v18+s4+$0x0], $0xffff;
	v32 =	vmul.f32 v5, v24  }
0x133: {  	v35 =	vld.idx.msk [tilespmem:v19+s4+$0x0], $0xffff  }
0x134: {  	v45 =	vld.idx.msk [tilespmem:v16+s4+$0x0], $0xffff;
	v5 =	vadd.f32 v31, v31;
	v8 =	vadd.f32 v32, v32  }
0x135: {  	v46 =	vld.idx.msk [tilespmem:v11+s4+$0x0], $0xffff;
	[tilespmem:$0x1FEC0] =	vst v4  }
0x136: {  	v5 =	vadd.f32 v26, v5;
	v8 =	vadd.f32 v27, v8;
	v42 =	vld [tilespmem:s0+$0xFFFFFFF0];
	_ =	sdelay $0x1  }
0x137: {  	v1 =	vshra.s32 v1, $0xE;
	v5 =	vmul.f32 v5, v5;
	v8 =	vmul.f32 v8, v8  }
0x138: {  	v3 =	vshra.s32 v3, $0xE;
	v38 =	vadd.s32 $0x100, v1  }
0x139: {  	v40 =	vadd.s32 $0x100, v3;
	v7 =	vmul.f32 v7, v7;
	v8 =	vadd.f32 v8, v5  }
0x13a: {  	v44 =	vadd.s32 $0x100, v37;
	v51 =	vor.u32 $0x180, v22;
	v52 =	vor.u32 $0x180, v29;
	v18 =	vld [tilespmem:s2+$0xFFFFFFE0];
	[tilespmem:$0x1FEE0] =	vst v42  }
0x13b: {  	v55 =	vor.u32 $0x300, v6;
	v56 =	vadd.s32 $0x280, v1;
	v7 =	vadd.f32 v7, v8;
	v8 =	vld [tilespmem:s2+$0xFFFFFFF0]  }
0x13c: {  	v57 =	vadd.s32 $0x280, v3;
	v58 =	vadd.s32 $0x280, v37;
	v2 =	vor.u32 $0x380, v2;
	v61 =	vld [tilespmem:s0+$0x0]  }
0x13d: {  	v0 =	vadd.s32 $0x400, v0;
	v1 =	vadd.s32 $0x400, v1;
	v43 =	vor.u32 $0x200, v9;
	v14 =	vld [tilespmem:s2+$0x0]  }
0x13e: {  	v48 =	vor.u32 $0x200, v13;
	v49 =	vor.u32 $0x200, v15;
	v12 =	vshra.s32 v7, $0x1;
	v5 =	vld [tilespmem:s0+$0x10]  }
0x13f: {  	v50 =	vor.u32 $0x200, v17;
	v59 =	vmul.f32 $5.000000000e-01, v7;
	v60 =	vsub.s32 $0x5F3759DF, v12;
	v12 =	vld [tilespmem:s2+$0x10]  }
0x140: {  	v20 =	vor.u32 $0x380, v9;
	v21 =	vor.u32 $0x380, v13;
	v9 =	vor.u32 $0x300, v22;
	v55 =	vld.idx.msk [tilespmem:v55+s4+$0x0], $0xffff;
	[tilespmem:$0x1FED0] =	vst v1  }
0x141: {  	v22 =	vor.u32 $0x380, v15;
	v15 =	vor.u32 $0x300, v29;
	v13 =	vmul.f32 v60, v59;
	v29 =	vld.idx.msk [tilespmem:v2+s4+$0x0], $0xffff  }
0x142: {  	v53 =	vor.u32 $0x180, v16;
	v39 =	vmul.f32 v39, v4;
	v62 =	vld.idx.msk [tilespmem:v0+s4+$0x0], $0xffff;
	v0 =	vadd.s32 $0x400, v3  }
0x143: {  	v54 =	vor.u32 $0x180, v11;
	v30 =	vadd.f32 v30, v34;
	v1 =	vmul.f32 v60, v13;
	v38 =	vld.idx.msk [tilespmem:v38+s4+$0x0], $0xffff;
	[tilespmem:$0x1FEF0] =	vst v0  }
0x144: {  	v47 =	vadd.s32 $0x100, v10;
	v63 =	vadd.f32 v39, v39;
	v2 =	vadd.f32 v27, v32;
	v40 =	vld.idx.msk [tilespmem:v40+s4+$0x0], $0xffff  }
0x145: {  	v7 =	vadd.s32 $0x280, v10;
	v28 =	vmul.f32 v28, v18;
	v1 =	vsub.f32 $1.500000000e+00, v1;
	v44 =	vld.idx.msk [tilespmem:v44+s4+$0x0], $0xffff  }
0x146: {  	v6 =	vmul.f32 v41, v42;
	v41 =	vadd.s32 $0x400, v37;
	v0 =	vld [tilespmem:s19+$0xFFFFFFE0];
	v24 =	vmul.f32 v2, v24  }
0x147: {  	v42 =	vld [tilespmem:s19+$0xFFFFFFF0];
	v33 =	vmul.f32 v33, v8;
	v60 =	vmul.f32 v60, v1;
	v1 =	vadd.f32 v26, v31  }
0x148: {  	v13 =	vadd.f32 v28, v28;
	v27 =	vmul.f32 v45, v61;
	v37 =	vmovc v61;
	v32 =	vmul.f32 v35, v14;
	v61 =	vld [tilespmem:s19+$0x0]  }
0x149: {  	v4 =	vadd.f32 v6, v6;
	v36 =	vmul.f32 v36, v12;
	v45 =	vld.idx.msk [tilespmem:v48+s4+$0x0], $0xffff;
	v23 =	vmul.f32 v1, v23  }
0x14a: {  	v48 =	vld.idx.msk [tilespmem:v50+s4+$0x0], $0xffff;
	v29 =	vadd.f32 v29, v55;
	v31 =	vadd.f32 v33, v33;
	v3 =	vmul.f32 v60, v59  }
0x14b: {  	v26 =	vld.idx.msk [tilespmem:v47+s4+$0x0], $0xffff;
	v34 =	vadd.f32 v27, v27;
	v23 =	vadd.f32 v24, v23;
	v24 =	vmul.f32 v30, v25  }
0x14c: {  	v59 =	vld [tilespmem:s19+$0x10];
	v29 =	vadd.f32 v62, v29;
	v62 =	vadd.f32 v36, v36;
	v47 =	vmul.f32 v3, v60  }
0x14d: {  	v38 =	vmul.f32 v38, v0;
	v30 =	vadd.f32 v32, v32;
	v23 =	vadd.f32 v24, v23;
	v24 =	vld.idx.msk [tilespmem:v43+s4+$0x0], $0xffff  }
0x14e: {  	v25 =	vmul.f32 v46, v5;
	v46 =	vld.idx.msk [tilespmem:v57+s4+$0x0], $0xffff;
	v33 =	vadd.f32 v45, v33;
	v35 =	vsub.f32 $1.500000000e+00, v47  }
0x14f: {  	v44 =	vmul.f32 v44, v61;
	v62 =	vadd.f32 v48, v62;
	v36 =	vadd.f32 v48, v36;
	v48 =	vld.idx.msk [tilespmem:v58+s4+$0x0], $0xffff  }
0x150: {  	v35 =	vmul.f32 v35, v60;
	v23 =	vadd.f32 v29, v23;
	v29 =	vmul.f32 v40, v42;
	v40 =	vld.idx.msk [tilespmem:v49+s4+$0x0], $0xffff  }
0x151: {  	v43 =	vadd.f32 v25, v25;
	v47 =	vadd.f32 v38, v38;
	v26 =	vmul.f32 v26, v59;
	v60 =	vld.idx.msk [tilespmem:v52+s4+$0x0], $0xffff  }
0x152: {  	v23 =	vmul.f32 v35, v23;
	v35 =	vld.idx.msk [tilespmem:v51+s4+$0x0], $0xffff;
	v49 =	vadd.f32 v29, v29;
	v13 =	vadd.f32 v24, v13  }
0x153: {  	v19 =	vor.u32 $0x380, v17;
	v24 =	vadd.f32 v24, v28;
	v28 =	vadd.f32 v45, v31;
	v45 =	vld.idx.msk [tilespmem:v56+s4+$0x0], $0xffff  }
0x154: {  	v50 =	vadd.f32 v44, v44;
	v52 =	vadd.f32 v26, v26;
	v55 =	vmul.f32 $7.812500000e-03, v23;
	v23 =	vld.idx.msk [tilespmem:v53+s4+$0x0], $0xffff  }
0x155: {  	v31 =	vld.idx.msk [tilespmem:v54+s4+$0x0], $0xffff;
	v56 =	vmul.f32 v62, v62;
	v58 =	vadd.f32 v46, v49;
	v30 =	vadd.f32 v40, v30  }
0x156: {  	v13 =	vmul.f32 v13, v13;
	v32 =	vadd.f32 v40, v32;
	v4 =	vadd.f32 v60, v4  }
0x157: {  	v28 =	vmul.f32 v28, v28;
	v40 =	vld.idx.msk [tilespmem:v7+s4+$0x0], $0xffff;
	v2 =	vadd.f32 v60, v6;
	v63 =	vadd.f32 v35, v63  }
0x158: {  	v60 =	vadd.f32 v48, v50;
	v4 =	vmul.f32 v4, v4;
	v57 =	vadd.f32 v45, v47  }
0x159: {  	v53 =	vmul.f32 v63, v63;
	v34 =	vadd.f32 v23, v34;
	v27 =	vadd.f32 v23, v27  }
0x15a: {  	v30 =	vmul.f32 v30, v30;
	v23 =	vadd.f32 v31, v43;
	v4 =	vadd.f32 v28, v4  }
0x15b: {  	v28 =	vmul.f32 v57, v57;
	v13 =	vadd.f32 v13, v53;
	v34 =	vmul.f32 v34, v34  }
0x15c: {  	v49 =	vmul.f32 v24, v18;
	v63 =	vadd.f32 v40, v52;
	v23 =	vmul.f32 v23, v23  }
0x15d: {  	v30 =	vadd.f32 v30, v34;
	v13 =	vadd.f32 v28, v13;
	v28 =	vmul.f32 v60, v60  }
0x15e: {  	v62 =	vmul.f32 v58, v58;
	v18 =	vmul.f32 v63, v63;
	v23 =	vadd.f32 v56, v23  }
0x15f: {  	s20 =	simm.s32 $0x9820;
	v17 =	vor.u32 $0x300, v11;
	v31 =	vadd.f32 v31, v25;
	v25 =	vadd.f32 v28, v30  }
0x160: {  	[tilespmem:s20+$0x20] =	vst v55;
	v4 =	vadd.f32 v62, v4;
	v24 =	vshra.s32 v13, $0x1;
	v18 =	vadd.f32 v18, v23  }
0x161: {  	v11 =	vmovc v5;
	v5 =	vld [tilespmem:$0x1FED0];
	v23 =	vsub.s32 $0x5F3759DF, v24;
	v24 =	vshra.s32 v25, $0x1;
	v30 =	vmul.f32 $5.000000000e-01, v25  }
0x162: {  	v24 =	vsub.s32 $0x5F3759DF, v24  }
0x163: {  	v21 =	vld.idx.msk [tilespmem:v21+s4+$0x0], $0xffff;
	v28 =	vshra.s32 v4, $0x1;
	v53 =	vmul.f32 v24, v30  }
0x164: {  	v57 =	vld.idx.msk [tilespmem:v15+s4+$0x0], $0xffff;
	v25 =	vsub.s32 $0x5F3759DF, v28;
	v28 =	vshra.s32 v18, $0x1  }
0x165: {  	v50 =	vmul.f32 $5.000000000e-01, v18;
	v18 =	vadd.f32 v45, v38;
	v38 =	vmul.f32 v24, v53  }
0x166: {  	v20 =	vld.idx.msk [tilespmem:v20+s4+$0x0], $0xffff  }
0x167: {  	v9 =	vld.idx.msk [tilespmem:v9+s4+$0x0], $0xffff;
	v60 =	vsub.f32 $1.500000000e+00, v38  }
0x168: {  	v16 =	vor.u32 $0x300, v16;
	v62 =	vld.idx.msk [tilespmem:v17+s4+$0x0], $0xffff;
	v13 =	vmul.f32 $5.000000000e-01, v13  }
0x169: {  	v4 =	vmul.f32 $5.000000000e-01, v4;
	v17 =	vmul.f32 v24, v60;
	v24 =	vadd.f32 v21, v57;
	v21 =	vld.idx.msk [tilespmem:v5+s4+$0x0], $0xffff  }
0x16a: {  	v51 =	vmul.f32 v23, v13;
	v5 =	vld [tilespmem:$0x1FEE0]  }
0x16b: {  	v3 =	vadd.s32 $0x400, v10;
	v52 =	vld.idx.msk [tilespmem:v22+s4+$0x0], $0xffff;
	v28 =	vsub.s32 $0x5F3759DF, v28;
	v22 =	vmul.f32 v25, v4  }
0x16c: {  	v54 =	vld.idx.msk [tilespmem:v19+s4+$0x0], $0xffff;
	v19 =	vadd.f32 v46, v29;
	v43 =	vmul.f32 v23, v51;
	v29 =	vmul.f32 v28, v50  }
0x16d: {  	v33 =	vmul.f32 v33, v8;
	v35 =	vadd.f32 v35, v39;
	v1 =	vld [tilespmem:$0x1FEC0];
	v56 =	vmul.f32 v25, v22  }
0x16e: {  	v10 =	vmul.f32 v32, v14;
	v15 =	vsub.f32 $1.500000000e+00, v43;
	v8 =	vmul.f32 v28, v29;
	v29 =	vld.idx.msk [tilespmem:v16+s4+$0x0], $0xffff  }
0x16f: {  	v27 =	vmul.f32 v27, v37;
	v58 =	vsub.f32 $1.500000000e+00, v56;
	v5 =	vmul.f32 v2, v5;
	v2 =	vld [tilespmem:$0x1FEF0]  }
0x170: {  	v63 =	vmul.f32 v36, v12;
	v16 =	vmul.f32 v23, v15;
	v8 =	vsub.f32 $1.500000000e+00, v8  }
0x171: {  	v10 =	vadd.f32 v10, v27;
	v14 =	vadd.f32 v54, v62;
	v15 =	vmul.f32 v25, v58  }
0x172: {  	v23 =	vadd.f32 v20, v9;
	v9 =	vmul.f32 v16, v13;
	v8 =	vmul.f32 v28, v8  }
0x173: {  	v22 =	vadd.f32 v48, v44;
	v13 =	vmul.f32 v15, v4;
	v4 =	vmul.f32 v35, v1  }
0x174: {  	v1 =	vadd.f32 v52, v29;
	v28 =	vmul.f32 v17, v30;
	v29 =	vmul.f32 v8, v50  }
0x175: {  	v7 =	vld.idx.msk [tilespmem:v41+s4+$0x0], $0xffff;
	v25 =	vadd.f32 v40, v26;
	v26 =	vmul.f32 v9, v16;
	v9 =	vmul.f32 v31, v11  }
0x176: {  	v36 =	vld.idx.msk [tilespmem:v3+s4+$0x0], $0xffff;
	v4 =	vadd.f32 v49, v4;
	v13 =	vmul.f32 v13, v15;
	v11 =	vmul.f32 v28, v17  }
0x177: {  	s9 =	simm.s32 $0x0;
	s10 =	simm.s32 $0x4870;
	s21 =	simm.s32 $0x9820;
	v9 =	vadd.f32 v63, v9;
	v27 =	vmul.f32 v29, v8;
	v5 =	vadd.f32 v33, v5;
	v20 =	vld.idx.msk [tilespmem:v2+s4+$0x0], $0xffff  }
.LBB2_6:
0x178: {  	v29 =	vld [tilespmem:s10+$0x0]  }
0x179: {  	v0 =	vmul.f32 v18, v0;
	v18 =	vsub.f32 $1.500000000e+00, v26;
	v26 =	vld [tilespmem:s10+$0xFFFFFFF0]  }
0x17a: {  	v28 =	vld [tilespmem:s10+$0x20];
	s0 =	sadd.s32 $0x50, s0  }
0x17b: {  	s2 =	sadd.s32 $0x50, s2;
	v41 =	vld [tilespmem:s0+$0x20]  }
0x17c: {  	v19 =	vmul.f32 v19, v42;
	v43 =	vld [tilespmem:s2+$0x20];
	v0 =	vadd.f32 v0, v4  }
0x17d: {  	s19 =	sadd.s32 $0x50, s19;
	v13 =	vsub.f32 $1.500000000e+00, v13;
	v4 =	vld [tilespmem:s10+$0xFFFFFFE0];
	v2 =	vmul.f32 v18, v16  }
0x17e: {  	v47 =	vld [tilespmem:s19+$0x20];
	[tilespmem:$0x1FE00] =	vst v0;
	v0 =	vadd.f32 v19, v5;
	v56 =	vshra.s32 v29, $0xE;
	v51 =	vand.u32 $0x7F, v26  }
0x17f: {  	v18 =	vld [tilespmem:s10+$0x10];
	v5 =	vshrl.u32 v28, $0x7;
	v52 =	vand.u32 $0x7F, v29;
	v60 =	vadd.s32 $0x100, v56  }
0x180: {  	v48 =	vand.u32 $0x7F, v5;
	v5 =	vshrl.u32 v29, $0x7;
	v37 =	vor.u32 $0x180, v52;
	v29 =	vld [tilespmem:s0+$0xFFFFFFE0]  }
0x181: {  	[tilespmem:$0x1FE20] =	vst v0;
	v0 =	vmul.f32 v13, v15;
	v15 =	vld [tilespmem:s2+$0xFFFFFFF0];
	v30 =	vor.u32 $0x200, v48  }
0x182: {  	v22 =	vmul.f32 v22, v61;
	v55 =	vshra.s32 v26, $0xE;
	v13 =	vld [tilespmem:s2+$0x0];
	v50 =	vand.u32 $0x7F, v4  }
0x183: {  	v58 =	vadd.s32 $0x100, v55;
	v33 =	vld.idx.msk [tilespmem:v51+s4+$0x0], $0xffff  }
0x184: {  	v5 =	vand.u32 $0x7F, v5;
	[tilespmem:$0x1FE40] =	vst v0;
	v0 =	vadd.f32 v22, v10;
	v10 =	vand.u32 $0x7F, v28;
	v60 =	vld.idx.msk [tilespmem:v60+s4+$0x0], $0xffff  }
0x185: {  	v11 =	vsub.f32 $1.500000000e+00, v11;
	v16 =	vsub.f32 $1.500000000e+00, v27;
	v27 =	vor.u32 $0x80, v5;
	v37 =	vld.idx.msk [tilespmem:v37+s4+$0x0], $0xffff  }
0x186: {  	v54 =	vshra.s32 v4, $0xE;
	v53 =	vand.u32 $0x7F, v18;
	v62 =	vld.idx.msk [tilespmem:v30+s4+$0x0], $0xffff  }
0x187: {  	v25 =	vmul.f32 v25, v59;
	v57 =	vadd.s32 $0x100, v54;
	[tilespmem:$0x1FE50] =	vst v0;
	v0 =	vmul.f32 v11, v17;
	v6 =	vld.idx.msk [tilespmem:v50+s4+$0x0], $0xffff  }
0x188: {  	v42 =	vadd.f32 v21, v23;
	v49 =	vshra.s32 v28, $0xE;
	v19 =	vshrl.u32 v18, $0x7;
	v58 =	vld.idx.msk [tilespmem:v58+s4+$0x0], $0xffff  }
0x189: {  	v19 =	vand.u32 $0x7F, v19;
	v11 =	vor.u32 $0x80, v48;
	[tilespmem:$0x1FE70] =	vst v0;
	v0 =	vadd.f32 v25, v9;
	v28 =	vld.idx.msk [tilespmem:v10+s4+$0x0], $0xffff  }
0x18a: {  	v32 =	vadd.s32 $0x280, v49;
	v21 =	vshrl.u32 v4, $0x7;
	v31 =	vor.u32 $0x80, v19;
	v27 =	vld.idx.msk [tilespmem:v27+s4+$0x0], $0xffff  }
0x18b: {  	v9 =	vshrl.u32 v26, $0x7;
	v34 =	vld.idx.msk [tilespmem:v53+s4+$0x0], $0xffff;
	[tilespmem:$0x1FE60] =	vst v0;
	v0 =	vadd.f32 v20, v24;
	v20 =	vadd.s32 $0x100, v49  }
0x18c: {  	v21 =	vand.u32 $0x7F, v21;
	v9 =	vand.u32 $0x7F, v9;
	v57 =	vld.idx.msk [tilespmem:v57+s4+$0x0], $0xffff;
	v24 =	vor.u32 $0x180, v10  }
0x18d: {  	v23 =	vor.u32 $0x80, v9;
	v46 =	vor.u32 $0x200, v9;
	v3 =	vor.u32 $0x380, v9;
	v9 =	vld.idx.msk [tilespmem:v52+s4+$0x0], $0xffff  }
0x18e: {  	v25 =	vor.u32 $0x80, v21;
	v11 =	vld.idx.msk [tilespmem:v11+s4+$0x0], $0xffff  }
0x18f: {  	v36 =	vadd.f32 v36, v14;
	v48 =	vor.u32 $0x380, v48;
	v12 =	vld.idx.msk [tilespmem:v31+s4+$0x0], $0xffff  }
0x190: {  	v7 =	vadd.f32 v7, v1;
	v16 =	vmul.f32 v16, v8;
	v40 =	vor.u32 $0x200, v19;
	v20 =	vld.idx.msk [tilespmem:v20+s4+$0x0], $0xffff  }
0x191: {  	v39 =	vor.u32 $0x180, v51;
	v17 =	vadd.s32 $0x280, v54;
	v49 =	vadd.s32 $0x400, v49;
	[tilespmem:$0x1FE80] =	vst v3;
	v59 =	vld.idx.msk [tilespmem:v24+s4+$0x0], $0xffff  }
0x192: {  	v3 =	vor.u32 $0x300, v50;
	[tilespmem:$0x1FE30] =	vst v0;
	v0 =	vld.idx.msk [tilespmem:v32+s4+$0x0], $0xffff;
	v32 =	vadd.s32 $0x280, v56;
	v24 =	vmul.f32 v28, v41  }
0x193: {  	[tilespmem:$0x1FEA0] =	vst v3;
	v3 =	vor.u32 $0x380, v19;
	v63 =	vld.idx.msk [tilespmem:v25+s4+$0x0], $0xffff;
	v25 =	vadd.s32 $0x280, v55;
	v26 =	vmul.f32 v11, v43  }
0x194: {  	v48 =	vld.idx.msk [tilespmem:v48+s4+$0x0], $0xffff;
	[tilespmem:$0x1FE90] =	vst v3;
	v3 =	vadd.s32 $0x400, v54;
	v54 =	vor.u32 $0x300, v52;
	v4 =	vadd.f32 v24, v24  }
0x195: {  	v40 =	vld.idx.msk [tilespmem:v40+s4+$0x0], $0xffff;
	v52 =	vadd.s32 $0x400, v55;
	v11 =	vadd.f32 v26, v26;
	v20 =	vmul.f32 v20, v47  }
0x196: {  	[tilespmem:$0x1FE10] =	vst v2;
	v55 =	vadd.s32 $0x400, v56;
	v56 =	vor.u32 $0x300, v10;
	v2 =	vld.idx.msk [tilespmem:v23+s4+$0x0], $0xffff;
	v4 =	vadd.f32 v59, v4  }
0x197: {  	v18 =	vshra.s32 v18, $0xE;
	v28 =	vld [tilespmem:s0+$0xFFFFFFF0];
	v11 =	vadd.f32 v62, v11;
	v23 =	vadd.f32 v20, v20  }
0x198: {  	v45 =	vor.u32 $0x200, v21;
	v61 =	vadd.s32 $0x100, v18;
	v31 =	vor.u32 $0x380, v21;
	[tilespmem:$0x1FEB0] =	vst v3;
	v3 =	vld [tilespmem:$0x1FE00]  }
0x199: {  	v49 =	vld.idx.msk [tilespmem:v49+s4+$0x0], $0xffff;
	v11 =	vmul.f32 v11, v11;
	v21 =	vadd.f32 v0, v23;
	v23 =	vmul.f32 v4, v4  }
0x19a: {  	v44 =	vor.u32 $0x200, v5;
	v38 =	vor.u32 $0x180, v50;
	v22 =	vor.u32 $0x180, v53;
	v46 =	vld.idx.msk [tilespmem:v46+s4+$0x0], $0xffff  }
0x19b: {  	v51 =	vor.u32 $0x300, v51;
	v8 =	vld.idx.msk [tilespmem:v56+s4+$0x0], $0xffff;
	v11 =	vadd.f32 v11, v23;
	v19 =	vmul.f32 v21, v21  }
0x19c: {  	v30 =	vadd.s32 $0x280, v18;
	v1 =	vmul.f32 v33, v28;
	v33 =	vld [tilespmem:s2+$0x10];
	v24 =	vadd.f32 v59, v24  }
0x19d: {  	v35 =	vmul.f32 v6, v29;
	v27 =	vmul.f32 v27, v13;
	v59 =	vld [tilespmem:$0x1FE30];
	v19 =	vadd.f32 v19, v11  }
0x19e: {  	v26 =	vadd.f32 v62, v26;
	v2 =	vmul.f32 v2, v15;
	v24 =	vmul.f32 v24, v41;
	v41 =	vld.idx.msk [tilespmem:v61+s4+$0x0], $0xffff  }
0x19f: {  	v20 =	vadd.f32 v0, v20;
	v61 =	vld [tilespmem:$0x1FE10];
	v10 =	vshra.s32 v19, $0x1;
	v19 =	vmul.f32 $5.000000000e-01, v19  }
0x1a0: {  	v26 =	vmul.f32 v26, v43;
	v8 =	vadd.f32 v48, v8;
	v0 =	vld [tilespmem:s19+$0xFFFFFFE0];
	v10 =	vsub.s32 $0x5F3759DF, v10  }
0x1a1: {  	v42 =	vadd.f32 v42, v3;
	v20 =	vmul.f32 v20, v47;
	v47 =	vld [tilespmem:$0x1FE20];
	v6 =	vmul.f32 v10, v19  }
0x1a2: {  	v18 =	vadd.s32 $0x400, v18;
	v62 =	vadd.f32 v27, v27;
	v8 =	vadd.f32 v49, v8;
	v49 =	vld [tilespmem:$0x1FE50]  }
0x1a3: {  	v3 =	vadd.f32 v2, v2;
	v24 =	vadd.f32 v26, v24;
	v23 =	vld [tilespmem:s2+$0xFFFFFFE0];
	v6 =	vmul.f32 v10, v6  }
0x1a4: {  	v2 =	vadd.f32 v46, v2;
	v21 =	vor.u32 $0x300, v53;
	v53 =	vld [tilespmem:s0+$0x0];
	v48 =	vmul.f32 v61, v42  }
0x1a5: {  	v50 =	vor.u32 $0x380, v5;
	v20 =	vadd.f32 v20, v24;
	v24 =	vld.idx.msk [tilespmem:v45+s4+$0x0], $0xffff;
	v6 =	vsub.f32 $1.500000000e+00, v6  }
0x1a6: {  	v3 =	vadd.f32 v46, v3;
	v12 =	vmul.f32 v12, v33;
	v26 =	vmul.f32 $7.812500000e-03, v48;
	v48 =	vld [tilespmem:$0x1FE40]  }
0x1a7: {  	v56 =	vadd.f32 v1, v1;
	v2 =	vmul.f32 v2, v15;
	v61 =	vld [tilespmem:s19+$0x0];
	v10 =	vmul.f32 v10, v6  }
0x1a8: {  	v3 =	vmul.f32 v3, v3;
	v43 =	vadd.f32 v12, v12;
	v42 =	vld [tilespmem:s19+$0xFFFFFFF0];
	v12 =	vadd.f32 v40, v12  }
0x1a9: {  	v8 =	vadd.f32 v8, v20;
	v20 =	vld.idx.msk [tilespmem:v44+s4+$0x0], $0xffff;
	v47 =	vadd.f32 v59, v47;
	v19 =	vmul.f32 v10, v19  }
0x1aa: {  	v11 =	vadd.f32 v35, v35;
	v14 =	vmul.f32 v63, v23;
	v63 =	vld [tilespmem:s0+$0x10];
	v9 =	vmul.f32 v9, v53  }
0x1ab: {  	v7 =	vadd.f32 v7, v49;
	v45 =	vmul.f32 v48, v47;
	v48 =	vld [tilespmem:$0x1FE60];
	v19 =	vmul.f32 v19, v10  }
0x1ac: {  	[tilespmem:s20+$0xFFFFFFE0] =	vst v26;
	v26 =	vld [tilespmem:$0x1FE70];
	v44 =	vmul.f32 v60, v61;
	v4 =	vadd.f32 v14, v14;
	v5 =	vadd.f32 v9, v9  }
0x1ad: {  	v12 =	vmul.f32 v12, v33;
	v38 =	vld.idx.msk [tilespmem:v38+s4+$0x0], $0xffff;
	v14 =	vadd.f32 v24, v14;
	v19 =	vsub.f32 $1.500000000e+00, v19  }
0x1ae: {  	v49 =	vld.idx.msk [tilespmem:v39+s4+$0x0], $0xffff;
	v9 =	vadd.f32 v37, v9;
	v47 =	vmul.f32 v57, v0;
	v57 =	vadd.f32 v44, v44  }
0x1af: {  	v4 =	vadd.f32 v24, v4;
	v24 =	vld.idx.msk [tilespmem:v25+s4+$0x0], $0xffff;
	v25 =	vadd.f32 v20, v27;
	v10 =	vmul.f32 v19, v10  }
0x1b0: {  	v22 =	vld.idx.msk [tilespmem:v22+s4+$0x0], $0xffff;
	v9 =	vmul.f32 v9, v53;
	v34 =	vmul.f32 v34, v63;
	v36 =	vadd.f32 v36, v48  }
0x1b1: {  	v59 =	vld [tilespmem:s19+$0x10];
	v7 =	vmul.f32 v26, v7;
	v26 =	vadd.f32 v47, v47;
	v10 =	vmul.f32 v10, v8  }
0x1b2: {  	v27 =	vld.idx.msk [tilespmem:v32+s4+$0x0], $0xffff;
	v11 =	vadd.f32 v38, v11;
	v32 =	vadd.f32 v38, v35;
	v16 =	vmul.f32 v16, v36  }
0x1b3: {  	v38 =	vadd.f32 v49, v1;
	v19 =	vmul.f32 v58, v42;
	v10 =	vmul.f32 $7.812500000e-03, v10  }
0x1b4: {  	v30 =	vld.idx.msk [tilespmem:v30+s4+$0x0], $0xffff;
	s20 =	sadd.s32 $0x50, s20;
	v4 =	vmul.f32 v4, v4;
	v1 =	vadd.f32 v37, v5;
	v6 =	vadd.f32 v34, v34  }
0x1b5: {  	v48 =	vadd.f32 v19, v19;
	[tilespmem:s20+$0x20] =	vst v10;
	v10 =	vmul.f32 $7.812500000e-03, v16;
	v16 =	vld.idx.msk [tilespmem:v17+s4+$0x0], $0xffff;
	v17 =	vadd.f32 v20, v62  }
0x1b6: {  	v8 =	vmul.f32 v41, v59;
	v20 =	vadd.f32 v40, v43;
	v43 =	vadd.f32 v49, v56  }
0x1b7: {  	v5 =	vld [tilespmem:$0x1FE80];
	v11 =	vmul.f32 v11, v11;
	v1 =	vmul.f32 v1, v1;
	v6 =	vadd.f32 v22, v6  }
0x1b8: {  	v60 =	vadd.f32 v8, v8;
	v46 =	vadd.f32 v24, v48;
	v48 =	vld [tilespmem:$0x1FE90];
	v35 =	vmul.f32 v43, v43  }
0x1b9: {  	v4 =	vadd.f32 v4, v11;
	v11 =	vld.idx.msk [tilespmem:v50+s4+$0x0], $0xffff;
	v6 =	vmul.f32 v6, v6;
	v17 =	vmul.f32 v17, v17  }
0x1ba: {  	v50 =	vld.idx.msk [tilespmem:v51+s4+$0x0], $0xffff;
	v51 =	vadd.f32 v30, v60;
	v20 =	vmul.f32 v20, v20;
	v3 =	vadd.f32 v3, v35  }
0x1bb: {  	v1 =	vadd.f32 v17, v1;
	v17 =	vmul.f32 v46, v46;
	v26 =	vadd.f32 v16, v26  }
0x1bc: {  	v39 =	vadd.f32 v27, v57;
	v58 =	vmul.f32 $7.812500000e-03, v45;
	v6 =	vadd.f32 v20, v6  }
0x1bd: {  	v3 =	vadd.f32 v17, v3;
	v17 =	vmul.f32 v51, v51;
	v26 =	vmul.f32 v26, v26  }
0x1be: {  	v34 =	vadd.f32 v22, v34;
	v49 =	vld [tilespmem:$0x1FEA0];
	v56 =	vmul.f32 v14, v23;
	v20 =	vmul.f32 v39, v39  }
0x1bf: {  	v14 =	vld.idx.msk [tilespmem:v21+s4+$0x0], $0xffff;
	v23 =	vshra.s32 v3, $0x1;
	v6 =	vadd.f32 v17, v6;
	v4 =	vadd.f32 v26, v4  }
0x1c0: {  	v35 =	vld.idx.msk [tilespmem:v48+s4+$0x0], $0xffff;
	v1 =	vadd.f32 v20, v1;
	[tilespmem:s21+$0x10] =	vst v10;
	v3 =	vmul.f32 $5.000000000e-01, v3;
	v10 =	vsub.s32 $0x5F3759DF, v23  }
0x1c1: {  	v36 =	vld.idx.msk [tilespmem:v18+s4+$0x0], $0xffff;
	v18 =	vshra.s32 v6, $0x1;
	v6 =	vmul.f32 $5.000000000e-01, v6;
	v22 =	vshra.s32 v4, $0x1  }
0x1c2: {  	v5 =	vld.idx.msk [tilespmem:v5+s4+$0x0], $0xffff;
	[tilespmem:s21+$0xFFFFFFF0] =	vst v58;
	v4 =	vmul.f32 $5.000000000e-01, v4;
	v58 =	vsub.s32 $0x5F3759DF, v18;
	v18 =	vadd.f32 v16, v47  }
0x1c3: {  	v17 =	vsub.s32 $0x5F3759DF, v22;
	v22 =	vshra.s32 v1, $0x1;
	v1 =	vmul.f32 $5.000000000e-01, v1  }
0x1c4: {  	v16 =	vmul.f32 v10, v3;
	v23 =	vmul.f32 v17, v4;
	v57 =	vsub.s32 $0x5F3759DF, v22  }
0x1c5: {  	v19 =	vadd.f32 v24, v19;
	v24 =	vmul.f32 v58, v6;
	v60 =	vmul.f32 v57, v1  }
0x1c6: {  	v31 =	vld.idx.msk [tilespmem:v31+s4+$0x0], $0xffff;
	v16 =	vmul.f32 v10, v16;
	v23 =	vmul.f32 v17, v23  }
0x1c7: {  	v21 =	vld [tilespmem:$0x1FEB0];
	v22 =	vadd.f32 v27, v44;
	v15 =	vmul.f32 v58, v24;
	v27 =	vmul.f32 v57, v60  }
0x1c8: {  	v7 =	vmul.f32 $7.812500000e-03, v7;
	v37 =	vld.idx.msk [tilespmem:v49+s4+$0x0], $0xffff;
	v24 =	vsub.f32 $1.500000000e+00, v16;
	v23 =	vsub.f32 $1.500000000e+00, v23  }
0x1c9: {  	v62 =	vmul.f32 v25, v13;
	v13 =	vsub.f32 $1.500000000e+00, v27;
	v27 =	vsub.f32 $1.500000000e+00, v15  }
0x1ca: {  	v26 =	vld.idx.msk [tilespmem:v54+s4+$0x0], $0xffff;
	v15 =	vmul.f32 v10, v24;
	v24 =	vadd.f32 v5, v50;
	v5 =	vmul.f32 v38, v28  }
0x1cb: {  	s9 =	sadd.s32 $0x50, s9;
	v25 =	vadd.f32 v30, v8;
	v28 =	vmul.f32 v34, v63;
	v16 =	vmul.f32 v17, v23  }
0x1cc: {  	p1 =	slt.u32 s9, $0xF50;
	v14 =	vadd.f32 v35, v14;
	v17 =	vmul.f32 v57, v13;
	v8 =	vmul.f32 v58, v27  }
.Ltmp6:
0x1cd: {  	v23 =	vadd.f32 v31, v37;
	v3 =	vmul.f32 v15, v3;
	v10 =	vmul.f32 v16, v4;
	(pc) =	sbr.rel @p1 .LBB2_6-.Ltmp6, $4  }
0x1ce: {  	v20 =	vld.idx.msk [tilespmem:v52+s4+$0x0], $0xffff;
	v5 =	vadd.f32 v2, v5;
	v4 =	vmul.f32 v32, v29;
	v27 =	vmul.f32 v17, v1  }
0x1cf: {  	v21 =	vld.idx.msk [tilespmem:v21+s4+$0x0], $0xffff;
	v1 =	vadd.f32 v11, v26;
	v6 =	vmul.f32 v8, v6;
	v13 =	vmul.f32 v3, v15  }
0x1d0: {  	[tilespmem:s21+$0x0] =	vst v7;
	v4 =	vadd.f32 v56, v4;
	v26 =	vmul.f32 v10, v16;
	v10 =	vadd.f32 v62, v9  }
0x1d1: {  	s10 =	sadd.s32 $0x50, s10;
	s21 =	smov.u32 s20;
	v7 =	vld.idx.msk [tilespmem:v55+s4+$0x0], $0xffff;
	v9 =	vadd.f32 v12, v28;
	v11 =	vmul.f32 v27, v17;
	v27 =	vmul.f32 v6, v8  }
0x1d2: {  	v0 =	vmul.f32 v18, v0;
	v2 =	vsub.f32 $1.500000000e+00, v26;
	v6 =	vsub.f32 $1.500000000e+00, v13  }
0x1d3: {  	v3 =	vmul.f32 v19, v42;
	v58 =	vadd.f32 v36, v14;
	v11 =	vsub.f32 $1.500000000e+00, v11  }
0x1d4: {  	v12 =	vmul.f32 v22, v61;
	v52 =	vsub.f32 $1.500000000e+00, v27;
	v56 =	vadd.f32 v20, v24  }
0x1d5: {  	v53 =	vmul.f32 v25, v59;
	v0 =	vadd.f32 v0, v4;
	v55 =	vadd.f32 v21, v23  }
0x1d6: {  	v3 =	vadd.f32 v3, v5;
	v54 =	vadd.f32 v12, v10  }
0x1d7: {  	v9 =	vadd.f32 v53, v9;
	v2 =	vmul.f32 v2, v16;
	v0 =	vadd.f32 v55, v0  }
0x1d8: {  	v57 =	vmul.f32 v6, v15;
	v1 =	vadd.f32 v7, v1;
	v3 =	vadd.f32 v56, v3  }
0x1d9: {  	v60 =	vmul.f32 v52, v8;
	v61 =	vadd.f32 v58, v9;
	v0 =	vmul.f32 v2, v0  }
0x1da: {  	v59 =	vmul.f32 v11, v17;
	v1 =	vadd.f32 v1, v54;
	v3 =	vmul.f32 v57, v3  }
0x1db: {  	v2 =	vmul.f32 v60, v61;
	v0 =	vmul.f32 $7.812500000e-03, v0  }
0x1dc: {  	v1 =	vmul.f32 v59, v1;
	v3 =	vmul.f32 $7.812500000e-03, v3  }
.Ltmp7:
0x1dd: {  	v63 =	vmul.f32 $7.812500000e-03, v2;
	[tilespmem:s20+$0xFFFFFFE0] =	vst v0;
	(pc) =	sbr.rel .LBB2_8-.Ltmp7, $4  }
0x1de: {  	s0 =	smul.u32 $0x1F4, s30;
	v62 =	vmul.f32 $7.812500000e-03, v1;
	[tilespmem:s21+$0xFFFFFFF0] =	vst v3  }
0x1df: {  	[tilespmem:s21+$0x10] =	vst v63  }
0x1e0: {  	s0 =	sadd.s32 s3, s0;
	[tilespmem:s21+$0x0] =	vst v62  }
0x1e1: {  	[hbm4b:s0+s4] =	stream.linear.scatter [tilespmem:s25], [sflag:$0x4], $0xFA0, $0x38;
	[tilespmem:$0xA800] =	vst v63  }
.LBB2_10:
0x1e2: {  	_ =	sfence.sel $0x180000  }
0x1e3: {  	[bflag:$0x0] =	sbarrier.arrive $0xFFFF  }
0x1e4: {  	_ =	strace $0x9000004A  }
0x1e5: {  	s0 =	stileid.u32;
	[bflag:$0x2] =	sbarrier.arrive $0xFFFF  }
0x1e6: {  	p0 =	sne.s32 s0, $0x0;
	s0 =	rddreg [dreg:$0x3]  }
0x1e7: {  	s0 =	sadd.s32 @!p0 $0x100000, s0  }
0x1e8: {  	[sflag:s0] =	ssyncadd.tile.s32 @!p0 $0x1;
	_ =	shalt  }
.Lfunc_end2:
_tile_overlayer_lowered:
.L_overlay_start_2:
0x1e9: {  	(tag) =	ssettag $0x2  }
0x1ea: {  	s0 =	rddreg [dreg:$0x0];
	s2 =	stileid.u32  }
0x1eb: {  	s1 =	rddreg [dreg:$0x1];
	p0 =	sne.s32 s2, $0x0  }
0x1ec: {  	s3 =	rddreg [dreg:$0x2];
	[bflag:$0x3] =	sbarrier.arrive $0xFFFF;
	s2 =	simm.s32 @!p0 $0x1C05  }
0x1ed: {  	[timem:s3], [sflag:s2] =	dma.local @!p0 [hbm:s0], s1  }
0x1ee: {  	s0 =	simm.s32 @!p0 $0x5  }
0x1ef: {  	_ =	swait.ge @!p0 [sflag:s0], s1  }
0x1f0: {  	s1 =	ssub.s32 @!p0 $0x0, s1;
	[sflag:s0] =	ssyncset.done @!p0 $0x0  }
0x1f1: {  	[sflag:s0] =	ssyncadd.s32 @!p0 s1  }
0x1f2: {  	[bflag:$0x3] =	sbarrier.arrive $0xFFFF  }
0x1f3: {  	_ =	shalt  }

</sc_bundles>
